<compile_context>
chip_gen: v7x
topology: tpu7x:2x2x1
jax: 0.10.2.dev20260603
libtpu: 0.0.44.dev20260713+nightly
codegen_flags: <defaults>
</compile_context>

<pallas_src>
import functools

import jax
import jax.numpy as jnp
from jax import lax
from jax.experimental import pallas as pl
from jax.experimental.pallas import tpu as pltpu
from jax.experimental.pallas import tpu_sc as plsc

N = 10000
E = 320000
D = 128

NC = 2
NS = 16
NW = NC * NS
C = 125
ROWS = E // C
CPW = ROWS // NW
NP = 10240
NPT = NP // NS

NB = 2
NITER = CPW // NB

def _agg_body(zeros_hbm, h_hbm, e_hbm, out_hbm,
              src_v, dstr, msg_v, gsem, dsem, agg_sh):
    c = lax.axis_index("c")
    s = lax.axis_index("s")
    w = c * NS + s
    pltpu.sync_copy(e_hbm.at[0, pl.ds(w * CPW, CPW)], src_v)

    def fire(j, b):
        pltpu.async_copy(h_hbm.at[src_v.at[j, 0]], msg_v.at[b], gsem.at[b])
        pltpu.async_copy(e_hbm.at[1, w * CPW + j], dstr.at[b], dsem.at[b])

    for b in range(NB):
        fire(b, b)

    pltpu.sync_copy(
        zeros_hbm.at[pl.ds(s * NPT, NPT)], agg_sh.at[pl.ds(s * NPT, NPT)]
    )
    plsc.subcore_barrier()

    def step(jj, carry):
        base = jj * NB
        for b in range(NB):
            j = base + b
            pltpu.make_async_copy(
                h_hbm.at[src_v.at[j, 0]], msg_v.at[b], gsem.at[b]
            ).wait()
            pltpu.make_async_copy(
                e_hbm.at[1, w * CPW + j], dstr.at[b], dsem.at[b]
            ).wait()
            pltpu.sync_copy(msg_v.at[b], agg_sh.at[dstr.at[b, 0]], add=True)

            @pl.when(jj < NITER - 1)
            def _refire():
                fire(j + NB, b)

        return carry

    lax.fori_loop(0, NITER, step, 0)
    plsc.subcore_barrier()
    pltpu.sync_copy(
        agg_sh.at[pl.ds(s * NPT, NPT)], out_hbm.at[c, pl.ds(s * NPT, NPT)]
    )


def _deg_body(zeros_hbm, ones_hbm, e_hbm, out_hbm,
              dstr, ones_v, dsem, deg_sh):
    c = lax.axis_index("c")
    s = lax.axis_index("s")
    w = c * NS + s
    pltpu.sync_copy(ones_hbm, ones_v)

    for b in range(NB):
        pltpu.async_copy(e_hbm.at[1, w * CPW + b], dstr.at[b], dsem.at[b])

    pltpu.sync_copy(
        zeros_hbm.at[pl.ds(s * NPT, NPT)], deg_sh.at[pl.ds(s * NPT, NPT)]
    )
    plsc.subcore_barrier()

    def step(jj, carry):
        base = jj * NB
        for b in range(NB):
            j = base + b
            pltpu.make_async_copy(
                e_hbm.at[1, w * CPW + j], dstr.at[b], dsem.at[b]
            ).wait()
            pltpu.sync_copy(ones_v, deg_sh.at[dstr.at[b, 0]], add=True)

            @pl.when(jj < NITER - 1)
            def _refire():
                pltpu.async_copy(
                    e_hbm.at[1, w * CPW + j + NB], dstr.at[b], dsem.at[b]
                )

        return carry

    lax.fori_loop(0, NITER, step, 0)
    plsc.subcore_barrier()
    pltpu.sync_copy(
        deg_sh.at[pl.ds(s * NPT, NPT)], out_hbm.at[c, pl.ds(s * NPT, NPT)]
    )


@functools.cache
def _sc_calls():
    mesh = plsc.VectorSubcoreMesh(
        core_axis_name="c", subcore_axis_name="s",
        num_cores=NC, num_subcores=NS,
    )
    agg = pl.kernel(
        _agg_body,
        out_type=jax.ShapeDtypeStruct((NC, NP, D), jnp.float32),
        mesh=mesh,
        scratch_types=[
            pltpu.VMEM((CPW, 1, C), jnp.int32),
            pltpu.VMEM((NB, 1, C), jnp.int32),
            pltpu.VMEM((NB, C, D), jnp.float32),
            pltpu.SemaphoreType.DMA((NB,)),
            pltpu.SemaphoreType.DMA((NB,)),
            pltpu.VMEM_SHARED((NP, D), jnp.float32),
        ],
    )
    deg = pl.kernel(
        _deg_body,
        out_type=jax.ShapeDtypeStruct((NC, NP, D), jnp.float32),
        mesh=mesh,
        scratch_types=[
            pltpu.VMEM((NB, 1, C), jnp.int32),
            pltpu.VMEM((C, D), jnp.float32),
            pltpu.SemaphoreType.DMA((NB,)),
            pltpu.VMEM_SHARED((NP, D), jnp.float32),
        ],
    )
    return agg, deg

_BF = 2000


def _rdeg_body(degp_ref, out_ref):
    deg = degp_ref[0, :, :1] + degp_ref[1, :, :1]
    out_ref[...] = 1.0 / jnp.maximum(deg, 1.0)


def _rdeg(degp):
    return pl.pallas_call(
        _rdeg_body,
        grid=(N // _BF,),
        in_specs=[pl.BlockSpec((NC, _BF, D), lambda i: (0, i, 0))],
        out_specs=pl.BlockSpec((_BF, 1), lambda i: (i, 0)),
        out_shape=jax.ShapeDtypeStruct((N, 1), jnp.float32),
    )(degp)


def _mm_body(h_ref, ws_ref, out_ref):
    out_ref[...] = jnp.dot(
        h_ref[...], ws_ref[...], preferred_element_type=jnp.float32
    )


def _mm(h, ws):
    return pl.pallas_call(
        _mm_body,
        grid=(N // _BF,),
        in_specs=[
            pl.BlockSpec((_BF, D), lambda i: (i, 0)),
            pl.BlockSpec((D, D), lambda i: (0, 0)),
        ],
        out_specs=pl.BlockSpec((_BF, D), lambda i: (i, 0)),
        out_shape=jax.ShapeDtypeStruct((N, D), jnp.float32),
    )(h, ws)


def _combine_body(relu, agg_ref, rdeg_ref, self_ref, wn_ref, out_ref):
    m = (agg_ref[0] + agg_ref[1]) * rdeg_ref[...]
    o = jnp.dot(m, wn_ref[...], preferred_element_type=jnp.float32)
    o += self_ref[...]
    if relu:
        o = jnp.maximum(o, 0.0)
    out_ref[...] = o


def _combine(agg, rdeg, selfp, wn, relu):
    return pl.pallas_call(
        functools.partial(_combine_body, relu),
        grid=(N // _BF,),
        in_specs=[
            pl.BlockSpec((NC, _BF, D), lambda i: (0, i, 0)),
            pl.BlockSpec((_BF, 1), lambda i: (i, 0)),
            pl.BlockSpec((_BF, D), lambda i: (i, 0)),
            pl.BlockSpec((D, D), lambda i: (0, 0)),
        ],
        out_specs=pl.BlockSpec((_BF, D), lambda i: (i, 0)),
        out_shape=jax.ShapeDtypeStruct((N, D), jnp.float32),
    )(agg, rdeg, selfp, wn)


def kernel(x, edge_index, Wn0, Ws0, Wn1, Ws1, Wn2, Ws2):
    e4 = edge_index.reshape(2, ROWS, 1, C)
    zeros_d = jnp.zeros((NP, D), jnp.float32)
    ones_c = jnp.ones((C, D), jnp.float32)

    agg_call, deg_call = _sc_calls()
    degp = deg_call(zeros_d, ones_c, e4)
    selfp = _mm(x, Ws0)
    rdeg = _rdeg(degp)
    h = x
    for i, (wn, ws) in enumerate(((Wn0, Ws0), (Wn1, Ws1), (Wn2, Ws2))):
        agg = agg_call(zeros_d, h, e4)
        h = _combine(agg, rdeg, selfp, wn, relu=(i < 2))
        if not last_layer(i):
            selfp = _mm(h, (Ws1, Ws2)[i])
    return h


def last_layer(i):
    return i == 2

# --- scband reference (transcript-rebuilt; emitter-appended) ---
"""Pipeline reference for scband-base-gnn-23785528886228 (READ-ONLY COPY).

The authoritative reference and input builder live on the scoring server;
editing this copy changes nothing except your own understanding.
"""

import jax, jax.numpy as jnp
import numpy as np

N = 10000
E = 320000
D = 128
L = 3


def setup_inputs(seed: int = 0) -> dict:
    key = jax.random.key(seed)
    ks = jax.random.split(key, 2 + 2 * L)
    x = jax.random.normal(ks[0], (N, D), dtype=jnp.float32)
    edge_index = jax.random.randint(ks[1], (2, E), 0, N, dtype=jnp.int32)
    inp = {"x": x, "edge_index": edge_index}
    # Learned parameters: 3 GraphSAGE-mean style layers (concrete realization of the
    # abstract initLayer), each with a neighbor-projection and a self-projection matrix.
    scale = 1.0 / np.sqrt(D)
    for i in range(L):
        inp[f"Wn{i}"] = jax.random.normal(ks[2 + 2 * i], (D, D), dtype=jnp.float32) * scale
        inp[f"Ws{i}"] = jax.random.normal(ks[3 + 2 * i], (D, D), dtype=jnp.float32) * scale
    return inp


def reference(x, edge_index, Wn0, Ws0, Wn1, Ws1, Wn2, Ws2):
    # Faithful GNN message-passing stack: out = model(x, edge_index).
    # Each layer: mean-aggregate neighbor messages (gather + scatter-add + degree
    # normalization), project neighbor agg and self features, ReLU between layers.
    src = edge_index[0]
    dst = edge_index[1]
    deg = jax.ops.segment_sum(jnp.ones((E,), dtype=jnp.float32), dst, num_segments=N)
    deg = jnp.maximum(deg, 1.0)[:, None]
    weights = [(Wn0, Ws0), (Wn1, Ws1), (Wn2, Ws2)]
    h = x
    for i, (Wn, Ws) in enumerate(weights):
        msg = jnp.take(h, src, axis=0)                       # gather (SparseCore)
        agg = jax.ops.segment_sum(msg, dst, num_segments=N)  # scatter-add
        agg = agg / deg
        h = agg @ Wn + h @ Ws
        if i < L - 1:
            h = jax.nn.relu(h)
    return h

if __name__ == "__main__":
    import jax
    _d = setup_inputs()
    print(jax.jit(kernel)(*tuple(_d.values())))

</pallas_src>

<mosaic_0001>
#map = affine_map<(d0, d1) -> (0, 0)>
#map1 = affine_map<(d0, d1) -> (0, 0, 0, 0)>
#map2 = affine_map<(d0, d1) -> (0, 0, 0)>
module attributes {stable_mosaic.version = 14 : i64} {
  func.func @_agg_body(%arg0: i32, %arg1: i32, %arg2: memref<10240x128xf32, #tpu.memory_space<hbm>>, %arg3: memref<10000x128xf32, #tpu.memory_space<hbm>>, %arg4: memref<2x2560x1x125xi32, #tpu.memory_space<hbm>>, %arg5: memref<2x10240x128xf32, #tpu.memory_space<hbm>>, %arg6: memref<80x1x125xi32, #tpu.memory_space<vmem>>, %arg7: memref<2x1x125xi32, #tpu.memory_space<vmem>>, %arg8: memref<2x125x128xf32, #tpu.memory_space<vmem>>, %arg9: memref<2x!tpu.dma_semaphore, #tpu.memory_space<semaphore_mem>>, %arg10: memref<2x!tpu.dma_semaphore, #tpu.memory_space<semaphore_mem>>, %arg11: memref<10240x128xf32, #tpu.memory_space<vmem_shared>>) attributes {dimension_semantics = [#tpu.dimension_semantics<core_parallel>, #tpu.dimension_semantics<subcore_parallel>], iteration_bounds = array<i64: 2, 16>, scalar_prefetch = 0 : i64, scratch_operands = 6 : i64, tpu.core_type = #tpu.core_type<sc_vector_subcore>, window_params = [{transform_indices = #map}, {transform_indices = #map}, {transform_indices = #map1}, {transform_indices = #map2}]} {
    %mul3A = arith.constant 16 : i32
    %mul3A_0 = arith.muli %arg0, %mul3A : i32
    %add3A = arith.addi %mul3A_0, %arg1 : i32
    %mul3A_1 = arith.constant 80 : i32
    %mul3A_2 = arith.muli %add3A, %mul3A_1 : i32
    %run_scoped3A = arith.constant 0 : i32
    "tpu.region"() ({
      %run_scoped3A_98 = tpu.sem_alloc : memref<!tpu.dma_semaphore, #tpu.memory_space<semaphore_mem>>
      %dma_start3A_99 = arith.constant 0 : i32
      %dma_start3A_100 = arith.constant 0 : i32
      %dma_start3A_101 = tpu.memref_slice %arg4[%run_scoped3A, %mul3A_2, %dma_start3A_99, %dma_start3A_100] : memref<2x2560x1x125xi32, #tpu.memory_space<hbm>> -> memref<1x80x1x125xi32, #tpu.memory_space<hbm>>
      %dma_start3A_102 = tpu.memref_squeeze %dma_start3A_101 : memref<1x80x1x125xi32, #tpu.memory_space<hbm>> -> memref<80x1x125xi32, #tpu.memory_space<hbm>>
      %dma_start3A_103 = arith.constant 0 : i32
      %dma_start3A_104 = arith.constant 0 : i32
      %dma_start3A_105 = tpu.memref_slice %arg4[%run_scoped3A, %mul3A_2, %dma_start3A_103, %dma_start3A_104] : memref<2x2560x1x125xi32, #tpu.memory_space<hbm>> -> memref<1x80x1x125xi32, #tpu.memory_space<hbm>>
      %dma_start3A_106 = tpu.memref_squeeze %dma_start3A_105 : memref<1x80x1x125xi32, #tpu.memory_space<hbm>> -> memref<80x1x125xi32, #tpu.memory_space<hbm>>
      tpu.enqueue_dma source(%dma_start3A_106 : memref<80x1x125xi32, #tpu.memory_space<hbm>>) target(%arg6 : memref<80x1x125xi32, #tpu.memory_space<vmem>>) target_semaphore(%run_scoped3A_98 : memref<!tpu.dma_semaphore, #tpu.memory_space<semaphore_mem>>)
      %dma_wait3A = arith.constant 0 : i32
      %dma_wait3A_107 = arith.constant 0 : i32
      %dma_wait3A_108 = tpu.memref_slice %arg4[%run_scoped3A, %mul3A_2, %dma_wait3A, %dma_wait3A_107] : memref<2x2560x1x125xi32, #tpu.memory_space<hbm>> -> memref<1x80x1x125xi32, #tpu.memory_space<hbm>>
      %dma_wait3A_109 = tpu.memref_squeeze %dma_wait3A_108 : memref<1x80x1x125xi32, #tpu.memory_space<hbm>> -> memref<80x1x125xi32, #tpu.memory_space<hbm>>
      %dma_wait3A_110 = arith.constant 0 : i32
      %dma_wait3A_111 = arith.constant 0 : i32
      %dma_wait3A_112 = tpu.memref_slice %arg4[%run_scoped3A, %mul3A_2, %dma_wait3A_110, %dma_wait3A_111] : memref<2x2560x1x125xi32, #tpu.memory_space<hbm>> -> memref<1x80x1x125xi32, #tpu.memory_space<hbm>>
      %dma_wait3A_113 = tpu.memref_squeeze %dma_wait3A_112 : memref<1x80x1x125xi32, #tpu.memory_space<hbm>> -> memref<80x1x125xi32, #tpu.memory_space<hbm>>
      tpu.wait_dma2 semaphore(%run_scoped3A_98 : memref<!tpu.dma_semaphore, #tpu.memory_space<semaphore_mem>>) src(%dma_wait3A_113 : memref<80x1x125xi32, #tpu.memory_space<hbm>>) dst(%arg6 : memref<80x1x125xi32, #tpu.memory_space<vmem>>)
      tpu.yield
    }) : () -> ()
    %dma_start3A = arith.constant 0 : i32
    %dma_start3A_3 = arith.constant 0 : i32
    %dma_start3A_4 = arith.constant 0 : i32
    %dma_start3A_5 = arith.constant 0 : i32
    %dma_start3A_6 = arith.constant 0 : i32
    %dma_start3A_7 = arith.constant 0 : i32
    %dma_start3A_8 = tpu.memref_slice %arg8[%dma_start3A_4, %dma_start3A_6, %dma_start3A_7] : memref<2x125x128xf32, #tpu.memory_space<vmem>> -> memref<1x125x128xf32, #tpu.memory_space<vmem>>
    %dma_start3A_9 = tpu.memref_squeeze %dma_start3A_8 : memref<1x125x128xf32, #tpu.memory_space<vmem>> -> memref<125x128xf32, #tpu.memory_space<vmem>>
    %dma_start3A_10 = arith.constant 0 : i32
    %dma_start3A_11 = tpu.memref_slice %arg6[%dma_start3A, %dma_start3A_3, %dma_start3A_10] : memref<80x1x125xi32, #tpu.memory_space<vmem>> -> memref<1x1x125xi32, #tpu.memory_space<vmem>>
    %dma_start3A_12 = tpu.memref_squeeze %dma_start3A_11 : memref<1x1x125xi32, #tpu.memory_space<vmem>> -> memref<125xi32, #tpu.memory_space<vmem>>
    %dma_start3A_13 = arith.constant 0 : i32
    %dma_start3A_14 = arith.constant 0 : i32
    %dma_start3A_15 = tpu.memref_slice %arg3[%dma_start3A_13, %dma_start3A_14] : memref<10000x128xf32, #tpu.memory_space<hbm>> -> memref<10000x128xf32, #tpu.memory_space<hbm>>
    %dma_start3A_16 = tpu.memref_slice %arg9[%dma_start3A_5] : memref<2x!tpu.dma_semaphore, #tpu.memory_space<semaphore_mem>> -> memref<1x!tpu.dma_semaphore, #tpu.memory_space<semaphore_mem>>
    %dma_start3A_17 = tpu.memref_squeeze %dma_start3A_16 : memref<1x!tpu.dma_semaphore, #tpu.memory_space<semaphore_mem>> -> memref<!tpu.dma_semaphore, #tpu.memory_space<semaphore_mem>>
    tpu.enqueue_indirect_dma source(%dma_start3A_15 : memref<10000x128xf32, #tpu.memory_space<hbm>>) target(%dma_start3A_9 : memref<125x128xf32, #tpu.memory_space<vmem>>) offsets(%dma_start3A_12 : memref<125xi32, #tpu.memory_space<vmem>>) semaphore(%dma_start3A_17 : memref<!tpu.dma_semaphore, #tpu.memory_space<semaphore_mem>>)
    %mul3A_18 = arith.constant 80 : i32
    %mul3A_19 = arith.muli %add3A, %mul3A_18 : i32
    %add3A_20 = arith.constant 0 : i32
    %add3A_21 = arith.addi %mul3A_19, %add3A_20 : i32
    %dma_start3A_22 = arith.constant 1 : i32
    %dma_start3A_23 = arith.constant 0 : i32
    %dma_start3A_24 = arith.constant 0 : i32
    %dma_start3A_25 = arith.constant 0 : i32
    %dma_start3A_26 = arith.constant 0 : i32
    %dma_start3A_27 = tpu.memref_slice %arg7[%dma_start3A_23, %dma_start3A_25, %dma_start3A_26] : memref<2x1x125xi32, #tpu.memory_space<vmem>> -> memref<1x1x125xi32, #tpu.memory_space<vmem>>
    %dma_start3A_28 = tpu.memref_squeeze %dma_start3A_27 : memref<1x1x125xi32, #tpu.memory_space<vmem>> -> memref<1x125xi32, #tpu.memory_space<vmem>>
    %dma_start3A_29 = arith.constant 0 : i32
    %dma_start3A_30 = arith.constant 0 : i32
    %dma_start3A_31 = tpu.memref_slice %arg4[%dma_start3A_22, %add3A_21, %dma_start3A_29, %dma_start3A_30] : memref<2x2560x1x125xi32, #tpu.memory_space<hbm>> -> memref<1x1x1x125xi32, #tpu.memory_space<hbm>>
    %dma_start3A_32 = tpu.memref_squeeze %dma_start3A_31 : memref<1x1x1x125xi32, #tpu.memory_space<hbm>> -> memref<1x125xi32, #tpu.memory_space<hbm>>
    %dma_start3A_33 = tpu.memref_slice %arg10[%dma_start3A_24] : memref<2x!tpu.dma_semaphore, #tpu.memory_space<semaphore_mem>> -> memref<1x!tpu.dma_semaphore, #tpu.memory_space<semaphore_mem>>
    %dma_start3A_34 = tpu.memref_squeeze %dma_start3A_33 : memref<1x!tpu.dma_semaphore, #tpu.memory_space<semaphore_mem>> -> memref<!tpu.dma_semaphore, #tpu.memory_space<semaphore_mem>>
    %dma_start3A_35 = arith.constant 0 : i32
    %dma_start3A_36 = arith.constant 0 : i32
    %dma_start3A_37 = tpu.memref_slice %arg7[%dma_start3A_23, %dma_start3A_35, %dma_start3A_36] : memref<2x1x125xi32, #tpu.memory_space<vmem>> -> memref<1x1x125xi32, #tpu.memory_space<vmem>>
    %dma_start3A_38 = tpu.memref_squeeze %dma_start3A_37 : memref<1x1x125xi32, #tpu.memory_space<vmem>> -> memref<1x125xi32, #tpu.memory_space<vmem>>
    %dma_start3A_39 = arith.constant 0 : i32
    %dma_start3A_40 = arith.constant 0 : i32
    %dma_start3A_41 = tpu.memref_slice %arg4[%dma_start3A_22, %add3A_21, %dma_start3A_39, %dma_start3A_40] : memref<2x2560x1x125xi32, #tpu.memory_space<hbm>> -> memref<1x1x1x125xi32, #tpu.memory_space<hbm>>
    %dma_start3A_42 = tpu.memref_squeeze %dma_start3A_41 : memref<1x1x1x125xi32, #tpu.memory_space<hbm>> -> memref<1x125xi32, #tpu.memory_space<hbm>>
    tpu.enqueue_dma source(%dma_start3A_42 : memref<1x125xi32, #tpu.memory_space<hbm>>) target(%dma_start3A_38 : memref<1x125xi32, #tpu.memory_space<vmem>>) target_semaphore(%dma_start3A_34 : memref<!tpu.dma_semaphore, #tpu.memory_space<semaphore_mem>>)
    %dma_start3A_43 = arith.constant 1 : i32
    %dma_start3A_44 = arith.constant 0 : i32
    %dma_start3A_45 = arith.constant 1 : i32
    %dma_start3A_46 = arith.constant 1 : i32
    %dma_start3A_47 = arith.constant 0 : i32
    %dma_start3A_48 = arith.constant 0 : i32
    %dma_start3A_49 = tpu.memref_slice %arg8[%dma_start3A_45, %dma_start3A_47, %dma_start3A_48] : memref<2x125x128xf32, #tpu.memory_space<vmem>> -> memref<1x125x128xf32, #tpu.memory_space<vmem>>
    %dma_start3A_50 = tpu.memref_squeeze %dma_start3A_49 : memref<1x125x128xf32, #tpu.memory_space<vmem>> -> memref<125x128xf32, #tpu.memory_space<vmem>>
    %dma_start3A_51 = arith.constant 0 : i32
    %dma_start3A_52 = tpu.memref_slice %arg6[%dma_start3A_43, %dma_start3A_44, %dma_start3A_51] : memref<80x1x125xi32, #tpu.memory_space<vmem>> -> memref<1x1x125xi32, #tpu.memory_space<vmem>>
    %dma_start3A_53 = tpu.memref_squeeze %dma_start3A_52 : memref<1x1x125xi32, #tpu.memory_space<vmem>> -> memref<125xi32, #tpu.memory_space<vmem>>
    %dma_start3A_54 = arith.constant 0 : i32
    %dma_start3A_55 = arith.constant 0 : i32
    %dma_start3A_56 = tpu.memref_slice %arg3[%dma_start3A_54, %dma_start3A_55] : memref<10000x128xf32, #tpu.memory_space<hbm>> -> memref<10000x128xf32, #tpu.memory_space<hbm>>
    %dma_start3A_57 = tpu.memref_slice %arg9[%dma_start3A_46] : memref<2x!tpu.dma_semaphore, #tpu.memory_space<semaphore_mem>> -> memref<1x!tpu.dma_semaphore, #tpu.memory_space<semaphore_mem>>
    %dma_start3A_58 = tpu.memref_squeeze %dma_start3A_57 : memref<1x!tpu.dma_semaphore, #tpu.memory_space<semaphore_mem>> -> memref<!tpu.dma_semaphore, #tpu.memory_space<semaphore_mem>>
    tpu.enqueue_indirect_dma source(%dma_start3A_56 : memref<10000x128xf32, #tpu.memory_space<hbm>>) target(%dma_start3A_50 : memref<125x128xf32, #tpu.memory_space<vmem>>) offsets(%dma_start3A_53 : memref<125xi32, #tpu.memory_space<vmem>>) semaphore(%dma_start3A_58 : memref<!tpu.dma_semaphore, #tpu.memory_space<semaphore_mem>>)
    %mul3A_59 = arith.constant 80 : i32
    %mul3A_60 = arith.muli %add3A, %mul3A_59 : i32
    %add3A_61 = arith.constant 1 : i32
    %add3A_62 = arith.addi %mul3A_60, %add3A_61 : i32
    %dma_start3A_63 = arith.constant 1 : i32
    %dma_start3A_64 = arith.constant 1 : i32
    %dma_start3A_65 = arith.constant 1 : i32
    %dma_start3A_66 = arith.constant 0 : i32
    %dma_start3A_67 = arith.constant 0 : i32
    %dma_start3A_68 = tpu.memref_slice %arg7[%dma_start3A_64, %dma_start3A_66, %dma_start3A_67] : memref<2x1x125xi32, #tpu.memory_space<vmem>> -> memref<1x1x125xi32, #tpu.memory_space<vmem>>
    %dma_start3A_69 = tpu.memref_squeeze %dma_start3A_68 : memref<1x1x125xi32, #tpu.memory_space<vmem>> -> memref<1x125xi32, #tpu.memory_space<vmem>>
    %dma_start3A_70 = arith.constant 0 : i32
    %dma_start3A_71 = arith.constant 0 : i32
    %dma_start3A_72 = tpu.memref_slice %arg4[%dma_start3A_63, %add3A_62, %dma_start3A_70, %dma_start3A_71] : memref<2x2560x1x125xi32, #tpu.memory_space<hbm>> -> memref<1x1x1x125xi32, #tpu.memory_space<hbm>>
    %dma_start3A_73 = tpu.memref_squeeze %dma_start3A_72 : memref<1x1x1x125xi32, #tpu.memory_space<hbm>> -> memref<1x125xi32, #tpu.memory_space<hbm>>
    %dma_start3A_74 = tpu.memref_slice %arg10[%dma_start3A_65] : memref<2x!tpu.dma_semaphore, #tpu.memory_space<semaphore_mem>> -> memref<1x!tpu.dma_semaphore, #tpu.memory_space<semaphore_mem>>
    %dma_start3A_75 = tpu.memref_squeeze %dma_start3A_74 : memref<1x!tpu.dma_semaphore, #tpu.memory_space<semaphore_mem>> -> memref<!tpu.dma_semaphore, #tpu.memory_space<semaphore_mem>>
    %dma_start3A_76 = arith.constant 0 : i32
    %dma_start3A_77 = arith.constant 0 : i32
    %dma_start3A_78 = tpu.memref_slice %arg7[%dma_start3A_64, %dma_start3A_76, %dma_start3A_77] : memref<2x1x125xi32, #tpu.memory_space<vmem>> -> memref<1x1x125xi32, #tpu.memory_space<vmem>>
    %dma_start3A_79 = tpu.memref_squeeze %dma_start3A_78 : memref<1x1x125xi32, #tpu.memory_space<vmem>> -> memref<1x125xi32, #tpu.memory_space<vmem>>
    %dma_start3A_80 = arith.constant 0 : i32
    %dma_start3A_81 = arith.constant 0 : i32
    %dma_start3A_82 = tpu.memref_slice %arg4[%dma_start3A_63, %add3A_62, %dma_start3A_80, %dma_start3A_81] : memref<2x2560x1x125xi32, #tpu.memory_space<hbm>> -> memref<1x1x1x125xi32, #tpu.memory_space<hbm>>
    %dma_start3A_83 = tpu.memref_squeeze %dma_start3A_82 : memref<1x1x1x125xi32, #tpu.memory_space<hbm>> -> memref<1x125xi32, #tpu.memory_space<hbm>>
    tpu.enqueue_dma source(%dma_start3A_83 : memref<1x125xi32, #tpu.memory_space<hbm>>) target(%dma_start3A_79 : memref<1x125xi32, #tpu.memory_space<vmem>>) target_semaphore(%dma_start3A_75 : memref<!tpu.dma_semaphore, #tpu.memory_space<semaphore_mem>>)
    %mul3A_84 = arith.constant 640 : i32
    %mul3A_85 = arith.muli %arg1, %mul3A_84 : i32
    %mul3A_86 = arith.constant 640 : i32
    %mul3A_87 = arith.muli %arg1, %mul3A_86 : i32
    "tpu.region"() ({
      %run_scoped3A_98 = tpu.sem_alloc : memref<!tpu.dma_semaphore, #tpu.memory_space<semaphore_mem>>
      %dma_start3A_99 = arith.constant 0 : i32
      %dma_start3A_100 = tpu.memref_slice %arg11[%mul3A_87, %dma_start3A_99] : memref<10240x128xf32, #tpu.memory_space<vmem_shared>> -> memref<640x128xf32, #tpu.memory_space<vmem_shared>>
      %dma_start3A_101 = arith.constant 0 : i32
      %dma_start3A_102 = tpu.memref_slice %arg2[%mul3A_85, %dma_start3A_101] : memref<10240x128xf32, #tpu.memory_space<hbm>> -> memref<640x128xf32, #tpu.memory_space<hbm>>
      tpu.enqueue_dma source(%dma_start3A_102 : memref<640x128xf32, #tpu.memory_space<hbm>>) target(%dma_start3A_100 : memref<640x128xf32, #tpu.memory_space<vmem_shared>>) target_semaphore(%run_scoped3A_98 : memref<!tpu.dma_semaphore, #tpu.memory_space<semaphore_mem>>)
      %dma_wait3A = arith.constant 0 : i32
      %dma_wait3A_103 = tpu.memref_slice %arg11[%mul3A_87, %dma_wait3A] : memref<10240x128xf32, #tpu.memory_space<vmem_shared>> -> memref<640x128xf32, #tpu.memory_space<vmem_shared>>
      %dma_wait3A_104 = arith.constant 0 : i32
      %dma_wait3A_105 = tpu.memref_slice %arg2[%mul3A_85, %dma_wait3A_104] : memref<10240x128xf32, #tpu.memory_space<hbm>> -> memref<640x128xf32, #tpu.memory_space<hbm>>
      tpu.wait_dma2 semaphore(%run_scoped3A_98 : memref<!tpu.dma_semaphore, #tpu.memory_space<semaphore_mem>>) src(%dma_wait3A_105 : memref<640x128xf32, #tpu.memory_space<hbm>>) dst(%dma_wait3A_103 : memref<640x128xf32, #tpu.memory_space<vmem_shared>>)
      tpu.yield
    }) : () -> ()
    %barrier3A = arith.constant 0 : index
    tpu.barrier barrier_id(%barrier3A)
    %scan3A = arith.constant 0 : i32
    %scan3A_88 = arith.constant 0 : i32
    %scan3A_89 = arith.constant 40 : i32
    %scan3A_90 = arith.addi %scan3A_88, %scan3A_89 : i32
    %scan3A_91 = arith.constant 1 : i32
    scf.for %scan3A_98 = %scan3A_88 to %scan3A_90 step %scan3A_91  : i32 {
      %mul3A_99 = arith.constant 2 : i32
      %mul3A_100 = arith.muli %scan3A_98, %mul3A_99 : i32
      %add3A_101 = arith.constant 0 : i32
      %add3A_102 = arith.addi %mul3A_100, %add3A_101 : i32
      %dma_wait3A = arith.constant 0 : i32
      %dma_wait3A_103 = arith.constant 0 : i32
      %dma_wait3A_104 = arith.constant 0 : i32
      %dma_wait3A_105 = arith.constant 0 : i32
      %dma_wait3A_106 = arith.constant 0 : i32
      %dma_wait3A_107 = tpu.memref_slice %arg8[%dma_wait3A_103, %dma_wait3A_105, %dma_wait3A_106] : memref<2x125x128xf32, #tpu.memory_space<vmem>> -> memref<1x125x128xf32, #tpu.memory_space<vmem>>
      %dma_wait3A_108 = tpu.memref_squeeze %dma_wait3A_107 : memref<1x125x128xf32, #tpu.memory_space<vmem>> -> memref<125x128xf32, #tpu.memory_space<vmem>>
      %dma_wait3A_109 = arith.constant 0 : i32
      %dma_wait3A_110 = tpu.memref_slice %arg6[%add3A_102, %dma_wait3A, %dma_wait3A_109] : memref<80x1x125xi32, #tpu.memory_space<vmem>> -> memref<1x1x125xi32, #tpu.memory_space<vmem>>
      %dma_wait3A_111 = tpu.memref_squeeze %dma_wait3A_110 : memref<1x1x125xi32, #tpu.memory_space<vmem>> -> memref<125xi32, #tpu.memory_space<vmem>>
      %dma_wait3A_112 = arith.constant 0 : i32
      %dma_wait3A_113 = arith.constant 0 : i32
      %dma_wait3A_114 = tpu.memref_slice %arg3[%dma_wait3A_112, %dma_wait3A_113] : memref<10000x128xf32, #tpu.memory_space<hbm>> -> memref<10000x128xf32, #tpu.memory_space<hbm>>
      %dma_wait3A_115 = tpu.memref_slice %arg9[%dma_wait3A_104] : memref<2x!tpu.dma_semaphore, #tpu.memory_space<semaphore_mem>> -> memref<1x!tpu.dma_semaphore, #tpu.memory_space<semaphore_mem>>
      %dma_wait3A_116 = tpu.memref_squeeze %dma_wait3A_115 : memref<1x!tpu.dma_semaphore, #tpu.memory_space<semaphore_mem>> -> memref<!tpu.dma_semaphore, #tpu.memory_space<semaphore_mem>>
      tpu.wait_indirect_dma semaphore(%dma_wait3A_116 : memref<!tpu.dma_semaphore, #tpu.memory_space<semaphore_mem>>) src(%dma_wait3A_114 : memref<10000x128xf32, #tpu.memory_space<hbm>>) dst(%dma_wait3A_108 : memref<125x128xf32, #tpu.memory_space<vmem>>)
      %mul3A_117 = arith.constant 80 : i32
      %mul3A_118 = arith.muli %add3A, %mul3A_117 : i32
      %add3A_119 = arith.addi %mul3A_118, %add3A_102 : i32
      %dma_wait3A_120 = arith.constant 1 : i32
      %dma_wait3A_121 = arith.constant 0 : i32
      %dma_wait3A_122 = arith.constant 0 : i32
      %dma_wait3A_123 = arith.constant 0 : i32
      %dma_wait3A_124 = arith.constant 0 : i32
      %dma_wait3A_125 = tpu.memref_slice %arg7[%dma_wait3A_121, %dma_wait3A_123, %dma_wait3A_124] : memref<2x1x125xi32, #tpu.memory_space<vmem>> -> memref<1x1x125xi32, #tpu.memory_space<vmem>>
      %dma_wait3A_126 = tpu.memref_squeeze %dma_wait3A_125 : memref<1x1x125xi32, #tpu.memory_space<vmem>> -> memref<1x125xi32, #tpu.memory_space<vmem>>
      %dma_wait3A_127 = arith.constant 0 : i32
      %dma_wait3A_128 = arith.constant 0 : i32
      %dma_wait3A_129 = tpu.memref_slice %arg4[%dma_wait3A_120, %add3A_119, %dma_wait3A_127, %dma_wait3A_128] : memref<2x2560x1x125xi32, #tpu.memory_space<hbm>> -> memref<1x1x1x125xi32, #tpu.memory_space<hbm>>
      %dma_wait3A_130 = tpu.memref_squeeze %dma_wait3A_129 : memref<1x1x1x125xi32, #tpu.memory_space<hbm>> -> memref<1x125xi32, #tpu.memory_space<hbm>>
      %dma_wait3A_131 = tpu.memref_slice %arg10[%dma_wait3A_122] : memref<2x!tpu.dma_semaphore, #tpu.memory_space<semaphore_mem>> -> memref<1x!tpu.dma_semaphore, #tpu.memory_space<semaphore_mem>>
      %dma_wait3A_132 = tpu.memref_squeeze %dma_wait3A_131 : memref<1x!tpu.dma_semaphore, #tpu.memory_space<semaphore_mem>> -> memref<!tpu.dma_semaphore, #tpu.memory_space<semaphore_mem>>
      %dma_wait3A_133 = arith.constant 0 : i32
      %dma_wait3A_134 = arith.constant 0 : i32
      %dma_wait3A_135 = tpu.memref_slice %arg7[%dma_wait3A_121, %dma_wait3A_133, %dma_wait3A_134] : memref<2x1x125xi32, #tpu.memory_space<vmem>> -> memref<1x1x125xi32, #tpu.memory_space<vmem>>
      %dma_wait3A_136 = tpu.memref_squeeze %dma_wait3A_135 : memref<1x1x125xi32, #tpu.memory_space<vmem>> -> memref<1x125xi32, #tpu.memory_space<vmem>>
      %dma_wait3A_137 = arith.constant 0 : i32
      %dma_wait3A_138 = arith.constant 0 : i32
      %dma_wait3A_139 = tpu.memref_slice %arg4[%dma_wait3A_120, %add3A_119, %dma_wait3A_137, %dma_wait3A_138] : memref<2x2560x1x125xi32, #tpu.memory_space<hbm>> -> memref<1x1x1x125xi32, #tpu.memory_space<hbm>>
      %dma_wait3A_140 = tpu.memref_squeeze %dma_wait3A_139 : memref<1x1x1x125xi32, #tpu.memory_space<hbm>> -> memref<1x125xi32, #tpu.memory_space<hbm>>
      tpu.wait_dma2 semaphore(%dma_wait3A_132 : memref<!tpu.dma_semaphore, #tpu.memory_space<semaphore_mem>>) src(%dma_wait3A_140 : memref<1x125xi32, #tpu.memory_space<hbm>>) dst(%dma_wait3A_136 : memref<1x125xi32, #tpu.memory_space<vmem>>)
      %run_scoped3A_141 = arith.constant 0 : i32
      %run_scoped3A_142 = arith.constant 0 : i32
      %run_scoped3A_143 = arith.constant 0 : i32
      "tpu.region"() ({
        %run_scoped3A_195 = tpu.sem_alloc : memref<!tpu.dma_semaphore, #tpu.memory_space<semaphore_mem>>
        %dma_start3A_196 = arith.constant 0 : i32
        %dma_start3A_197 = arith.constant 0 : i32
        %dma_start3A_198 = tpu.memref_slice %arg8[%run_scoped3A_141, %dma_start3A_196, %dma_start3A_197] : memref<2x125x128xf32, #tpu.memory_space<vmem>> -> memref<1x125x128xf32, #tpu.memory_space<vmem>>
        %dma_start3A_199 = tpu.memref_squeeze %dma_start3A_198 : memref<1x125x128xf32, #tpu.memory_space<vmem>> -> memref<125x128xf32, #tpu.memory_space<vmem>>
        %dma_start3A_200 = arith.constant 0 : i32
        %dma_start3A_201 = tpu.memref_slice %arg7[%run_scoped3A_142, %run_scoped3A_143, %dma_start3A_200] : memref<2x1x125xi32, #tpu.memory_space<vmem>> -> memref<1x1x125xi32, #tpu.memory_space<vmem>>
        %dma_start3A_202 = tpu.memref_squeeze %dma_start3A_201 : memref<1x1x125xi32, #tpu.memory_space<vmem>> -> memref<125xi32, #tpu.memory_space<vmem>>
        %dma_start3A_203 = arith.constant 0 : i32
        %dma_start3A_204 = arith.constant 0 : i32
        %dma_start3A_205 = tpu.memref_slice %arg11[%dma_start3A_203, %dma_start3A_204] : memref<10240x128xf32, #tpu.memory_space<vmem_shared>> -> memref<10240x128xf32, #tpu.memory_space<vmem_shared>>
        tpu.enqueue_indirect_dma source(%dma_start3A_199 : memref<125x128xf32, #tpu.memory_space<vmem>>) target(%dma_start3A_205 : memref<10240x128xf32, #tpu.memory_space<vmem_shared>>) offsets(%dma_start3A_202 : memref<125xi32, #tpu.memory_space<vmem>>) semaphore(%run_scoped3A_195 : memref<!tpu.dma_semaphore, #tpu.memory_space<semaphore_mem>>) {add = true}
        %dma_wait3A_206 = arith.constant 0 : i32
        %dma_wait3A_207 = arith.constant 0 : i32
        %dma_wait3A_208 = tpu.memref_slice %arg8[%run_scoped3A_141, %dma_wait3A_206, %dma_wait3A_207] : memref<2x125x128xf32, #tpu.memory_space<vmem>> -> memref<1x125x128xf32, #tpu.memory_space<vmem>>
        %dma_wait3A_209 = tpu.memref_squeeze %dma_wait3A_208 : memref<1x125x128xf32, #tpu.memory_space<vmem>> -> memref<125x128xf32, #tpu.memory_space<vmem>>
        %dma_wait3A_210 = arith.constant 0 : i32
        %dma_wait3A_211 = tpu.memref_slice %arg7[%run_scoped3A_142, %run_scoped3A_143, %dma_wait3A_210] : memref<2x1x125xi32, #tpu.memory_space<vmem>> -> memref<1x1x125xi32, #tpu.memory_space<vmem>>
        %dma_wait3A_212 = tpu.memref_squeeze %dma_wait3A_211 : memref<1x1x125xi32, #tpu.memory_space<vmem>> -> memref<125xi32, #tpu.memory_space<vmem>>
        %dma_wait3A_213 = arith.constant 0 : i32
        %dma_wait3A_214 = arith.constant 0 : i32
        %dma_wait3A_215 = tpu.memref_slice %arg11[%dma_wait3A_213, %dma_wait3A_214] : memref<10240x128xf32, #tpu.memory_space<vmem_shared>> -> memref<10240x128xf32, #tpu.memory_space<vmem_shared>>
        tpu.wait_indirect_dma semaphore(%run_scoped3A_195 : memref<!tpu.dma_semaphore, #tpu.memory_space<semaphore_mem>>) src(%dma_wait3A_209 : memref<125x128xf32, #tpu.memory_space<vmem>>) dst(%dma_wait3A_215 : memref<10240x128xf32, #tpu.memory_space<vmem_shared>>)
        tpu.yield
      }) : () -> ()
      %lt3A = arith.constant 39 : i32
      %lt3A_144 = arith.cmpi slt, %scan3A_98, %lt3A : i32
      %convert_element_type3A = arith.extui %lt3A_144 : i1 to i32
      %cond3A = arith.constant 0 : i32
      %cond3A_145 = arith.cmpi ne, %convert_element_type3A, %cond3A : i32
      scf.if %cond3A_145 {
        %add3A_195 = arith.constant 2 : i32
        %add3A_196 = arith.addi %add3A_102, %add3A_195 : i32
        %dma_start3A_197 = arith.constant 0 : i32
        %dma_start3A_198 = arith.constant 0 : i32
        %dma_start3A_199 = arith.constant 0 : i32
        %dma_start3A_200 = arith.constant 0 : i32
        %dma_start3A_201 = arith.constant 0 : i32
        %dma_start3A_202 = tpu.memref_slice %arg8[%dma_start3A_198, %dma_start3A_200, %dma_start3A_201] : memref<2x125x128xf32, #tpu.memory_space<vmem>> -> memref<1x125x128xf32, #tpu.memory_space<vmem>>
        %dma_start3A_203 = tpu.memref_squeeze %dma_start3A_202 : memref<1x125x128xf32, #tpu.memory_space<vmem>> -> memref<125x128xf32, #tpu.memory_space<vmem>>
        %dma_start3A_204 = arith.constant 0 : i32
        %dma_start3A_205 = tpu.memref_slice %arg6[%add3A_196, %dma_start3A_197, %dma_start3A_204] : memref<80x1x125xi32, #tpu.memory_space<vmem>> -> memref<1x1x125xi32, #tpu.memory_space<vmem>>
        %dma_start3A_206 = tpu.memref_squeeze %dma_start3A_205 : memref<1x1x125xi32, #tpu.memory_space<vmem>> -> memref<125xi32, #tpu.memory_space<vmem>>
        %dma_start3A_207 = arith.constant 0 : i32
        %dma_start3A_208 = arith.constant 0 : i32
        %dma_start3A_209 = tpu.memref_slice %arg3[%dma_start3A_207, %dma_start3A_208] : memref<10000x128xf32, #tpu.memory_space<hbm>> -> memref<10000x128xf32, #tpu.memory_space<hbm>>
        %dma_start3A_210 = tpu.memref_slice %arg9[%dma_start3A_199] : memref<2x!tpu.dma_semaphore, #tpu.memory_space<semaphore_mem>> -> memref<1x!tpu.dma_semaphore, #tpu.memory_space<semaphore_mem>>
        %dma_start3A_211 = tpu.memref_squeeze %dma_start3A_210 : memref<1x!tpu.dma_semaphore, #tpu.memory_space<semaphore_mem>> -> memref<!tpu.dma_semaphore, #tpu.memory_space<semaphore_mem>>
        tpu.enqueue_indirect_dma source(%dma_start3A_209 : memref<10000x128xf32, #tpu.memory_space<hbm>>) target(%dma_start3A_203 : memref<125x128xf32, #tpu.memory_space<vmem>>) offsets(%dma_start3A_206 : memref<125xi32, #tpu.memory_space<vmem>>) semaphore(%dma_start3A_211 : memref<!tpu.dma_semaphore, #tpu.memory_space<semaphore_mem>>)
        %mul3A_212 = arith.constant 80 : i32
        %mul3A_213 = arith.muli %add3A, %mul3A_212 : i32
        %add3A_214 = arith.addi %mul3A_213, %add3A_196 : i32
        %dma_start3A_215 = arith.constant 1 : i32
        %dma_start3A_216 = arith.constant 0 : i32
        %dma_start3A_217 = arith.constant 0 : i32
        %dma_start3A_218 = arith.constant 0 : i32
        %dma_start3A_219 = arith.constant 0 : i32
        %dma_start3A_220 = tpu.memref_slice %arg7[%dma_start3A_216, %dma_start3A_218, %dma_start3A_219] : memref<2x1x125xi32, #tpu.memory_space<vmem>> -> memref<1x1x125xi32, #tpu.memory_space<vmem>>
        %dma_start3A_221 = tpu.memref_squeeze %dma_start3A_220 : memref<1x1x125xi32, #tpu.memory_space<vmem>> -> memref<1x125xi32, #tpu.memory_space<vmem>>
        %dma_start3A_222 = arith.constant 0 : i32
        %dma_start3A_223 = arith.constant 0 : i32
        %dma_start3A_224 = tpu.memref_slice %arg4[%dma_start3A_215, %add3A_214, %dma_start3A_222, %dma_start3A_223] : memref<2x2560x1x125xi32, #tpu.memory_space<hbm>> -> memref<1x1x1x125xi32, #tpu.memory_space<hbm>>
        %dma_start3A_225 = tpu.memref_squeeze %dma_start3A_224 : memref<1x1x1x125xi32, #tpu.memory_space<hbm>> -> memref<1x125xi32, #tpu.memory_space<hbm>>
        %dma_start3A_226 = tpu.memref_slice %arg10[%dma_start3A_217] : memref<2x!tpu.dma_semaphore, #tpu.memory_space<semaphore_mem>> -> memref<1x!tpu.dma_semaphore, #tpu.memory_space<semaphore_mem>>
        %dma_start3A_227 = tpu.memref_squeeze %dma_start3A_226 : memref<1x!tpu.dma_semaphore, #tpu.memory_space<semaphore_mem>> -> memref<!tpu.dma_semaphore, #tpu.memory_space<semaphore_mem>>
        %dma_start3A_228 = arith.constant 0 : i32
        %dma_start3A_229 = arith.constant 0 : i32
        %dma_start3A_230 = tpu.memref_slice %arg7[%dma_start3A_216, %dma_start3A_228, %dma_start3A_229] : memref<2x1x125xi32, #tpu.memory_space<vmem>> -> memref<1x1x125xi32, #tpu.memory_space<vmem>>
        %dma_start3A_231 = tpu.memref_squeeze %dma_start3A_230 : memref<1x1x125xi32, #tpu.memory_space<vmem>> -> memref<1x125xi32, #tpu.memory_space<vmem>>
        %dma_start3A_232 = arith.constant 0 : i32
        %dma_start3A_233 = arith.constant 0 : i32
        %dma_start3A_234 = tpu.memref_slice %arg4[%dma_start3A_215, %add3A_214, %dma_start3A_232, %dma_start3A_233] : memref<2x2560x1x125xi32, #tpu.memory_space<hbm>> -> memref<1x1x1x125xi32, #tpu.memory_space<hbm>>
        %dma_start3A_235 = tpu.memref_squeeze %dma_start3A_234 : memref<1x1x1x125xi32, #tpu.memory_space<hbm>> -> memref<1x125xi32, #tpu.memory_space<hbm>>
        tpu.enqueue_dma source(%dma_start3A_235 : memref<1x125xi32, #tpu.memory_space<hbm>>) target(%dma_start3A_231 : memref<1x125xi32, #tpu.memory_space<vmem>>) target_semaphore(%dma_start3A_227 : memref<!tpu.dma_semaphore, #tpu.memory_space<semaphore_mem>>)
      } else {
      }
      %add3A_146 = arith.constant 1 : i32
      %add3A_147 = arith.addi %mul3A_100, %add3A_146 : i32
      %dma_wait3A_148 = arith.constant 0 : i32
      %dma_wait3A_149 = arith.constant 1 : i32
      %dma_wait3A_150 = arith.constant 1 : i32
      %dma_wait3A_151 = arith.constant 0 : i32
      %dma_wait3A_152 = arith.constant 0 : i32
      %dma_wait3A_153 = tpu.memref_slice %arg8[%dma_wait3A_149, %dma_wait3A_151, %dma_wait3A_152] : memref<2x125x128xf32, #tpu.memory_space<vmem>> -> memref<1x125x128xf32, #tpu.memory_space<vmem>>
      %dma_wait3A_154 = tpu.memref_squeeze %dma_wait3A_153 : memref<1x125x128xf32, #tpu.memory_space<vmem>> -> memref<125x128xf32, #tpu.memory_space<vmem>>
      %dma_wait3A_155 = arith.constant 0 : i32
      %dma_wait3A_156 = tpu.memref_slice %arg6[%add3A_147, %dma_wait3A_148, %dma_wait3A_155] : memref<80x1x125xi32, #tpu.memory_space<vmem>> -> memref<1x1x125xi32, #tpu.memory_space<vmem>>
      %dma_wait3A_157 = tpu.memref_squeeze %dma_wait3A_156 : memref<1x1x125xi32, #tpu.memory_space<vmem>> -> memref<125xi32, #tpu.memory_space<vmem>>
      %dma_wait3A_158 = arith.constant 0 : i32
      %dma_wait3A_159 = arith.constant 0 : i32
      %dma_wait3A_160 = tpu.memref_slice %arg3[%dma_wait3A_158, %dma_wait3A_159] : memref<10000x128xf32, #tpu.memory_space<hbm>> -> memref<10000x128xf32, #tpu.memory_space<hbm>>
      %dma_wait3A_161 = tpu.memref_slice %arg9[%dma_wait3A_150] : memref<2x!tpu.dma_semaphore, #tpu.memory_space<semaphore_mem>> -> memref<1x!tpu.dma_semaphore, #tpu.memory_space<semaphore_mem>>
      %dma_wait3A_162 = tpu.memref_squeeze %dma_wait3A_161 : memref<1x!tpu.dma_semaphore, #tpu.memory_space<semaphore_mem>> -> memref<!tpu.dma_semaphore, #tpu.memory_space<semaphore_mem>>
      tpu.wait_indirect_dma semaphore(%dma_wait3A_162 : memref<!tpu.dma_semaphore, #tpu.memory_space<semaphore_mem>>) src(%dma_wait3A_160 : memref<10000x128xf32, #tpu.memory_space<hbm>>) dst(%dma_wait3A_154 : memref<125x128xf32, #tpu.memory_space<vmem>>)
      %mul3A_163 = arith.constant 80 : i32
      %mul3A_164 = arith.muli %add3A, %mul3A_163 : i32
      %add3A_165 = arith.addi %mul3A_164, %add3A_147 : i32
      %dma_wait3A_166 = arith.constant 1 : i32
      %dma_wait3A_167 = arith.constant 1 : i32
      %dma_wait3A_168 = arith.constant 1 : i32
      %dma_wait3A_169 = arith.constant 0 : i32
      %dma_wait3A_170 = arith.constant 0 : i32
      %dma_wait3A_171 = tpu.memref_slice %arg7[%dma_wait3A_167, %dma_wait3A_169, %dma_wait3A_170] : memref<2x1x125xi32, #tpu.memory_space<vmem>> -> memref<1x1x125xi32, #tpu.memory_space<vmem>>
      %dma_wait3A_172 = tpu.memref_squeeze %dma_wait3A_171 : memref<1x1x125xi32, #tpu.memory_space<vmem>> -> memref<1x125xi32, #tpu.memory_space<vmem>>
      %dma_wait3A_173 = arith.constant 0 : i32
      %dma_wait3A_174 = arith.constant 0 : i32
      %dma_wait3A_175 = tpu.memref_slice %arg4[%dma_wait3A_166, %add3A_165, %dma_wait3A_173, %dma_wait3A_174] : memref<2x2560x1x125xi32, #tpu.memory_space<hbm>> -> memref<1x1x1x125xi32, #tpu.memory_space<hbm>>
      %dma_wait3A_176 = tpu.memref_squeeze %dma_wait3A_175 : memref<1x1x1x125xi32, #tpu.memory_space<hbm>> -> memref<1x125xi32, #tpu.memory_space<hbm>>
      %dma_wait3A_177 = tpu.memref_slice %arg10[%dma_wait3A_168] : memref<2x!tpu.dma_semaphore, #tpu.memory_space<semaphore_mem>> -> memref<1x!tpu.dma_semaphore, #tpu.memory_space<semaphore_mem>>
      %dma_wait3A_178 = tpu.memref_squeeze %dma_wait3A_177 : memref<1x!tpu.dma_semaphore, #tpu.memory_space<semaphore_mem>> -> memref<!tpu.dma_semaphore, #tpu.memory_space<semaphore_mem>>
      %dma_wait3A_179 = arith.constant 0 : i32
      %dma_wait3A_180 = arith.constant 0 : i32
      %dma_wait3A_181 = tpu.memref_slice %arg7[%dma_wait3A_167, %dma_wait3A_179, %dma_wait3A_180] : memref<2x1x125xi32, #tpu.memory_space<vmem>> -> memref<1x1x125xi32, #tpu.memory_space<vmem>>
      %dma_wait3A_182 = tpu.memref_squeeze %dma_wait3A_181 : memref<1x1x125xi32, #tpu.memory_space<vmem>> -> memref<1x125xi32, #tpu.memory_space<vmem>>
      %dma_wait3A_183 = arith.constant 0 : i32
      %dma_wait3A_184 = arith.constant 0 : i32
      %dma_wait3A_185 = tpu.memref_slice %arg4[%dma_wait3A_166, %add3A_165, %dma_wait3A_183, %dma_wait3A_184] : memref<2x2560x1x125xi32, #tpu.memory_space<hbm>> -> memref<1x1x1x125xi32, #tpu.memory_space<hbm>>
      %dma_wait3A_186 = tpu.memref_squeeze %dma_wait3A_185 : memref<1x1x1x125xi32, #tpu.memory_space<hbm>> -> memref<1x125xi32, #tpu.memory_space<hbm>>
      tpu.wait_dma2 semaphore(%dma_wait3A_178 : memref<!tpu.dma_semaphore, #tpu.memory_space<semaphore_mem>>) src(%dma_wait3A_186 : memref<1x125xi32, #tpu.memory_space<hbm>>) dst(%dma_wait3A_182 : memref<1x125xi32, #tpu.memory_space<vmem>>)
      %run_scoped3A_187 = arith.constant 1 : i32
      %run_scoped3A_188 = arith.constant 1 : i32
      %run_scoped3A_189 = arith.constant 0 : i32
      "tpu.region"() ({
        %run_scoped3A_195 = tpu.sem_alloc : memref<!tpu.dma_semaphore, #tpu.memory_space<semaphore_mem>>
        %dma_start3A_196 = arith.constant 0 : i32
        %dma_start3A_197 = arith.constant 0 : i32
        %dma_start3A_198 = tpu.memref_slice %arg8[%run_scoped3A_187, %dma_start3A_196, %dma_start3A_197] : memref<2x125x128xf32, #tpu.memory_space<vmem>> -> memref<1x125x128xf32, #tpu.memory_space<vmem>>
        %dma_start3A_199 = tpu.memref_squeeze %dma_start3A_198 : memref<1x125x128xf32, #tpu.memory_space<vmem>> -> memref<125x128xf32, #tpu.memory_space<vmem>>
        %dma_start3A_200 = arith.constant 0 : i32
        %dma_start3A_201 = tpu.memref_slice %arg7[%run_scoped3A_188, %run_scoped3A_189, %dma_start3A_200] : memref<2x1x125xi32, #tpu.memory_space<vmem>> -> memref<1x1x125xi32, #tpu.memory_space<vmem>>
        %dma_start3A_202 = tpu.memref_squeeze %dma_start3A_201 : memref<1x1x125xi32, #tpu.memory_space<vmem>> -> memref<125xi32, #tpu.memory_space<vmem>>
        %dma_start3A_203 = arith.constant 0 : i32
        %dma_start3A_204 = arith.constant 0 : i32
        %dma_start3A_205 = tpu.memref_slice %arg11[%dma_start3A_203, %dma_start3A_204] : memref<10240x128xf32, #tpu.memory_space<vmem_shared>> -> memref<10240x128xf32, #tpu.memory_space<vmem_shared>>
        tpu.enqueue_indirect_dma source(%dma_start3A_199 : memref<125x128xf32, #tpu.memory_space<vmem>>) target(%dma_start3A_205 : memref<10240x128xf32, #tpu.memory_space<vmem_shared>>) offsets(%dma_start3A_202 : memref<125xi32, #tpu.memory_space<vmem>>) semaphore(%run_scoped3A_195 : memref<!tpu.dma_semaphore, #tpu.memory_space<semaphore_mem>>) {add = true}
        %dma_wait3A_206 = arith.constant 0 : i32
        %dma_wait3A_207 = arith.constant 0 : i32
        %dma_wait3A_208 = tpu.memref_slice %arg8[%run_scoped3A_187, %dma_wait3A_206, %dma_wait3A_207] : memref<2x125x128xf32, #tpu.memory_space<vmem>> -> memref<1x125x128xf32, #tpu.memory_space<vmem>>
        %dma_wait3A_209 = tpu.memref_squeeze %dma_wait3A_208 : memref<1x125x128xf32, #tpu.memory_space<vmem>> -> memref<125x128xf32, #tpu.memory_space<vmem>>
        %dma_wait3A_210 = arith.constant 0 : i32
        %dma_wait3A_211 = tpu.memref_slice %arg7[%run_scoped3A_188, %run_scoped3A_189, %dma_wait3A_210] : memref<2x1x125xi32, #tpu.memory_space<vmem>> -> memref<1x1x125xi32, #tpu.memory_space<vmem>>
        %dma_wait3A_212 = tpu.memref_squeeze %dma_wait3A_211 : memref<1x1x125xi32, #tpu.memory_space<vmem>> -> memref<125xi32, #tpu.memory_space<vmem>>
        %dma_wait3A_213 = arith.constant 0 : i32
        %dma_wait3A_214 = arith.constant 0 : i32
        %dma_wait3A_215 = tpu.memref_slice %arg11[%dma_wait3A_213, %dma_wait3A_214] : memref<10240x128xf32, #tpu.memory_space<vmem_shared>> -> memref<10240x128xf32, #tpu.memory_space<vmem_shared>>
        tpu.wait_indirect_dma semaphore(%run_scoped3A_195 : memref<!tpu.dma_semaphore, #tpu.memory_space<semaphore_mem>>) src(%dma_wait3A_209 : memref<125x128xf32, #tpu.memory_space<vmem>>) dst(%dma_wait3A_215 : memref<10240x128xf32, #tpu.memory_space<vmem_shared>>)
        tpu.yield
      }) : () -> ()
      %lt3A_190 = arith.constant 39 : i32
      %lt3A_191 = arith.cmpi slt, %scan3A_98, %lt3A_190 : i32
      %convert_element_type3A_192 = arith.extui %lt3A_191 : i1 to i32
      %cond3A_193 = arith.constant 0 : i32
      %cond3A_194 = arith.cmpi ne, %convert_element_type3A_192, %cond3A_193 : i32
      scf.if %cond3A_194 {
        %add3A_195 = arith.constant 2 : i32
        %add3A_196 = arith.addi %add3A_147, %add3A_195 : i32
        %dma_start3A_197 = arith.constant 0 : i32
        %dma_start3A_198 = arith.constant 1 : i32
        %dma_start3A_199 = arith.constant 1 : i32
        %dma_start3A_200 = arith.constant 0 : i32
        %dma_start3A_201 = arith.constant 0 : i32
        %dma_start3A_202 = tpu.memref_slice %arg8[%dma_start3A_198, %dma_start3A_200, %dma_start3A_201] : memref<2x125x128xf32, #tpu.memory_space<vmem>> -> memref<1x125x128xf32, #tpu.memory_space<vmem>>
        %dma_start3A_203 = tpu.memref_squeeze %dma_start3A_202 : memref<1x125x128xf32, #tpu.memory_space<vmem>> -> memref<125x128xf32, #tpu.memory_space<vmem>>
        %dma_start3A_204 = arith.constant 0 : i32
        %dma_start3A_205 = tpu.memref_slice %arg6[%add3A_196, %dma_start3A_197, %dma_start3A_204] : memref<80x1x125xi32, #tpu.memory_space<vmem>> -> memref<1x1x125xi32, #tpu.memory_space<vmem>>
        %dma_start3A_206 = tpu.memref_squeeze %dma_start3A_205 : memref<1x1x125xi32, #tpu.memory_space<vmem>> -> memref<125xi32, #tpu.memory_space<vmem>>
        %dma_start3A_207 = arith.constant 0 : i32
        %dma_start3A_208 = arith.constant 0 : i32
        %dma_start3A_209 = tpu.memref_slice %arg3[%dma_start3A_207, %dma_start3A_208] : memref<10000x128xf32, #tpu.memory_space<hbm>> -> memref<10000x128xf32, #tpu.memory_space<hbm>>
        %dma_start3A_210 = tpu.memref_slice %arg9[%dma_start3A_199] : memref<2x!tpu.dma_semaphore, #tpu.memory_space<semaphore_mem>> -> memref<1x!tpu.dma_semaphore, #tpu.memory_space<semaphore_mem>>
        %dma_start3A_211 = tpu.memref_squeeze %dma_start3A_210 : memref<1x!tpu.dma_semaphore, #tpu.memory_space<semaphore_mem>> -> memref<!tpu.dma_semaphore, #tpu.memory_space<semaphore_mem>>
        tpu.enqueue_indirect_dma source(%dma_start3A_209 : memref<10000x128xf32, #tpu.memory_space<hbm>>) target(%dma_start3A_203 : memref<125x128xf32, #tpu.memory_space<vmem>>) offsets(%dma_start3A_206 : memref<125xi32, #tpu.memory_space<vmem>>) semaphore(%dma_start3A_211 : memref<!tpu.dma_semaphore, #tpu.memory_space<semaphore_mem>>)
        %mul3A_212 = arith.constant 80 : i32
        %mul3A_213 = arith.muli %add3A, %mul3A_212 : i32
        %add3A_214 = arith.addi %mul3A_213, %add3A_196 : i32
        %dma_start3A_215 = arith.constant 1 : i32
        %dma_start3A_216 = arith.constant 1 : i32
        %dma_start3A_217 = arith.constant 1 : i32
        %dma_start3A_218 = arith.constant 0 : i32
        %dma_start3A_219 = arith.constant 0 : i32
        %dma_start3A_220 = tpu.memref_slice %arg7[%dma_start3A_216, %dma_start3A_218, %dma_start3A_219] : memref<2x1x125xi32, #tpu.memory_space<vmem>> -> memref<1x1x125xi32, #tpu.memory_space<vmem>>
        %dma_start3A_221 = tpu.memref_squeeze %dma_start3A_220 : memref<1x1x125xi32, #tpu.memory_space<vmem>> -> memref<1x125xi32, #tpu.memory_space<vmem>>
        %dma_start3A_222 = arith.constant 0 : i32
        %dma_start3A_223 = arith.constant 0 : i32
        %dma_start3A_224 = tpu.memref_slice %arg4[%dma_start3A_215, %add3A_214, %dma_start3A_222, %dma_start3A_223] : memref<2x2560x1x125xi32, #tpu.memory_space<hbm>> -> memref<1x1x1x125xi32, #tpu.memory_space<hbm>>
        %dma_start3A_225 = tpu.memref_squeeze %dma_start3A_224 : memref<1x1x1x125xi32, #tpu.memory_space<hbm>> -> memref<1x125xi32, #tpu.memory_space<hbm>>
        %dma_start3A_226 = tpu.memref_slice %arg10[%dma_start3A_217] : memref<2x!tpu.dma_semaphore, #tpu.memory_space<semaphore_mem>> -> memref<1x!tpu.dma_semaphore, #tpu.memory_space<semaphore_mem>>
        %dma_start3A_227 = tpu.memref_squeeze %dma_start3A_226 : memref<1x!tpu.dma_semaphore, #tpu.memory_space<semaphore_mem>> -> memref<!tpu.dma_semaphore, #tpu.memory_space<semaphore_mem>>
        %dma_start3A_228 = arith.constant 0 : i32
        %dma_start3A_229 = arith.constant 0 : i32
        %dma_start3A_230 = tpu.memref_slice %arg7[%dma_start3A_216, %dma_start3A_228, %dma_start3A_229] : memref<2x1x125xi32, #tpu.memory_space<vmem>> -> memref<1x1x125xi32, #tpu.memory_space<vmem>>
        %dma_start3A_231 = tpu.memref_squeeze %dma_start3A_230 : memref<1x1x125xi32, #tpu.memory_space<vmem>> -> memref<1x125xi32, #tpu.memory_space<vmem>>
        %dma_start3A_232 = arith.constant 0 : i32
        %dma_start3A_233 = arith.constant 0 : i32
        %dma_start3A_234 = tpu.memref_slice %arg4[%dma_start3A_215, %add3A_214, %dma_start3A_232, %dma_start3A_233] : memref<2x2560x1x125xi32, #tpu.memory_space<hbm>> -> memref<1x1x1x125xi32, #tpu.memory_space<hbm>>
        %dma_start3A_235 = tpu.memref_squeeze %dma_start3A_234 : memref<1x1x1x125xi32, #tpu.memory_space<hbm>> -> memref<1x125xi32, #tpu.memory_space<hbm>>
        tpu.enqueue_dma source(%dma_start3A_235 : memref<1x125xi32, #tpu.memory_space<hbm>>) target(%dma_start3A_231 : memref<1x125xi32, #tpu.memory_space<vmem>>) target_semaphore(%dma_start3A_227 : memref<!tpu.dma_semaphore, #tpu.memory_space<semaphore_mem>>)
      } else {
      }
    }
    %scan3A_92 = arith.constant 40 : i32
    %barrier3A_93 = arith.constant 0 : index
    tpu.barrier barrier_id(%barrier3A_93)
    %mul3A_94 = arith.constant 640 : i32
    %mul3A_95 = arith.muli %arg1, %mul3A_94 : i32
    %mul3A_96 = arith.constant 640 : i32
    %mul3A_97 = arith.muli %arg1, %mul3A_96 : i32
    "tpu.region"() ({
      %run_scoped3A_98 = tpu.sem_alloc : memref<!tpu.dma_semaphore, #tpu.memory_space<semaphore_mem>>
      %dma_start3A_99 = arith.constant 0 : i32
      %dma_start3A_100 = tpu.memref_slice %arg5[%arg0, %mul3A_97, %dma_start3A_99] : memref<2x10240x128xf32, #tpu.memory_space<hbm>> -> memref<1x640x128xf32, #tpu.memory_space<hbm>>
      %dma_start3A_101 = tpu.memref_squeeze %dma_start3A_100 : memref<1x640x128xf32, #tpu.memory_space<hbm>> -> memref<640x128xf32, #tpu.memory_space<hbm>>
      %dma_start3A_102 = arith.constant 0 : i32
      %dma_start3A_103 = tpu.memref_slice %arg11[%mul3A_95, %dma_start3A_102] : memref<10240x128xf32, #tpu.memory_space<vmem_shared>> -> memref<640x128xf32, #tpu.memory_space<vmem_shared>>
      tpu.enqueue_dma source(%dma_start3A_103 : memref<640x128xf32, #tpu.memory_space<vmem_shared>>) target(%dma_start3A_101 : memref<640x128xf32, #tpu.memory_space<hbm>>) target_semaphore(%run_scoped3A_98 : memref<!tpu.dma_semaphore, #tpu.memory_space<semaphore_mem>>)
      %dma_wait3A = arith.constant 0 : i32
      %dma_wait3A_104 = tpu.memref_slice %arg5[%arg0, %mul3A_97, %dma_wait3A] : memref<2x10240x128xf32, #tpu.memory_space<hbm>> -> memref<1x640x128xf32, #tpu.memory_space<hbm>>
      %dma_wait3A_105 = tpu.memref_squeeze %dma_wait3A_104 : memref<1x640x128xf32, #tpu.memory_space<hbm>> -> memref<640x128xf32, #tpu.memory_space<hbm>>
      %dma_wait3A_106 = arith.constant 0 : i32
      %dma_wait3A_107 = tpu.memref_slice %arg11[%mul3A_95, %dma_wait3A_106] : memref<10240x128xf32, #tpu.memory_space<vmem_shared>> -> memref<640x128xf32, #tpu.memory_space<vmem_shared>>
      tpu.wait_dma2 semaphore(%run_scoped3A_98 : memref<!tpu.dma_semaphore, #tpu.memory_space<semaphore_mem>>) src(%dma_wait3A_107 : memref<640x128xf32, #tpu.memory_space<vmem_shared>>) dst(%dma_wait3A_105 : memref<640x128xf32, #tpu.memory_space<hbm>>)
      tpu.yield
    }) : () -> ()
    return
  }
}

#map = affine_map<(d0, d1) -> (0, 0)>
#map1 = affine_map<(d0, d1) -> (0, 0, 0, 0)>
#map2 = affine_map<(d0, d1) -> (0, 0, 0)>
module attributes {stable_mosaic.version = 14 : i64} {
  func.func @_agg_body(%arg0: i32, %arg1: i32, %arg2: memref<10240x128xf32, #tpu.memory_space<hbm>>, %arg3: memref<10000x128xf32, #tpu.memory_space<hbm>>, %arg4: memref<2x2560x1x125xi32, #tpu.memory_space<hbm>>, %arg5: memref<2x10240x128xf32, #tpu.memory_space<hbm>>, %arg6: memref<80x1x125xi32, #tpu.memory_space<vmem>>, %arg7: memref<2x1x125xi32, #tpu.memory_space<vmem>>, %arg8: memref<2x125x128xf32, #tpu.memory_space<vmem>>, %arg9: memref<2x!tpu.dma_semaphore, #tpu.memory_space<semaphore_mem>>, %arg10: memref<2x!tpu.dma_semaphore, #tpu.memory_space<semaphore_mem>>, %arg11: memref<10240x128xf32, #tpu.memory_space<vmem_shared>>) attributes {dimension_semantics = [#tpu.dimension_semantics<core_parallel>, #tpu.dimension_semantics<subcore_parallel>], iteration_bounds = array<i64: 2, 16>, scalar_prefetch = 0 : i64, scratch_operands = 6 : i64, tpu.core_type = #tpu.core_type<sc_vector_subcore>, window_params = [{transform_indices = #map}, {transform_indices = #map}, {transform_indices = #map1}, {transform_indices = #map2}]} {
    %mul3A = arith.constant 16 : i32
    %mul3A_0 = arith.muli %arg0, %mul3A : i32
    %add3A = arith.addi %mul3A_0, %arg1 : i32
    %mul3A_1 = arith.constant 80 : i32
    %mul3A_2 = arith.muli %add3A, %mul3A_1 : i32
    %run_scoped3A = arith.constant 0 : i32
    "tpu.region"() ({
      %run_scoped3A_98 = tpu.sem_alloc : memref<!tpu.dma_semaphore, #tpu.memory_space<semaphore_mem>>
      %dma_start3A_99 = arith.constant 0 : i32
      %dma_start3A_100 = arith.constant 0 : i32
      %dma_start3A_101 = tpu.memref_slice %arg4[%run_scoped3A, %mul3A_2, %dma_start3A_99, %dma_start3A_100] : memref<2x2560x1x125xi32, #tpu.memory_space<hbm>> -> memref<1x80x1x125xi32, #tpu.memory_space<hbm>>
      %dma_start3A_102 = tpu.memref_squeeze %dma_start3A_101 : memref<1x80x1x125xi32, #tpu.memory_space<hbm>> -> memref<80x1x125xi32, #tpu.memory_space<hbm>>
      %dma_start3A_103 = arith.constant 0 : i32
      %dma_start3A_104 = arith.constant 0 : i32
      %dma_start3A_105 = tpu.memref_slice %arg4[%run_scoped3A, %mul3A_2, %dma_start3A_103, %dma_start3A_104] : memref<2x2560x1x125xi32, #tpu.memory_space<hbm>> -> memref<1x80x1x125xi32, #tpu.memory_space<hbm>>
      %dma_start3A_106 = tpu.memref_squeeze %dma_start3A_105 : memref<1x80x1x125xi32, #tpu.memory_space<hbm>> -> memref<80x1x125xi32, #tpu.memory_space<hbm>>
      tpu.enqueue_dma source(%dma_start3A_106 : memref<80x1x125xi32, #tpu.memory_space<hbm>>) target(%arg6 : memref<80x1x125xi32, #tpu.memory_space<vmem>>) target_semaphore(%run_scoped3A_98 : memref<!tpu.dma_semaphore, #tpu.memory_space<semaphore_mem>>)
      %dma_wait3A = arith.constant 0 : i32
      %dma_wait3A_107 = arith.constant 0 : i32
      %dma_wait3A_108 = tpu.memref_slice %arg4[%run_scoped3A, %mul3A_2, %dma_wait3A, %dma_wait3A_107] : memref<2x2560x1x125xi32, #tpu.memory_space<hbm>> -> memref<1x80x1x125xi32, #tpu.memory_space<hbm>>
      %dma_wait3A_109 = tpu.memref_squeeze %dma_wait3A_108 : memref<1x80x1x125xi32, #tpu.memory_space<hbm>> -> memref<80x1x125xi32, #tpu.memory_space<hbm>>
      %dma_wait3A_110 = arith.constant 0 : i32
      %dma_wait3A_111 = arith.constant 0 : i32
      %dma_wait3A_112 = tpu.memref_slice %arg4[%run_scoped3A, %mul3A_2, %dma_wait3A_110, %dma_wait3A_111] : memref<2x2560x1x125xi32, #tpu.memory_space<hbm>> -> memref<1x80x1x125xi32, #tpu.memory_space<hbm>>
      %dma_wait3A_113 = tpu.memref_squeeze %dma_wait3A_112 : memref<1x80x1x125xi32, #tpu.memory_space<hbm>> -> memref<80x1x125xi32, #tpu.memory_space<hbm>>
      tpu.wait_dma2 semaphore(%run_scoped3A_98 : memref<!tpu.dma_semaphore, #tpu.memory_space<semaphore_mem>>) src(%dma_wait3A_113 : memref<80x1x125xi32, #tpu.memory_space<hbm>>) dst(%arg6 : memref<80x1x125xi32, #tpu.memory_space<vmem>>)
      tpu.yield
    }) : () -> ()
    %dma_start3A = arith.constant 0 : i32
    %dma_start3A_3 = arith.constant 0 : i32
    %dma_start3A_4 = arith.constant 0 : i32
    %dma_start3A_5 = arith.constant 0 : i32
    %dma_start3A_6 = arith.constant 0 : i32
    %dma_start3A_7 = arith.constant 0 : i32
    %dma_start3A_8 = tpu.memref_slice %arg8[%dma_start3A_4, %dma_start3A_6, %dma_start3A_7] : memref<2x125x128xf32, #tpu.memory_space<vmem>> -> memref<1x125x128xf32, #tpu.memory_space<vmem>>
    %dma_start3A_9 = tpu.memref_squeeze %dma_start3A_8 : memref<1x125x128xf32, #tpu.memory_space<vmem>> -> memref<125x128xf32, #tpu.memory_space<vmem>>
    %dma_start3A_10 = arith.constant 0 : i32
    %dma_start3A_11 = tpu.memref_slice %arg6[%dma_start3A, %dma_start3A_3, %dma_start3A_10] : memref<80x1x125xi32, #tpu.memory_space<vmem>> -> memref<1x1x125xi32, #tpu.memory_space<vmem>>
    %dma_start3A_12 = tpu.memref_squeeze %dma_start3A_11 : memref<1x1x125xi32, #tpu.memory_space<vmem>> -> memref<125xi32, #tpu.memory_space<vmem>>
    %dma_start3A_13 = arith.constant 0 : i32
    %dma_start3A_14 = arith.constant 0 : i32
    %dma_start3A_15 = tpu.memref_slice %arg3[%dma_start3A_13, %dma_start3A_14] : memref<10000x128xf32, #tpu.memory_space<hbm>> -> memref<10000x128xf32, #tpu.memory_space<hbm>>
    %dma_start3A_16 = tpu.memref_slice %arg9[%dma_start3A_5] : memref<2x!tpu.dma_semaphore, #tpu.memory_space<semaphore_mem>> -> memref<1x!tpu.dma_semaphore, #tpu.memory_space<semaphore_mem>>
    %dma_start3A_17 = tpu.memref_squeeze %dma_start3A_16 : memref<1x!tpu.dma_semaphore, #tpu.memory_space<semaphore_mem>> -> memref<!tpu.dma_semaphore, #tpu.memory_space<semaphore_mem>>
    tpu.enqueue_indirect_dma source(%dma_start3A_15 : memref<10000x128xf32, #tpu.memory_space<hbm>>) target(%dma_start3A_9 : memref<125x128xf32, #tpu.memory_space<vmem>>) offsets(%dma_start3A_12 : memref<125xi32, #tpu.memory_space<vmem>>) semaphore(%dma_start3A_17 : memref<!tpu.dma_semaphore, #tpu.memory_space<semaphore_mem>>)
    %mul3A_18 = arith.constant 80 : i32
    %mul3A_19 = arith.muli %add3A, %mul3A_18 : i32
    %add3A_20 = arith.constant 0 : i32
    %add3A_21 = arith.addi %mul3A_19, %add3A_20 : i32
    %dma_start3A_22 = arith.constant 1 : i32
    %dma_start3A_23 = arith.constant 0 : i32
    %dma_start3A_24 = arith.constant 0 : i32
    %dma_start3A_25 = arith.constant 0 : i32
    %dma_start3A_26 = arith.constant 0 : i32
    %dma_start3A_27 = tpu.memref_slice %arg7[%dma_start3A_23, %dma_start3A_25, %dma_start3A_26] : memref<2x1x125xi32, #tpu.memory_space<vmem>> -> memref<1x1x125xi32, #tpu.memory_space<vmem>>
    %dma_start3A_28 = tpu.memref_squeeze %dma_start3A_27 : memref<1x1x125xi32, #tpu.memory_space<vmem>> -> memref<1x125xi32, #tpu.memory_space<vmem>>
    %dma_start3A_29 = arith.constant 0 : i32
    %dma_start3A_30 = arith.constant 0 : i32
    %dma_start3A_31 = tpu.memref_slice %arg4[%dma_start3A_22, %add3A_21, %dma_start3A_29, %dma_start3A_30] : memref<2x2560x1x125xi32, #tpu.memory_space<hbm>> -> memref<1x1x1x125xi32, #tpu.memory_space<hbm>>
    %dma_start3A_32 = tpu.memref_squeeze %dma_start3A_31 : memref<1x1x1x125xi32, #tpu.memory_space<hbm>> -> memref<1x125xi32, #tpu.memory_space<hbm>>
    %dma_start3A_33 = tpu.memref_slice %arg10[%dma_start3A_24] : memref<2x!tpu.dma_semaphore, #tpu.memory_space<semaphore_mem>> -> memref<1x!tpu.dma_semaphore, #tpu.memory_space<semaphore_mem>>
    %dma_start3A_34 = tpu.memref_squeeze %dma_start3A_33 : memref<1x!tpu.dma_semaphore, #tpu.memory_space<semaphore_mem>> -> memref<!tpu.dma_semaphore, #tpu.memory_space<semaphore_mem>>
    %dma_start3A_35 = arith.constant 0 : i32
    %dma_start3A_36 = arith.constant 0 : i32
    %dma_start3A_37 = tpu.memref_slice %arg7[%dma_start3A_23, %dma_start3A_35, %dma_start3A_36] : memref<2x1x125xi32, #tpu.memory_space<vmem>> -> memref<1x1x125xi32, #tpu.memory_space<vmem>>
    %dma_start3A_38 = tpu.memref_squeeze %dma_start3A_37 : memref<1x1x125xi32, #tpu.memory_space<vmem>> -> memref<1x125xi32, #tpu.memory_space<vmem>>
    %dma_start3A_39 = arith.constant 0 : i32
    %dma_start3A_40 = arith.constant 0 : i32
    %dma_start3A_41 = tpu.memref_slice %arg4[%dma_start3A_22, %add3A_21, %dma_start3A_39, %dma_start3A_40] : memref<2x2560x1x125xi32, #tpu.memory_space<hbm>> -> memref<1x1x1x125xi32, #tpu.memory_space<hbm>>
    %dma_start3A_42 = tpu.memref_squeeze %dma_start3A_41 : memref<1x1x1x125xi32, #tpu.memory_space<hbm>> -> memref<1x125xi32, #tpu.memory_space<hbm>>
    tpu.enqueue_dma source(%dma_start3A_42 : memref<1x125xi32, #tpu.memory_space<hbm>>) target(%dma_start3A_38 : memref<1x125xi32, #tpu.memory_space<vmem>>) target_semaphore(%dma_start3A_34 : memref<!tpu.dma_semaphore, #tpu.memory_space<semaphore_mem>>)
    %dma_start3A_43 = arith.constant 1 : i32
    %dma_start3A_44 = arith.constant 0 : i32
    %dma_start3A_45 = arith.constant 1 : i32
    %dma_start3A_46 = arith.constant 1 : i32
    %dma_start3A_47 = arith.constant 0 : i32
    %dma_start3A_48 = arith.constant 0 : i32
    %dma_start3A_49 = tpu.memref_slice %arg8[%dma_start3A_45, %dma_start3A_47, %dma_start3A_48] : memref<2x125x128xf32, #tpu.memory_space<vmem>> -> memref<1x125x128xf32, #tpu.memory_space<vmem>>
    %dma_start3A_50 = tpu.memref_squeeze %dma_start3A_49 : memref<1x125x128xf32, #tpu.memory_space<vmem>> -> memref<125x128xf32, #tpu.memory_space<vmem>>
    %dma_start3A_51 = arith.constant 0 : i32
    %dma_start3A_52 = tpu.memref_slice %arg6[%dma_start3A_43, %dma_start3A_44, %dma_start3A_51] : memref<80x1x125xi32, #tpu.memory_space<vmem>> -> memref<1x1x125xi32, #tpu.memory_space<vmem>>
    %dma_start3A_53 = tpu.memref_squeeze %dma_start3A_52 : memref<1x1x125xi32, #tpu.memory_space<vmem>> -> memref<125xi32, #tpu.memory_space<vmem>>
    %dma_start3A_54 = arith.constant 0 : i32
    %dma_start3A_55 = arith.constant 0 : i32
    %dma_start3A_56 = tpu.memref_slice %arg3[%dma_start3A_54, %dma_start3A_55] : memref<10000x128xf32, #tpu.memory_space<hbm>> -> memref<10000x128xf32, #tpu.memory_space<hbm>>
    %dma_start3A_57 = tpu.memref_slice %arg9[%dma_start3A_46] : memref<2x!tpu.dma_semaphore, #tpu.memory_space<semaphore_mem>> -> memref<1x!tpu.dma_semaphore, #tpu.memory_space<semaphore_mem>>
    %dma_start3A_58 = tpu.memref_squeeze %dma_start3A_57 : memref<1x!tpu.dma_semaphore, #tpu.memory_space<semaphore_mem>> -> memref<!tpu.dma_semaphore, #tpu.memory_space<semaphore_mem>>
    tpu.enqueue_indirect_dma source(%dma_start3A_56 : memref<10000x128xf32, #tpu.memory_space<hbm>>) target(%dma_start3A_50 : memref<125x128xf32, #tpu.memory_space<vmem>>) offsets(%dma_start3A_53 : memref<125xi32, #tpu.memory_space<vmem>>) semaphore(%dma_start3A_58 : memref<!tpu.dma_semaphore, #tpu.memory_space<semaphore_mem>>)
    %mul3A_59 = arith.constant 80 : i32
    %mul3A_60 = arith.muli %add3A, %mul3A_59 : i32
    %add3A_61 = arith.constant 1 : i32
    %add3A_62 = arith.addi %mul3A_60, %add3A_61 : i32
    %dma_start3A_63 = arith.constant 1 : i32
    %dma_start3A_64 = arith.constant 1 : i32
    %dma_start3A_65 = arith.constant 1 : i32
    %dma_start3A_66 = arith.constant 0 : i32
    %dma_start3A_67 = arith.constant 0 : i32
    %dma_start3A_68 = tpu.memref_slice %arg7[%dma_start3A_64, %dma_start3A_66, %dma_start3A_67] : memref<2x1x125xi32, #tpu.memory_space<vmem>> -> memref<1x1x125xi32, #tpu.memory_space<vmem>>
    %dma_start3A_69 = tpu.memref_squeeze %dma_start3A_68 : memref<1x1x125xi32, #tpu.memory_space<vmem>> -> memref<1x125xi32, #tpu.memory_space<vmem>>
    %dma_start3A_70 = arith.constant 0 : i32
    %dma_start3A_71 = arith.constant 0 : i32
    %dma_start3A_72 = tpu.memref_slice %arg4[%dma_start3A_63, %add3A_62, %dma_start3A_70, %dma_start3A_71] : memref<2x2560x1x125xi32, #tpu.memory_space<hbm>> -> memref<1x1x1x125xi32, #tpu.memory_space<hbm>>
    %dma_start3A_73 = tpu.memref_squeeze %dma_start3A_72 : memref<1x1x1x125xi32, #tpu.memory_space<hbm>> -> memref<1x125xi32, #tpu.memory_space<hbm>>
    %dma_start3A_74 = tpu.memref_slice %arg10[%dma_start3A_65] : memref<2x!tpu.dma_semaphore, #tpu.memory_space<semaphore_mem>> -> memref<1x!tpu.dma_semaphore, #tpu.memory_space<semaphore_mem>>
    %dma_start3A_75 = tpu.memref_squeeze %dma_start3A_74 : memref<1x!tpu.dma_semaphore, #tpu.memory_space<semaphore_mem>> -> memref<!tpu.dma_semaphore, #tpu.memory_space<semaphore_mem>>
    %dma_start3A_76 = arith.constant 0 : i32
    %dma_start3A_77 = arith.constant 0 : i32
    %dma_start3A_78 = tpu.memref_slice %arg7[%dma_start3A_64, %dma_start3A_76, %dma_start3A_77] : memref<2x1x125xi32, #tpu.memory_space<vmem>> -> memref<1x1x125xi32, #tpu.memory_space<vmem>>
    %dma_start3A_79 = tpu.memref_squeeze %dma_start3A_78 : memref<1x1x125xi32, #tpu.memory_space<vmem>> -> memref<1x125xi32, #tpu.memory_space<vmem>>
    %dma_start3A_80 = arith.constant 0 : i32
    %dma_start3A_81 = arith.constant 0 : i32
    %dma_start3A_82 = tpu.memref_slice %arg4[%dma_start3A_63, %add3A_62, %dma_start3A_80, %dma_start3A_81] : memref<2x2560x1x125xi32, #tpu.memory_space<hbm>> -> memref<1x1x1x125xi32, #tpu.memory_space<hbm>>
    %dma_start3A_83 = tpu.memref_squeeze %dma_start3A_82 : memref<1x1x1x125xi32, #tpu.memory_space<hbm>> -> memref<1x125xi32, #tpu.memory_space<hbm>>
    tpu.enqueue_dma source(%dma_start3A_83 : memref<1x125xi32, #tpu.memory_space<hbm>>) target(%dma_start3A_79 : memref<1x125xi32, #tpu.memory_space<vmem>>) target_semaphore(%dma_start3A_75 : memref<!tpu.dma_semaphore, #tpu.memory_space<semaphore_mem>>)
    %mul3A_84 = arith.constant 640 : i32
    %mul3A_85 = arith.muli %arg1, %mul3A_84 : i32
    %mul3A_86 = arith.constant 640 : i32
    %mul3A_87 = arith.muli %arg1, %mul3A_86 : i32
    "tpu.region"() ({
      %run_scoped3A_98 = tpu.sem_alloc : memref<!tpu.dma_semaphore, #tpu.memory_space<semaphore_mem>>
      %dma_start3A_99 = arith.constant 0 : i32
      %dma_start3A_100 = tpu.memref_slice %arg11[%mul3A_87, %dma_start3A_99] : memref<10240x128xf32, #tpu.memory_space<vmem_shared>> -> memref<640x128xf32, #tpu.memory_space<vmem_shared>>
      %dma_start3A_101 = arith.constant 0 : i32
      %dma_start3A_102 = tpu.memref_slice %arg2[%mul3A_85, %dma_start3A_101] : memref<10240x128xf32, #tpu.memory_space<hbm>> -> memref<640x128xf32, #tpu.memory_space<hbm>>
      tpu.enqueue_dma source(%dma_start3A_102 : memref<640x128xf32, #tpu.memory_space<hbm>>) target(%dma_start3A_100 : memref<640x128xf32, #tpu.memory_space<vmem_shared>>) target_semaphore(%run_scoped3A_98 : memref<!tpu.dma_semaphore, #tpu.memory_space<semaphore_mem>>)
      %dma_wait3A = arith.constant 0 : i32
      %dma_wait3A_103 = tpu.memref_slice %arg11[%mul3A_87, %dma_wait3A] : memref<10240x128xf32, #tpu.memory_space<vmem_shared>> -> memref<640x128xf32, #tpu.memory_space<vmem_shared>>
      %dma_wait3A_104 = arith.constant 0 : i32
      %dma_wait3A_105 = tpu.memref_slice %arg2[%mul3A_85, %dma_wait3A_104] : memref<10240x128xf32, #tpu.memory_space<hbm>> -> memref<640x128xf32, #tpu.memory_space<hbm>>
      tpu.wait_dma2 semaphore(%run_scoped3A_98 : memref<!tpu.dma_semaphore, #tpu.memory_space<semaphore_mem>>) src(%dma_wait3A_105 : memref<640x128xf32, #tpu.memory_space<hbm>>) dst(%dma_wait3A_103 : memref<640x128xf32, #tpu.memory_space<vmem_shared>>)
      tpu.yield
    }) : () -> ()
    %barrier3A = arith.constant 0 : index
    tpu.barrier barrier_id(%barrier3A)
    %scan3A = arith.constant 0 : i32
    %scan3A_88 = arith.constant 0 : i32
    %scan3A_89 = arith.constant 40 : i32
    %scan3A_90 = arith.addi %scan3A_88, %scan3A_89 : i32
    %scan3A_91 = arith.constant 1 : i32
    scf.for %scan3A_98 = %scan3A_88 to %scan3A_90 step %scan3A_91  : i32 {
      %mul3A_99 = arith.constant 2 : i32
      %mul3A_100 = arith.muli %scan3A_98, %mul3A_99 : i32
      %add3A_101 = arith.constant 0 : i32
      %add3A_102 = arith.addi %mul3A_100, %add3A_101 : i32
      %dma_wait3A = arith.constant 0 : i32
      %dma_wait3A_103 = arith.constant 0 : i32
      %dma_wait3A_104 = arith.constant 0 : i32
      %dma_wait3A_105 = arith.constant 0 : i32
      %dma_wait3A_106 = arith.constant 0 : i32
      %dma_wait3A_107 = tpu.memref_slice %arg8[%dma_wait3A_103, %dma_wait3A_105, %dma_wait3A_106] : memref<2x125x128xf32, #tpu.memory_space<vmem>> -> memref<1x125x128xf32, #tpu.memory_space<vmem>>
      %dma_wait3A_108 = tpu.memref_squeeze %dma_wait3A_107 : memref<1x125x128xf32, #tpu.memory_space<vmem>> -> memref<125x128xf32, #tpu.memory_space<vmem>>
      %dma_wait3A_109 = arith.constant 0 : i32
      %dma_wait3A_110 = tpu.memref_slice %arg6[%add3A_102, %dma_wait3A, %dma_wait3A_109] : memref<80x1x125xi32, #tpu.memory_space<vmem>> -> memref<1x1x125xi32, #tpu.memory_space<vmem>>
      %dma_wait3A_111 = tpu.memref_squeeze %dma_wait3A_110 : memref<1x1x125xi32, #tpu.memory_space<vmem>> -> memref<125xi32, #tpu.memory_space<vmem>>
      %dma_wait3A_112 = arith.constant 0 : i32
      %dma_wait3A_113 = arith.constant 0 : i32
      %dma_wait3A_114 = tpu.memref_slice %arg3[%dma_wait3A_112, %dma_wait3A_113] : memref<10000x128xf32, #tpu.memory_space<hbm>> -> memref<10000x128xf32, #tpu.memory_space<hbm>>
      %dma_wait3A_115 = tpu.memref_slice %arg9[%dma_wait3A_104] : memref<2x!tpu.dma_semaphore, #tpu.memory_space<semaphore_mem>> -> memref<1x!tpu.dma_semaphore, #tpu.memory_space<semaphore_mem>>
      %dma_wait3A_116 = tpu.memref_squeeze %dma_wait3A_115 : memref<1x!tpu.dma_semaphore, #tpu.memory_space<semaphore_mem>> -> memref<!tpu.dma_semaphore, #tpu.memory_space<semaphore_mem>>
      tpu.wait_indirect_dma semaphore(%dma_wait3A_116 : memref<!tpu.dma_semaphore, #tpu.memory_space<semaphore_mem>>) src(%dma_wait3A_114 : memref<10000x128xf32, #tpu.memory_space<hbm>>) dst(%dma_wait3A_108 : memref<125x128xf32, #tpu.memory_space<vmem>>)
      %mul3A_117 = arith.constant 80 : i32
      %mul3A_118 = arith.muli %add3A, %mul3A_117 : i32
      %add3A_119 = arith.addi %mul3A_118, %add3A_102 : i32
      %dma_wait3A_120 = arith.constant 1 : i32
      %dma_wait3A_121 = arith.constant 0 : i32
      %dma_wait3A_122 = arith.constant 0 : i32
      %dma_wait3A_123 = arith.constant 0 : i32
      %dma_wait3A_124 = arith.constant 0 : i32
      %dma_wait3A_125 = tpu.memref_slice %arg7[%dma_wait3A_121, %dma_wait3A_123, %dma_wait3A_124] : memref<2x1x125xi32, #tpu.memory_space<vmem>> -> memref<1x1x125xi32, #tpu.memory_space<vmem>>
      %dma_wait3A_126 = tpu.memref_squeeze %dma_wait3A_125 : memref<1x1x125xi32, #tpu.memory_space<vmem>> -> memref<1x125xi32, #tpu.memory_space<vmem>>
      %dma_wait3A_127 = arith.constant 0 : i32
      %dma_wait3A_128 = arith.constant 0 : i32
      %dma_wait3A_129 = tpu.memref_slice %arg4[%dma_wait3A_120, %add3A_119, %dma_wait3A_127, %dma_wait3A_128] : memref<2x2560x1x125xi32, #tpu.memory_space<hbm>> -> memref<1x1x1x125xi32, #tpu.memory_space<hbm>>
      %dma_wait3A_130 = tpu.memref_squeeze %dma_wait3A_129 : memref<1x1x1x125xi32, #tpu.memory_space<hbm>> -> memref<1x125xi32, #tpu.memory_space<hbm>>
      %dma_wait3A_131 = tpu.memref_slice %arg10[%dma_wait3A_122] : memref<2x!tpu.dma_semaphore, #tpu.memory_space<semaphore_mem>> -> memref<1x!tpu.dma_semaphore, #tpu.memory_space<semaphore_mem>>
      %dma_wait3A_132 = tpu.memref_squeeze %dma_wait3A_131 : memref<1x!tpu.dma_semaphore, #tpu.memory_space<semaphore_mem>> -> memref<!tpu.dma_semaphore, #tpu.memory_space<semaphore_mem>>
      %dma_wait3A_133 = arith.constant 0 : i32
      %dma_wait3A_134 = arith.constant 0 : i32
      %dma_wait3A_135 = tpu.memref_slice %arg7[%dma_wait3A_121, %dma_wait3A_133, %dma_wait3A_134] : memref<2x1x125xi32, #tpu.memory_space<vmem>> -> memref<1x1x125xi32, #tpu.memory_space<vmem>>
      %dma_wait3A_136 = tpu.memref_squeeze %dma_wait3A_135 : memref<1x1x125xi32, #tpu.memory_space<vmem>> -> memref<1x125xi32, #tpu.memory_space<vmem>>
      %dma_wait3A_137 = arith.constant 0 : i32
      %dma_wait3A_138 = arith.constant 0 : i32
      %dma_wait3A_139 = tpu.memref_slice %arg4[%dma_wait3A_120, %add3A_119, %dma_wait3A_137, %dma_wait3A_138] : memref<2x2560x1x125xi32, #tpu.memory_space<hbm>> -> memref<1x1x1x125xi32, #tpu.memory_space<hbm>>
      %dma_wait3A_140 = tpu.memref_squeeze %dma_wait3A_139 : memref<1x1x1x125xi32, #tpu.memory_space<hbm>> -> memref<1x125xi32, #tpu.memory_space<hbm>>
      tpu.wait_dma2 semaphore(%dma_wait3A_132 : memref<!tpu.dma_semaphore, #tpu.memory_space<semaphore_mem>>) src(%dma_wait3A_140 : memref<1x125xi32, #tpu.memory_space<hbm>>) dst(%dma_wait3A_136 : memref<1x125xi32, #tpu.memory_space<vmem>>)
      %run_scoped3A_141 = arith.constant 0 : i32
      %run_scoped3A_142 = arith.constant 0 : i32
      %run_scoped3A_143 = arith.constant 0 : i32
      "tpu.region"() ({
        %run_scoped3A_195 = tpu.sem_alloc : memref<!tpu.dma_semaphore, #tpu.memory_space<semaphore_mem>>
        %dma_start3A_196 = arith.constant 0 : i32
        %dma_start3A_197 = arith.constant 0 : i32
        %dma_start3A_198 = tpu.memref_slice %arg8[%run_scoped3A_141, %dma_start3A_196, %dma_start3A_197] : memref<2x125x128xf32, #tpu.memory_space<vmem>> -> memref<1x125x128xf32, #tpu.memory_space<vmem>>
        %dma_start3A_199 = tpu.memref_squeeze %dma_start3A_198 : memref<1x125x128xf32, #tpu.memory_space<vmem>> -> memref<125x128xf32, #tpu.memory_space<vmem>>
        %dma_start3A_200 = arith.constant 0 : i32
        %dma_start3A_201 = tpu.memref_slice %arg7[%run_scoped3A_142, %run_scoped3A_143, %dma_start3A_200] : memref<2x1x125xi32, #tpu.memory_space<vmem>> -> memref<1x1x125xi32, #tpu.memory_space<vmem>>
        %dma_start3A_202 = tpu.memref_squeeze %dma_start3A_201 : memref<1x1x125xi32, #tpu.memory_space<vmem>> -> memref<125xi32, #tpu.memory_space<vmem>>
        %dma_start3A_203 = arith.constant 0 : i32
        %dma_start3A_204 = arith.constant 0 : i32
        %dma_start3A_205 = tpu.memref_slice %arg11[%dma_start3A_203, %dma_start3A_204] : memref<10240x128xf32, #tpu.memory_space<vmem_shared>> -> memref<10240x128xf32, #tpu.memory_space<vmem_shared>>
        tpu.enqueue_indirect_dma source(%dma_start3A_199 : memref<125x128xf32, #tpu.memory_space<vmem>>) target(%dma_start3A_205 : memref<10240x128xf32, #tpu.memory_space<vmem_shared>>) offsets(%dma_start3A_202 : memref<125xi32, #tpu.memory_space<vmem>>) semaphore(%run_scoped3A_195 : memref<!tpu.dma_semaphore, #tpu.memory_space<semaphore_mem>>) {add = true}
        %dma_wait3A_206 = arith.constant 0 : i32
        %dma_wait3A_207 = arith.constant 0 : i32
        %dma_wait3A_208 = tpu.memref_slice %arg8[%run_scoped3A_141, %dma_wait3A_206, %dma_wait3A_207] : memref<2x125x128xf32, #tpu.memory_space<vmem>> -> memref<1x125x128xf32, #tpu.memory_space<vmem>>
        %dma_wait3A_209 = tpu.memref_squeeze %dma_wait3A_208 : memref<1x125x128xf32, #tpu.memory_space<vmem>> -> memref<125x128xf32, #tpu.memory_space<vmem>>
        %dma_wait3A_210 = arith.constant 0 : i32
        %dma_wait3A_211 = tpu.memref_slice %arg7[%run_scoped3A_142, %run_scoped3A_143, %dma_wait3A_210] : memref<2x1x125xi32, #tpu.memory_space<vmem>> -> memref<1x1x125xi32, #tpu.memory_space<vmem>>
        %dma_wait3A_212 = tpu.memref_squeeze %dma_wait3A_211 : memref<1x1x125xi32, #tpu.memory_space<vmem>> -> memref<125xi32, #tpu.memory_space<vmem>>
        %dma_wait3A_213 = arith.constant 0 : i32
        %dma_wait3A_214 = arith.constant 0 : i32
        %dma_wait3A_215 = tpu.memref_slice %arg11[%dma_wait3A_213, %dma_wait3A_214] : memref<10240x128xf32, #tpu.memory_space<vmem_shared>> -> memref<10240x128xf32, #tpu.memory_space<vmem_shared>>
        tpu.wait_indirect_dma semaphore(%run_scoped3A_195 : memref<!tpu.dma_semaphore, #tpu.memory_space<semaphore_mem>>) src(%dma_wait3A_209 : memref<125x128xf32, #tpu.memory_space<vmem>>) dst(%dma_wait3A_215 : memref<10240x128xf32, #tpu.memory_space<vmem_shared>>)
        tpu.yield
      }) : () -> ()
      %lt3A = arith.constant 39 : i32
      %lt3A_144 = arith.cmpi slt, %scan3A_98, %lt3A : i32
      %convert_element_type3A = arith.extui %lt3A_144 : i1 to i32
      %cond3A = arith.constant 0 : i32
      %cond3A_145 = arith.cmpi ne, %convert_element_type3A, %cond3A : i32
      scf.if %cond3A_145 {
        %add3A_195 = arith.constant 2 : i32
        %add3A_196 = arith.addi %add3A_102, %add3A_195 : i32
        %dma_start3A_197 = arith.constant 0 : i32
        %dma_start3A_198 = arith.constant 0 : i32
        %dma_start3A_199 = arith.constant 0 : i32
        %dma_start3A_200 = arith.constant 0 : i32
        %dma_start3A_201 = arith.constant 0 : i32
        %dma_start3A_202 = tpu.memref_slice %arg8[%dma_start3A_198, %dma_start3A_200, %dma_start3A_201] : memref<2x125x128xf32, #tpu.memory_space<vmem>> -> memref<1x125x128xf32, #tpu.memory_space<vmem>>
        %dma_start3A_203 = tpu.memref_squeeze %dma_start3A_202 : memref<1x125x128xf32, #tpu.memory_space<vmem>> -> memref<125x128xf32, #tpu.memory_space<vmem>>
        %dma_start3A_204 = arith.constant 0 : i32
        %dma_start3A_205 = tpu.memref_slice %arg6[%add3A_196, %dma_start3A_197, %dma_start3A_204] : memref<80x1x125xi32, #tpu.memory_space<vmem>> -> memref<1x1x125xi32, #tpu.memory_space<vmem>>
        %dma_start3A_206 = tpu.memref_squeeze %dma_start3A_205 : memref<1x1x125xi32, #tpu.memory_space<vmem>> -> memref<125xi32, #tpu.memory_space<vmem>>
        %dma_start3A_207 = arith.constant 0 : i32
        %dma_start3A_208 = arith.constant 0 : i32
        %dma_start3A_209 = tpu.memref_slice %arg3[%dma_start3A_207, %dma_start3A_208] : memref<10000x128xf32, #tpu.memory_space<hbm>> -> memref<10000x128xf32, #tpu.memory_space<hbm>>
        %dma_start3A_210 = tpu.memref_slice %arg9[%dma_start3A_199] : memref<2x!tpu.dma_semaphore, #tpu.memory_space<semaphore_mem>> -> memref<1x!tpu.dma_semaphore, #tpu.memory_space<semaphore_mem>>
        %dma_start3A_211 = tpu.memref_squeeze %dma_start3A_210 : memref<1x!tpu.dma_semaphore, #tpu.memory_space<semaphore_mem>> -> memref<!tpu.dma_semaphore, #tpu.memory_space<semaphore_mem>>
        tpu.enqueue_indirect_dma source(%dma_start3A_209 : memref<10000x128xf32, #tpu.memory_space<hbm>>) target(%dma_start3A_203 : memref<125x128xf32, #tpu.memory_space<vmem>>) offsets(%dma_start3A_206 : memref<125xi32, #tpu.memory_space<vmem>>) semaphore(%dma_start3A_211 : memref<!tpu.dma_semaphore, #tpu.memory_space<semaphore_mem>>)
        %mul3A_212 = arith.constant 80 : i32
        %mul3A_213 = arith.muli %add3A, %mul3A_212 : i32
        %add3A_214 = arith.addi %mul3A_213, %add3A_196 : i32
        %dma_start3A_215 = arith.constant 1 : i32
        %dma_start3A_216 = arith.constant 0 : i32
        %dma_start3A_217 = arith.constant 0 : i32
        %dma_start3A_218 = arith.constant 0 : i32
        %dma_start3A_219 = arith.constant 0 : i32
        %dma_start3A_220 = tpu.memref_slice %arg7[%dma_start3A_216, %dma_start3A_218, %dma_start3A_219] : memref<2x1x125xi32, #tpu.memory_space<vmem>> -> memref<1x1x125xi32, #tpu.memory_space<vmem>>
        %dma_start3A_221 = tpu.memref_squeeze %dma_start3A_220 : memref<1x1x125xi32, #tpu.memory_space<vmem>> -> memref<1x125xi32, #tpu.memory_space<vmem>>
        %dma_start3A_222 = arith.constant 0 : i32
        %dma_start3A_223 = arith.constant 0 : i32
        %dma_start3A_224 = tpu.memref_slice %arg4[%dma_start3A_215, %add3A_214, %dma_start3A_222, %dma_start3A_223] : memref<2x2560x1x125xi32, #tpu.memory_space<hbm>> -> memref<1x1x1x125xi32, #tpu.memory_space<hbm>>
        %dma_start3A_225 = tpu.memref_squeeze %dma_start3A_224 : memref<1x1x1x125xi32, #tpu.memory_space<hbm>> -> memref<1x125xi32, #tpu.memory_space<hbm>>
        %dma_start3A_226 = tpu.memref_slice %arg10[%dma_start3A_217] : memref<2x!tpu.dma_semaphore, #tpu.memory_space<semaphore_mem>> -> memref<1x!tpu.dma_semaphore, #tpu.memory_space<semaphore_mem>>
        %dma_start3A_227 = tpu.memref_squeeze %dma_start3A_226 : memref<1x!tpu.dma_semaphore, #tpu.memory_space<semaphore_mem>> -> memref<!tpu.dma_semaphore, #tpu.memory_space<semaphore_mem>>
        %dma_start3A_228 = arith.constant 0 : i32
        %dma_start3A_229 = arith.constant 0 : i32
        %dma_start3A_230 = tpu.memref_slice %arg7[%dma_start3A_216, %dma_start3A_228, %dma_start3A_229] : memref<2x1x125xi32, #tpu.memory_space<vmem>> -> memref<1x1x125xi32, #tpu.memory_space<vmem>>
        %dma_start3A_231 = tpu.memref_squeeze %dma_start3A_230 : memref<1x1x125xi32, #tpu.memory_space<vmem>> -> memref<1x125xi32, #tpu.memory_space<vmem>>
        %dma_start3A_232 = arith.constant 0 : i32
        %dma_start3A_233 = arith.constant 0 : i32
        %dma_start3A_234 = tpu.memref_slice %arg4[%dma_start3A_215, %add3A_214, %dma_start3A_232, %dma_start3A_233] : memref<2x2560x1x125xi32, #tpu.memory_space<hbm>> -> memref<1x1x1x125xi32, #tpu.memory_space<hbm>>
        %dma_start3A_235 = tpu.memref_squeeze %dma_start3A_234 : memref<1x1x1x125xi32, #tpu.memory_space<hbm>> -> memref<1x125xi32, #tpu.memory_space<hbm>>
        tpu.enqueue_dma source(%dma_start3A_235 : memref<1x125xi32, #tpu.memory_space<hbm>>) target(%dma_start3A_231 : memref<1x125xi32, #tpu.memory_space<vmem>>) target_semaphore(%dma_start3A_227 : memref<!tpu.dma_semaphore, #tpu.memory_space<semaphore_mem>>)
      } else {
      }
      %add3A_146 = arith.constant 1 : i32
      %add3A_147 = arith.addi %mul3A_100, %add3A_146 : i32
      %dma_wait3A_148 = arith.constant 0 : i32
      %dma_wait3A_149 = arith.constant 1 : i32
      %dma_wait3A_150 = arith.constant 1 : i32
      %dma_wait3A_151 = arith.constant 0 : i32
      %dma_wait3A_152 = arith.constant 0 : i32
      %dma_wait3A_153 = tpu.memref_slice %arg8[%dma_wait3A_149, %dma_wait3A_151, %dma_wait3A_152] : memref<2x125x128xf32, #tpu.memory_space<vmem>> -> memref<1x125x128xf32, #tpu.memory_space<vmem>>
      %dma_wait3A_154 = tpu.memref_squeeze %dma_wait3A_153 : memref<1x125x128xf32, #tpu.memory_space<vmem>> -> memref<125x128xf32, #tpu.memory_space<vmem>>
      %dma_wait3A_155 = arith.constant 0 : i32
      %dma_wait3A_156 = tpu.memref_slice %arg6[%add3A_147, %dma_wait3A_148, %dma_wait3A_155] : memref<80x1x125xi32, #tpu.memory_space<vmem>> -> memref<1x1x125xi32, #tpu.memory_space<vmem>>
      %dma_wait3A_157 = tpu.memref_squeeze %dma_wait3A_156 : memref<1x1x125xi32, #tpu.memory_space<vmem>> -> memref<125xi32, #tpu.memory_space<vmem>>
      %dma_wait3A_158 = arith.constant 0 : i32
      %dma_wait3A_159 = arith.constant 0 : i32
      %dma_wait3A_160 = tpu.memref_slice %arg3[%dma_wait3A_158, %dma_wait3A_159] : memref<10000x128xf32, #tpu.memory_space<hbm>> -> memref<10000x128xf32, #tpu.memory_space<hbm>>
      %dma_wait3A_161 = tpu.memref_slice %arg9[%dma_wait3A_150] : memref<2x!tpu.dma_semaphore, #tpu.memory_space<semaphore_mem>> -> memref<1x!tpu.dma_semaphore, #tpu.memory_space<semaphore_mem>>
      %dma_wait3A_162 = tpu.memref_squeeze %dma_wait3A_161 : memref<1x!tpu.dma_semaphore, #tpu.memory_space<semaphore_mem>> -> memref<!tpu.dma_semaphore, #tpu.memory_space<semaphore_mem>>
      tpu.wait_indirect_dma semaphore(%dma_wait3A_162 : memref<!tpu.dma_semaphore, #tpu.memory_space<semaphore_mem>>) src(%dma_wait3A_160 : memref<10000x128xf32, #tpu.memory_space<hbm>>) dst(%dma_wait3A_154 : memref<125x128xf32, #tpu.memory_space<vmem>>)
      %mul3A_163 = arith.constant 80 : i32
      %mul3A_164 = arith.muli %add3A, %mul3A_163 : i32
      %add3A_165 = arith.addi %mul3A_164, %add3A_147 : i32
      %dma_wait3A_166 = arith.constant 1 : i32
      %dma_wait3A_167 = arith.constant 1 : i32
      %dma_wait3A_168 = arith.constant 1 : i32
      %dma_wait3A_169 = arith.constant 0 : i32
      %dma_wait3A_170 = arith.constant 0 : i32
      %dma_wait3A_171 = tpu.memref_slice %arg7[%dma_wait3A_167, %dma_wait3A_169, %dma_wait3A_170] : memref<2x1x125xi32, #tpu.memory_space<vmem>> -> memref<1x1x125xi32, #tpu.memory_space<vmem>>
      %dma_wait3A_172 = tpu.memref_squeeze %dma_wait3A_171 : memref<1x1x125xi32, #tpu.memory_space<vmem>> -> memref<1x125xi32, #tpu.memory_space<vmem>>
      %dma_wait3A_173 = arith.constant 0 : i32
      %dma_wait3A_174 = arith.constant 0 : i32
      %dma_wait3A_175 = tpu.memref_slice %arg4[%dma_wait3A_166, %add3A_165, %dma_wait3A_173, %dma_wait3A_174] : memref<2x2560x1x125xi32, #tpu.memory_space<hbm>> -> memref<1x1x1x125xi32, #tpu.memory_space<hbm>>
      %dma_wait3A_176 = tpu.memref_squeeze %dma_wait3A_175 : memref<1x1x1x125xi32, #tpu.memory_space<hbm>> -> memref<1x125xi32, #tpu.memory_space<hbm>>
      %dma_wait3A_177 = tpu.memref_slice %arg10[%dma_wait3A_168] : memref<2x!tpu.dma_semaphore, #tpu.memory_space<semaphore_mem>> -> memref<1x!tpu.dma_semaphore, #tpu.memory_space<semaphore_mem>>
      %dma_wait3A_178 = tpu.memref_squeeze %dma_wait3A_177 : memref<1x!tpu.dma_semaphore, #tpu.memory_space<semaphore_mem>> -> memref<!tpu.dma_semaphore, #tpu.memory_space<semaphore_mem>>
      %dma_wait3A_179 = arith.constant 0 : i32
      %dma_wait3A_180 = arith.constant 0 : i32
      %dma_wait3A_181 = tpu.memref_slice %arg7[%dma_wait3A_167, %dma_wait3A_179, %dma_wait3A_180] : memref<2x1x125xi32, #tpu.memory_space<vmem>> -> memref<1x1x125xi32, #tpu.memory_space<vmem>>
      %dma_wait3A_182 = tpu.memref_squeeze %dma_wait3A_181 : memref<1x1x125xi32, #tpu.memory_space<vmem>> -> memref<1x125xi32, #tpu.memory_space<vmem>>
      %dma_wait3A_183 = arith.constant 0 : i32
      %dma_wait3A_184 = arith.constant 0 : i32
      %dma_wait3A_185 = tpu.memref_slice %arg4[%dma_wait3A_166, %add3A_165, %dma_wait3A_183, %dma_wait3A_184] : memref<2x2560x1x125xi32, #tpu.memory_space<hbm>> -> memref<1x1x1x125xi32, #tpu.memory_space<hbm>>
      %dma_wait3A_186 = tpu.memref_squeeze %dma_wait3A_185 : memref<1x1x1x125xi32, #tpu.memory_space<hbm>> -> memref<1x125xi32, #tpu.memory_space<hbm>>
      tpu.wait_dma2 semaphore(%dma_wait3A_178 : memref<!tpu.dma_semaphore, #tpu.memory_space<semaphore_mem>>) src(%dma_wait3A_186 : memref<1x125xi32, #tpu.memory_space<hbm>>) dst(%dma_wait3A_182 : memref<1x125xi32, #tpu.memory_space<vmem>>)
      %run_scoped3A_187 = arith.constant 1 : i32
      %run_scoped3A_188 = arith.constant 1 : i32
      %run_scoped3A_189 = arith.constant 0 : i32
      "tpu.region"() ({
        %run_scoped3A_195 = tpu.sem_alloc : memref<!tpu.dma_semaphore, #tpu.memory_space<semaphore_mem>>
        %dma_start3A_196 = arith.constant 0 : i32
        %dma_start3A_197 = arith.constant 0 : i32
        %dma_start3A_198 = tpu.memref_slice %arg8[%run_scoped3A_187, %dma_start3A_196, %dma_start3A_197] : memref<2x125x128xf32, #tpu.memory_space<vmem>> -> memref<1x125x128xf32, #tpu.memory_space<vmem>>
        %dma_start3A_199 = tpu.memref_squeeze %dma_start3A_198 : memref<1x125x128xf32, #tpu.memory_space<vmem>> -> memref<125x128xf32, #tpu.memory_space<vmem>>
        %dma_start3A_200 = arith.constant 0 : i32
        %dma_start3A_201 = tpu.memref_slice %arg7[%run_scoped3A_188, %run_scoped3A_189, %dma_start3A_200] : memref<2x1x125xi32, #tpu.memory_space<vmem>> -> memref<1x1x125xi32, #tpu.memory_space<vmem>>
        %dma_start3A_202 = tpu.memref_squeeze %dma_start3A_201 : memref<1x1x125xi32, #tpu.memory_space<vmem>> -> memref<125xi32, #tpu.memory_space<vmem>>
        %dma_start3A_203 = arith.constant 0 : i32
        %dma_start3A_204 = arith.constant 0 : i32
        %dma_start3A_205 = tpu.memref_slice %arg11[%dma_start3A_203, %dma_start3A_204] : memref<10240x128xf32, #tpu.memory_space<vmem_shared>> -> memref<10240x128xf32, #tpu.memory_space<vmem_shared>>
        tpu.enqueue_indirect_dma source(%dma_start3A_199 : memref<125x128xf32, #tpu.memory_space<vmem>>) target(%dma_start3A_205 : memref<10240x128xf32, #tpu.memory_space<vmem_shared>>) offsets(%dma_start3A_202 : memref<125xi32, #tpu.memory_space<vmem>>) semaphore(%run_scoped3A_195 : memref<!tpu.dma_semaphore, #tpu.memory_space<semaphore_mem>>) {add = true}
        %dma_wait3A_206 = arith.constant 0 : i32
        %dma_wait3A_207 = arith.constant 0 : i32
        %dma_wait3A_208 = tpu.memref_slice %arg8[%run_scoped3A_187, %dma_wait3A_206, %dma_wait3A_207] : memref<2x125x128xf32, #tpu.memory_space<vmem>> -> memref<1x125x128xf32, #tpu.memory_space<vmem>>
        %dma_wait3A_209 = tpu.memref_squeeze %dma_wait3A_208 : memref<1x125x128xf32, #tpu.memory_space<vmem>> -> memref<125x128xf32, #tpu.memory_space<vmem>>
        %dma_wait3A_210 = arith.constant 0 : i32
        %dma_wait3A_211 = tpu.memref_slice %arg7[%run_scoped3A_188, %run_scoped3A_189, %dma_wait3A_210] : memref<2x1x125xi32, #tpu.memory_space<vmem>> -> memref<1x1x125xi32, #tpu.memory_space<vmem>>
        %dma_wait3A_212 = tpu.memref_squeeze %dma_wait3A_211 : memref<1x1x125xi32, #tpu.memory_space<vmem>> -> memref<125xi32, #tpu.memory_space<vmem>>
        %dma_wait3A_213 = arith.constant 0 : i32
        %dma_wait3A_214 = arith.constant 0 : i32
        %dma_wait3A_215 = tpu.memref_slice %arg11[%dma_wait3A_213, %dma_wait3A_214] : memref<10240x128xf32, #tpu.memory_space<vmem_shared>> -> memref<10240x128xf32, #tpu.memory_space<vmem_shared>>
        tpu.wait_indirect_dma semaphore(%run_scoped3A_195 : memref<!tpu.dma_semaphore, #tpu.memory_space<semaphore_mem>>) src(%dma_wait3A_209 : memref<125x128xf32, #tpu.memory_space<vmem>>) dst(%dma_wait3A_215 : memref<10240x128xf32, #tpu.memory_space<vmem_shared>>)
        tpu.yield
      }) : () -> ()
      %lt3A_190 = arith.constant 39 : i32
      %lt3A_191 = arith.cmpi slt, %scan3A_98, %lt3A_190 : i32
      %convert_element_type3A_192 = arith.extui %lt3A_191 : i1 to i32
      %cond3A_193 = arith.constant 0 : i32
      %cond3A_194 = arith.cmpi ne, %convert_element_type3A_192, %cond3A_193 : i32
      scf.if %cond3A_194 {
        %add3A_195 = arith.constant 2 : i32
        %add3A_196 = arith.addi %add3A_147, %add3A_195 : i32
        %dma_start3A_197 = arith.constant 0 : i32
        %dma_start3A_198 = arith.constant 1 : i32
        %dma_start3A_199 = arith.constant 1 : i32
        %dma_start3A_200 = arith.constant 0 : i32
        %dma_start3A_201 = arith.constant 0 : i32
        %dma_start3A_202 = tpu.memref_slice %arg8[%dma_start3A_198, %dma_start3A_200, %dma_start3A_201] : memref<2x125x128xf32, #tpu.memory_space<vmem>> -> memref<1x125x128xf32, #tpu.memory_space<vmem>>
        %dma_start3A_203 = tpu.memref_squeeze %dma_start3A_202 : memref<1x125x128xf32, #tpu.memory_space<vmem>> -> memref<125x128xf32, #tpu.memory_space<vmem>>
        %dma_start3A_204 = arith.constant 0 : i32
        %dma_start3A_205 = tpu.memref_slice %arg6[%add3A_196, %dma_start3A_197, %dma_start3A_204] : memref<80x1x125xi32, #tpu.memory_space<vmem>> -> memref<1x1x125xi32, #tpu.memory_space<vmem>>
        %dma_start3A_206 = tpu.memref_squeeze %dma_start3A_205 : memref<1x1x125xi32, #tpu.memory_space<vmem>> -> memref<125xi32, #tpu.memory_space<vmem>>
        %dma_start3A_207 = arith.constant 0 : i32
        %dma_start3A_208 = arith.constant 0 : i32
        %dma_start3A_209 = tpu.memref_slice %arg3[%dma_start3A_207, %dma_start3A_208] : memref<10000x128xf32, #tpu.memory_space<hbm>> -> memref<10000x128xf32, #tpu.memory_space<hbm>>
        %dma_start3A_210 = tpu.memref_slice %arg9[%dma_start3A_199] : memref<2x!tpu.dma_semaphore, #tpu.memory_space<semaphore_mem>> -> memref<1x!tpu.dma_semaphore, #tpu.memory_space<semaphore_mem>>
        %dma_start3A_211 = tpu.memref_squeeze %dma_start3A_210 : memref<1x!tpu.dma_semaphore, #tpu.memory_space<semaphore_mem>> -> memref<!tpu.dma_semaphore, #tpu.memory_space<semaphore_mem>>
        tpu.enqueue_indirect_dma source(%dma_start3A_209 : memref<10000x128xf32, #tpu.memory_space<hbm>>) target(%dma_start3A_203 : memref<125x128xf32, #tpu.memory_space<vmem>>) offsets(%dma_start3A_206 : memref<125xi32, #tpu.memory_space<vmem>>) semaphore(%dma_start3A_211 : memref<!tpu.dma_semaphore, #tpu.memory_space<semaphore_mem>>)
        %mul3A_212 = arith.constant 80 : i32
        %mul3A_213 = arith.muli %add3A, %mul3A_212 : i32
        %add3A_214 = arith.addi %mul3A_213, %add3A_196 : i32
        %dma_start3A_215 = arith.constant 1 : i32
        %dma_start3A_216 = arith.constant 1 : i32
        %dma_start3A_217 = arith.constant 1 : i32
        %dma_start3A_218 = arith.constant 0 : i32
        %dma_start3A_219 = arith.constant 0 : i32
        %dma_start3A_220 = tpu.memref_slice %arg7[%dma_start3A_216, %dma_start3A_218, %dma_start3A_219] : memref<2x1x125xi32, #tpu.memory_space<vmem>> -> memref<1x1x125xi32, #tpu.memory_space<vmem>>
        %dma_start3A_221 = tpu.memref_squeeze %dma_start3A_220 : memref<1x1x125xi32, #tpu.memory_space<vmem>> -> memref<1x125xi32, #tpu.memory_space<vmem>>
        %dma_start3A_222 = arith.constant 0 : i32
        %dma_start3A_223 = arith.constant 0 : i32
        %dma_start3A_224 = tpu.memref_slice %arg4[%dma_start3A_215, %add3A_214, %dma_start3A_222, %dma_start3A_223] : memref<2x2560x1x125xi32, #tpu.memory_space<hbm>> -> memref<1x1x1x125xi32, #tpu.memory_space<hbm>>
        %dma_start3A_225 = tpu.memref_squeeze %dma_start3A_224 : memref<1x1x1x125xi32, #tpu.memory_space<hbm>> -> memref<1x125xi32, #tpu.memory_space<hbm>>
        %dma_start3A_226 = tpu.memref_slice %arg10[%dma_start3A_217] : memref<2x!tpu.dma_semaphore, #tpu.memory_space<semaphore_mem>> -> memref<1x!tpu.dma_semaphore, #tpu.memory_space<semaphore_mem>>
        %dma_start3A_227 = tpu.memref_squeeze %dma_start3A_226 : memref<1x!tpu.dma_semaphore, #tpu.memory_space<semaphore_mem>> -> memref<!tpu.dma_semaphore, #tpu.memory_space<semaphore_mem>>
        %dma_start3A_228 = arith.constant 0 : i32
        %dma_start3A_229 = arith.constant 0 : i32
        %dma_start3A_230 = tpu.memref_slice %arg7[%dma_start3A_216, %dma_start3A_228, %dma_start3A_229] : memref<2x1x125xi32, #tpu.memory_space<vmem>> -> memref<1x1x125xi32, #tpu.memory_space<vmem>>
        %dma_start3A_231 = tpu.memref_squeeze %dma_start3A_230 : memref<1x1x125xi32, #tpu.memory_space<vmem>> -> memref<1x125xi32, #tpu.memory_space<vmem>>
        %dma_start3A_232 = arith.constant 0 : i32
        %dma_start3A_233 = arith.constant 0 : i32
        %dma_start3A_234 = tpu.memref_slice %arg4[%dma_start3A_215, %add3A_214, %dma_start3A_232, %dma_start3A_233] : memref<2x2560x1x125xi32, #tpu.memory_space<hbm>> -> memref<1x1x1x125xi32, #tpu.memory_space<hbm>>
        %dma_start3A_235 = tpu.memref_squeeze %dma_start3A_234 : memref<1x1x1x125xi32, #tpu.memory_space<hbm>> -> memref<1x125xi32, #tpu.memory_space<hbm>>
        tpu.enqueue_dma source(%dma_start3A_235 : memref<1x125xi32, #tpu.memory_space<hbm>>) target(%dma_start3A_231 : memref<1x125xi32, #tpu.memory_space<vmem>>) target_semaphore(%dma_start3A_227 : memref<!tpu.dma_semaphore, #tpu.memory_space<semaphore_mem>>)
      } else {
      }
    }
    %scan3A_92 = arith.constant 40 : i32
    %barrier3A_93 = arith.constant 0 : index
    tpu.barrier barrier_id(%barrier3A_93)
    %mul3A_94 = arith.constant 640 : i32
    %mul3A_95 = arith.muli %arg1, %mul3A_94 : i32
    %mul3A_96 = arith.constant 640 : i32
    %mul3A_97 = arith.muli %arg1, %mul3A_96 : i32
    "tpu.region"() ({
      %run_scoped3A_98 = tpu.sem_alloc : memref<!tpu.dma_semaphore, #tpu.memory_space<semaphore_mem>>
      %dma_start3A_99 = arith.constant 0 : i32
      %dma_start3A_100 = tpu.memref_slice %arg5[%arg0, %mul3A_97, %dma_start3A_99] : memref<2x10240x128xf32, #tpu.memory_space<hbm>> -> memref<1x640x128xf32, #tpu.memory_space<hbm>>
      %dma_start3A_101 = tpu.memref_squeeze %dma_start3A_100 : memref<1x640x128xf32, #tpu.memory_space<hbm>> -> memref<640x128xf32, #tpu.memory_space<hbm>>
      %dma_start3A_102 = arith.constant 0 : i32
      %dma_start3A_103 = tpu.memref_slice %arg11[%mul3A_95, %dma_start3A_102] : memref<10240x128xf32, #tpu.memory_space<vmem_shared>> -> memref<640x128xf32, #tpu.memory_space<vmem_shared>>
      tpu.enqueue_dma source(%dma_start3A_103 : memref<640x128xf32, #tpu.memory_space<vmem_shared>>) target(%dma_start3A_101 : memref<640x128xf32, #tpu.memory_space<hbm>>) target_semaphore(%run_scoped3A_98 : memref<!tpu.dma_semaphore, #tpu.memory_space<semaphore_mem>>)
      %dma_wait3A = arith.constant 0 : i32
      %dma_wait3A_104 = tpu.memref_slice %arg5[%arg0, %mul3A_97, %dma_wait3A] : memref<2x10240x128xf32, #tpu.memory_space<hbm>> -> memref<1x640x128xf32, #tpu.memory_space<hbm>>
      %dma_wait3A_105 = tpu.memref_squeeze %dma_wait3A_104 : memref<1x640x128xf32, #tpu.memory_space<hbm>> -> memref<640x128xf32, #tpu.memory_space<hbm>>
      %dma_wait3A_106 = arith.constant 0 : i32
      %dma_wait3A_107 = tpu.memref_slice %arg11[%mul3A_95, %dma_wait3A_106] : memref<10240x128xf32, #tpu.memory_space<vmem_shared>> -> memref<640x128xf32, #tpu.memory_space<vmem_shared>>
      tpu.wait_dma2 semaphore(%run_scoped3A_98 : memref<!tpu.dma_semaphore, #tpu.memory_space<semaphore_mem>>) src(%dma_wait3A_107 : memref<640x128xf32, #tpu.memory_space<vmem_shared>>) dst(%dma_wait3A_105 : memref<640x128xf32, #tpu.memory_space<hbm>>)
      tpu.yield
    }) : () -> ()
    return
  }
}

#map = affine_map<(d0, d1) -> (0, 0)>
#map1 = affine_map<(d0, d1) -> (0, 0, 0, 0)>
#map2 = affine_map<(d0, d1) -> (0, 0, 0)>
module attributes {stable_mosaic.version = 14 : i64} {
  func.func @_deg_body(%arg0: i32, %arg1: i32, %arg2: memref<10240x128xf32, #tpu.memory_space<hbm>>, %arg3: memref<125x128xf32, #tpu.memory_space<hbm>>, %arg4: memref<2x2560x1x125xi32, #tpu.memory_space<hbm>>, %arg5: memref<2x10240x128xf32, #tpu.memory_space<hbm>>, %arg6: memref<2x1x125xi32, #tpu.memory_space<vmem>>, %arg7: memref<125x128xf32, #tpu.memory_space<vmem>>, %arg8: memref<2x!tpu.dma_semaphore, #tpu.memory_space<semaphore_mem>>, %arg9: memref<10240x128xf32, #tpu.memory_space<vmem_shared>>) attributes {dimension_semantics = [#tpu.dimension_semantics<core_parallel>, #tpu.dimension_semantics<subcore_parallel>], iteration_bounds = array<i64: 2, 16>, scalar_prefetch = 0 : i64, scratch_operands = 4 : i64, tpu.core_type = #tpu.core_type<sc_vector_subcore>, window_params = [{transform_indices = #map}, {transform_indices = #map}, {transform_indices = #map1}, {transform_indices = #map2}]} {
    %mul3A = arith.constant 16 : i32
    %mul3A_0 = arith.muli %arg0, %mul3A : i32
    %add3A = arith.addi %mul3A_0, %arg1 : i32
    "tpu.region"() ({
      %run_scoped3A = tpu.sem_alloc : memref<!tpu.dma_semaphore, #tpu.memory_space<semaphore_mem>>
      tpu.enqueue_dma source(%arg3 : memref<125x128xf32, #tpu.memory_space<hbm>>) target(%arg7 : memref<125x128xf32, #tpu.memory_space<vmem>>) target_semaphore(%run_scoped3A : memref<!tpu.dma_semaphore, #tpu.memory_space<semaphore_mem>>)
      tpu.wait_dma2 semaphore(%run_scoped3A : memref<!tpu.dma_semaphore, #tpu.memory_space<semaphore_mem>>) src(%arg3 : memref<125x128xf32, #tpu.memory_space<hbm>>) dst(%arg7 : memref<125x128xf32, #tpu.memory_space<vmem>>)
      tpu.yield
    }) : () -> ()
    %mul3A_1 = arith.constant 80 : i32
    %mul3A_2 = arith.muli %add3A, %mul3A_1 : i32
    %add3A_3 = arith.constant 0 : i32
    %add3A_4 = arith.addi %mul3A_2, %add3A_3 : i32
    %dma_start3A = arith.constant 1 : i32
    %dma_start3A_5 = arith.constant 0 : i32
    %dma_start3A_6 = arith.constant 0 : i32
    %dma_start3A_7 = arith.constant 0 : i32
    %dma_start3A_8 = arith.constant 0 : i32
    %dma_start3A_9 = tpu.memref_slice %arg6[%dma_start3A_5, %dma_start3A_7, %dma_start3A_8] : memref<2x1x125xi32, #tpu.memory_space<vmem>> -> memref<1x1x125xi32, #tpu.memory_space<vmem>>
    %dma_start3A_10 = tpu.memref_squeeze %dma_start3A_9 : memref<1x1x125xi32, #tpu.memory_space<vmem>> -> memref<1x125xi32, #tpu.memory_space<vmem>>
    %dma_start3A_11 = arith.constant 0 : i32
    %dma_start3A_12 = arith.constant 0 : i32
    %dma_start3A_13 = tpu.memref_slice %arg4[%dma_start3A, %add3A_4, %dma_start3A_11, %dma_start3A_12] : memref<2x2560x1x125xi32, #tpu.memory_space<hbm>> -> memref<1x1x1x125xi32, #tpu.memory_space<hbm>>
    %dma_start3A_14 = tpu.memref_squeeze %dma_start3A_13 : memref<1x1x1x125xi32, #tpu.memory_space<hbm>> -> memref<1x125xi32, #tpu.memory_space<hbm>>
    %dma_start3A_15 = tpu.memref_slice %arg8[%dma_start3A_6] : memref<2x!tpu.dma_semaphore, #tpu.memory_space<semaphore_mem>> -> memref<1x!tpu.dma_semaphore, #tpu.memory_space<semaphore_mem>>
    %dma_start3A_16 = tpu.memref_squeeze %dma_start3A_15 : memref<1x!tpu.dma_semaphore, #tpu.memory_space<semaphore_mem>> -> memref<!tpu.dma_semaphore, #tpu.memory_space<semaphore_mem>>
    %dma_start3A_17 = arith.constant 0 : i32
    %dma_start3A_18 = arith.constant 0 : i32
    %dma_start3A_19 = tpu.memref_slice %arg6[%dma_start3A_5, %dma_start3A_17, %dma_start3A_18] : memref<2x1x125xi32, #tpu.memory_space<vmem>> -> memref<1x1x125xi32, #tpu.memory_space<vmem>>
    %dma_start3A_20 = tpu.memref_squeeze %dma_start3A_19 : memref<1x1x125xi32, #tpu.memory_space<vmem>> -> memref<1x125xi32, #tpu.memory_space<vmem>>
    %dma_start3A_21 = arith.constant 0 : i32
    %dma_start3A_22 = arith.constant 0 : i32
    %dma_start3A_23 = tpu.memref_slice %arg4[%dma_start3A, %add3A_4, %dma_start3A_21, %dma_start3A_22] : memref<2x2560x1x125xi32, #tpu.memory_space<hbm>> -> memref<1x1x1x125xi32, #tpu.memory_space<hbm>>
    %dma_start3A_24 = tpu.memref_squeeze %dma_start3A_23 : memref<1x1x1x125xi32, #tpu.memory_space<hbm>> -> memref<1x125xi32, #tpu.memory_space<hbm>>
    tpu.enqueue_dma source(%dma_start3A_24 : memref<1x125xi32, #tpu.memory_space<hbm>>) target(%dma_start3A_20 : memref<1x125xi32, #tpu.memory_space<vmem>>) target_semaphore(%dma_start3A_16 : memref<!tpu.dma_semaphore, #tpu.memory_space<semaphore_mem>>)
    %mul3A_25 = arith.constant 80 : i32
    %mul3A_26 = arith.muli %add3A, %mul3A_25 : i32
    %add3A_27 = arith.constant 1 : i32
    %add3A_28 = arith.addi %mul3A_26, %add3A_27 : i32
    %dma_start3A_29 = arith.constant 1 : i32
    %dma_start3A_30 = arith.constant 1 : i32
    %dma_start3A_31 = arith.constant 1 : i32
    %dma_start3A_32 = arith.constant 0 : i32
    %dma_start3A_33 = arith.constant 0 : i32
    %dma_start3A_34 = tpu.memref_slice %arg6[%dma_start3A_30, %dma_start3A_32, %dma_start3A_33] : memref<2x1x125xi32, #tpu.memory_space<vmem>> -> memref<1x1x125xi32, #tpu.memory_space<vmem>>
    %dma_start3A_35 = tpu.memref_squeeze %dma_start3A_34 : memref<1x1x125xi32, #tpu.memory_space<vmem>> -> memref<1x125xi32, #tpu.memory_space<vmem>>
    %dma_start3A_36 = arith.constant 0 : i32
    %dma_start3A_37 = arith.constant 0 : i32
    %dma_start3A_38 = tpu.memref_slice %arg4[%dma_start3A_29, %add3A_28, %dma_start3A_36, %dma_start3A_37] : memref<2x2560x1x125xi32, #tpu.memory_space<hbm>> -> memref<1x1x1x125xi32, #tpu.memory_space<hbm>>
    %dma_start3A_39 = tpu.memref_squeeze %dma_start3A_38 : memref<1x1x1x125xi32, #tpu.memory_space<hbm>> -> memref<1x125xi32, #tpu.memory_space<hbm>>
    %dma_start3A_40 = tpu.memref_slice %arg8[%dma_start3A_31] : memref<2x!tpu.dma_semaphore, #tpu.memory_space<semaphore_mem>> -> memref<1x!tpu.dma_semaphore, #tpu.memory_space<semaphore_mem>>
    %dma_start3A_41 = tpu.memref_squeeze %dma_start3A_40 : memref<1x!tpu.dma_semaphore, #tpu.memory_space<semaphore_mem>> -> memref<!tpu.dma_semaphore, #tpu.memory_space<semaphore_mem>>
    %dma_start3A_42 = arith.constant 0 : i32
    %dma_start3A_43 = arith.constant 0 : i32
    %dma_start3A_44 = tpu.memref_slice %arg6[%dma_start3A_30, %dma_start3A_42, %dma_start3A_43] : memref<2x1x125xi32, #tpu.memory_space<vmem>> -> memref<1x1x125xi32, #tpu.memory_space<vmem>>
    %dma_start3A_45 = tpu.memref_squeeze %dma_start3A_44 : memref<1x1x125xi32, #tpu.memory_space<vmem>> -> memref<1x125xi32, #tpu.memory_space<vmem>>
    %dma_start3A_46 = arith.constant 0 : i32
    %dma_start3A_47 = arith.constant 0 : i32
    %dma_start3A_48 = tpu.memref_slice %arg4[%dma_start3A_29, %add3A_28, %dma_start3A_46, %dma_start3A_47] : memref<2x2560x1x125xi32, #tpu.memory_space<hbm>> -> memref<1x1x1x125xi32, #tpu.memory_space<hbm>>
    %dma_start3A_49 = tpu.memref_squeeze %dma_start3A_48 : memref<1x1x1x125xi32, #tpu.memory_space<hbm>> -> memref<1x125xi32, #tpu.memory_space<hbm>>
    tpu.enqueue_dma source(%dma_start3A_49 : memref<1x125xi32, #tpu.memory_space<hbm>>) target(%dma_start3A_45 : memref<1x125xi32, #tpu.memory_space<vmem>>) target_semaphore(%dma_start3A_41 : memref<!tpu.dma_semaphore, #tpu.memory_space<semaphore_mem>>)
    %mul3A_50 = arith.constant 640 : i32
    %mul3A_51 = arith.muli %arg1, %mul3A_50 : i32
    %mul3A_52 = arith.constant 640 : i32
    %mul3A_53 = arith.muli %arg1, %mul3A_52 : i32
    "tpu.region"() ({
      %run_scoped3A = tpu.sem_alloc : memref<!tpu.dma_semaphore, #tpu.memory_space<semaphore_mem>>
      %dma_start3A_64 = arith.constant 0 : i32
      %dma_start3A_65 = tpu.memref_slice %arg9[%mul3A_53, %dma_start3A_64] : memref<10240x128xf32, #tpu.memory_space<vmem_shared>> -> memref<640x128xf32, #tpu.memory_space<vmem_shared>>
      %dma_start3A_66 = arith.constant 0 : i32
      %dma_start3A_67 = tpu.memref_slice %arg2[%mul3A_51, %dma_start3A_66] : memref<10240x128xf32, #tpu.memory_space<hbm>> -> memref<640x128xf32, #tpu.memory_space<hbm>>
      tpu.enqueue_dma source(%dma_start3A_67 : memref<640x128xf32, #tpu.memory_space<hbm>>) target(%dma_start3A_65 : memref<640x128xf32, #tpu.memory_space<vmem_shared>>) target_semaphore(%run_scoped3A : memref<!tpu.dma_semaphore, #tpu.memory_space<semaphore_mem>>)
      %dma_wait3A = arith.constant 0 : i32
      %dma_wait3A_68 = tpu.memref_slice %arg9[%mul3A_53, %dma_wait3A] : memref<10240x128xf32, #tpu.memory_space<vmem_shared>> -> memref<640x128xf32, #tpu.memory_space<vmem_shared>>
      %dma_wait3A_69 = arith.constant 0 : i32
      %dma_wait3A_70 = tpu.memref_slice %arg2[%mul3A_51, %dma_wait3A_69] : memref<10240x128xf32, #tpu.memory_space<hbm>> -> memref<640x128xf32, #tpu.memory_space<hbm>>
      tpu.wait_dma2 semaphore(%run_scoped3A : memref<!tpu.dma_semaphore, #tpu.memory_space<semaphore_mem>>) src(%dma_wait3A_70 : memref<640x128xf32, #tpu.memory_space<hbm>>) dst(%dma_wait3A_68 : memref<640x128xf32, #tpu.memory_space<vmem_shared>>)
      tpu.yield
    }) : () -> ()
    %barrier3A = arith.constant 0 : index
    tpu.barrier barrier_id(%barrier3A)
    %scan3A = arith.constant 0 : i32
    %scan3A_54 = arith.constant 0 : i32
    %scan3A_55 = arith.constant 40 : i32
    %scan3A_56 = arith.addi %scan3A_54, %scan3A_55 : i32
    %scan3A_57 = arith.constant 1 : i32
    scf.for %scan3A_64 = %scan3A_54 to %scan3A_56 step %scan3A_57  : i32 {
      %mul3A_65 = arith.constant 2 : i32
      %mul3A_66 = arith.muli %scan3A_64, %mul3A_65 : i32
      %add3A_67 = arith.constant 0 : i32
      %add3A_68 = arith.addi %mul3A_66, %add3A_67 : i32
      %mul3A_69 = arith.constant 80 : i32
      %mul3A_70 = arith.muli %add3A, %mul3A_69 : i32
      %add3A_71 = arith.addi %mul3A_70, %add3A_68 : i32
      %dma_wait3A = arith.constant 1 : i32
      %dma_wait3A_72 = arith.constant 0 : i32
      %dma_wait3A_73 = arith.constant 0 : i32
      %dma_wait3A_74 = arith.constant 0 : i32
      %dma_wait3A_75 = arith.constant 0 : i32
      %dma_wait3A_76 = tpu.memref_slice %arg6[%dma_wait3A_72, %dma_wait3A_74, %dma_wait3A_75] : memref<2x1x125xi32, #tpu.memory_space<vmem>> -> memref<1x1x125xi32, #tpu.memory_space<vmem>>
      %dma_wait3A_77 = tpu.memref_squeeze %dma_wait3A_76 : memref<1x1x125xi32, #tpu.memory_space<vmem>> -> memref<1x125xi32, #tpu.memory_space<vmem>>
      %dma_wait3A_78 = arith.constant 0 : i32
      %dma_wait3A_79 = arith.constant 0 : i32
      %dma_wait3A_80 = tpu.memref_slice %arg4[%dma_wait3A, %add3A_71, %dma_wait3A_78, %dma_wait3A_79] : memref<2x2560x1x125xi32, #tpu.memory_space<hbm>> -> memref<1x1x1x125xi32, #tpu.memory_space<hbm>>
      %dma_wait3A_81 = tpu.memref_squeeze %dma_wait3A_80 : memref<1x1x1x125xi32, #tpu.memory_space<hbm>> -> memref<1x125xi32, #tpu.memory_space<hbm>>
      %dma_wait3A_82 = tpu.memref_slice %arg8[%dma_wait3A_73] : memref<2x!tpu.dma_semaphore, #tpu.memory_space<semaphore_mem>> -> memref<1x!tpu.dma_semaphore, #tpu.memory_space<semaphore_mem>>
      %dma_wait3A_83 = tpu.memref_squeeze %dma_wait3A_82 : memref<1x!tpu.dma_semaphore, #tpu.memory_space<semaphore_mem>> -> memref<!tpu.dma_semaphore, #tpu.memory_space<semaphore_mem>>
      %dma_wait3A_84 = arith.constant 0 : i32
      %dma_wait3A_85 = arith.constant 0 : i32
      %dma_wait3A_86 = tpu.memref_slice %arg6[%dma_wait3A_72, %dma_wait3A_84, %dma_wait3A_85] : memref<2x1x125xi32, #tpu.memory_space<vmem>> -> memref<1x1x125xi32, #tpu.memory_space<vmem>>
      %dma_wait3A_87 = tpu.memref_squeeze %dma_wait3A_86 : memref<1x1x125xi32, #tpu.memory_space<vmem>> -> memref<1x125xi32, #tpu.memory_space<vmem>>
      %dma_wait3A_88 = arith.constant 0 : i32
      %dma_wait3A_89 = arith.constant 0 : i32
      %dma_wait3A_90 = tpu.memref_slice %arg4[%dma_wait3A, %add3A_71, %dma_wait3A_88, %dma_wait3A_89] : memref<2x2560x1x125xi32, #tpu.memory_space<hbm>> -> memref<1x1x1x125xi32, #tpu.memory_space<hbm>>
      %dma_wait3A_91 = tpu.memref_squeeze %dma_wait3A_90 : memref<1x1x1x125xi32, #tpu.memory_space<hbm>> -> memref<1x125xi32, #tpu.memory_space<hbm>>
      tpu.wait_dma2 semaphore(%dma_wait3A_83 : memref<!tpu.dma_semaphore, #tpu.memory_space<semaphore_mem>>) src(%dma_wait3A_91 : memref<1x125xi32, #tpu.memory_space<hbm>>) dst(%dma_wait3A_87 : memref<1x125xi32, #tpu.memory_space<vmem>>)
      %run_scoped3A = arith.constant 0 : i32
      %run_scoped3A_92 = arith.constant 0 : i32
      "tpu.region"() ({
        %run_scoped3A_128 = tpu.sem_alloc : memref<!tpu.dma_semaphore, #tpu.memory_space<semaphore_mem>>
        %dma_start3A_129 = arith.constant 0 : i32
        %dma_start3A_130 = tpu.memref_slice %arg6[%run_scoped3A, %run_scoped3A_92, %dma_start3A_129] : memref<2x1x125xi32, #tpu.memory_space<vmem>> -> memref<1x1x125xi32, #tpu.memory_space<vmem>>
        %dma_start3A_131 = tpu.memref_squeeze %dma_start3A_130 : memref<1x1x125xi32, #tpu.memory_space<vmem>> -> memref<125xi32, #tpu.memory_space<vmem>>
        %dma_start3A_132 = arith.constant 0 : i32
        %dma_start3A_133 = arith.constant 0 : i32
        %dma_start3A_134 = tpu.memref_slice %arg9[%dma_start3A_132, %dma_start3A_133] : memref<10240x128xf32, #tpu.memory_space<vmem_shared>> -> memref<10240x128xf32, #tpu.memory_space<vmem_shared>>
        tpu.enqueue_indirect_dma source(%arg7 : memref<125x128xf32, #tpu.memory_space<vmem>>) target(%dma_start3A_134 : memref<10240x128xf32, #tpu.memory_space<vmem_shared>>) offsets(%dma_start3A_131 : memref<125xi32, #tpu.memory_space<vmem>>) semaphore(%run_scoped3A_128 : memref<!tpu.dma_semaphore, #tpu.memory_space<semaphore_mem>>) {add = true}
        %dma_wait3A_135 = arith.constant 0 : i32
        %dma_wait3A_136 = tpu.memref_slice %arg6[%run_scoped3A, %run_scoped3A_92, %dma_wait3A_135] : memref<2x1x125xi32, #tpu.memory_space<vmem>> -> memref<1x1x125xi32, #tpu.memory_space<vmem>>
        %dma_wait3A_137 = tpu.memref_squeeze %dma_wait3A_136 : memref<1x1x125xi32, #tpu.memory_space<vmem>> -> memref<125xi32, #tpu.memory_space<vmem>>
        %dma_wait3A_138 = arith.constant 0 : i32
        %dma_wait3A_139 = arith.constant 0 : i32
        %dma_wait3A_140 = tpu.memref_slice %arg9[%dma_wait3A_138, %dma_wait3A_139] : memref<10240x128xf32, #tpu.memory_space<vmem_shared>> -> memref<10240x128xf32, #tpu.memory_space<vmem_shared>>
        tpu.wait_indirect_dma semaphore(%run_scoped3A_128 : memref<!tpu.dma_semaphore, #tpu.memory_space<semaphore_mem>>) src(%arg7 : memref<125x128xf32, #tpu.memory_space<vmem>>) dst(%dma_wait3A_140 : memref<10240x128xf32, #tpu.memory_space<vmem_shared>>)
        tpu.yield
      }) : () -> ()
      %lt3A = arith.constant 39 : i32
      %lt3A_93 = arith.cmpi slt, %scan3A_64, %lt3A : i32
      %convert_element_type3A = arith.extui %lt3A_93 : i1 to i32
      %cond3A = arith.constant 0 : i32
      %cond3A_94 = arith.cmpi ne, %convert_element_type3A, %cond3A : i32
      scf.if %cond3A_94 {
        %mul3A_128 = arith.constant 80 : i32
        %mul3A_129 = arith.muli %add3A, %mul3A_128 : i32
        %add3A_130 = arith.addi %mul3A_129, %add3A_68 : i32
        %add3A_131 = arith.constant 2 : i32
        %add3A_132 = arith.addi %add3A_130, %add3A_131 : i32
        %dma_start3A_133 = arith.constant 1 : i32
        %dma_start3A_134 = arith.constant 0 : i32
        %dma_start3A_135 = arith.constant 0 : i32
        %dma_start3A_136 = arith.constant 0 : i32
        %dma_start3A_137 = arith.constant 0 : i32
        %dma_start3A_138 = tpu.memref_slice %arg6[%dma_start3A_134, %dma_start3A_136, %dma_start3A_137] : memref<2x1x125xi32, #tpu.memory_space<vmem>> -> memref<1x1x125xi32, #tpu.memory_space<vmem>>
        %dma_start3A_139 = tpu.memref_squeeze %dma_start3A_138 : memref<1x1x125xi32, #tpu.memory_space<vmem>> -> memref<1x125xi32, #tpu.memory_space<vmem>>
        %dma_start3A_140 = arith.constant 0 : i32
        %dma_start3A_141 = arith.constant 0 : i32
        %dma_start3A_142 = tpu.memref_slice %arg4[%dma_start3A_133, %add3A_132, %dma_start3A_140, %dma_start3A_141] : memref<2x2560x1x125xi32, #tpu.memory_space<hbm>> -> memref<1x1x1x125xi32, #tpu.memory_space<hbm>>
        %dma_start3A_143 = tpu.memref_squeeze %dma_start3A_142 : memref<1x1x1x125xi32, #tpu.memory_space<hbm>> -> memref<1x125xi32, #tpu.memory_space<hbm>>
        %dma_start3A_144 = tpu.memref_slice %arg8[%dma_start3A_135] : memref<2x!tpu.dma_semaphore, #tpu.memory_space<semaphore_mem>> -> memref<1x!tpu.dma_semaphore, #tpu.memory_space<semaphore_mem>>
        %dma_start3A_145 = tpu.memref_squeeze %dma_start3A_144 : memref<1x!tpu.dma_semaphore, #tpu.memory_space<semaphore_mem>> -> memref<!tpu.dma_semaphore, #tpu.memory_space<semaphore_mem>>
        %dma_start3A_146 = arith.constant 0 : i32
        %dma_start3A_147 = arith.constant 0 : i32
        %dma_start3A_148 = tpu.memref_slice %arg6[%dma_start3A_134, %dma_start3A_146, %dma_start3A_147] : memref<2x1x125xi32, #tpu.memory_space<vmem>> -> memref<1x1x125xi32, #tpu.memory_space<vmem>>
        %dma_start3A_149 = tpu.memref_squeeze %dma_start3A_148 : memref<1x1x125xi32, #tpu.memory_space<vmem>> -> memref<1x125xi32, #tpu.memory_space<vmem>>
        %dma_start3A_150 = arith.constant 0 : i32
        %dma_start3A_151 = arith.constant 0 : i32
        %dma_start3A_152 = tpu.memref_slice %arg4[%dma_start3A_133, %add3A_132, %dma_start3A_150, %dma_start3A_151] : memref<2x2560x1x125xi32, #tpu.memory_space<hbm>> -> memref<1x1x1x125xi32, #tpu.memory_space<hbm>>
        %dma_start3A_153 = tpu.memref_squeeze %dma_start3A_152 : memref<1x1x1x125xi32, #tpu.memory_space<hbm>> -> memref<1x125xi32, #tpu.memory_space<hbm>>
        tpu.enqueue_dma source(%dma_start3A_153 : memref<1x125xi32, #tpu.memory_space<hbm>>) target(%dma_start3A_149 : memref<1x125xi32, #tpu.memory_space<vmem>>) target_semaphore(%dma_start3A_145 : memref<!tpu.dma_semaphore, #tpu.memory_space<semaphore_mem>>)
      } else {
      }
      %add3A_95 = arith.constant 1 : i32
      %add3A_96 = arith.addi %mul3A_66, %add3A_95 : i32
      %mul3A_97 = arith.constant 80 : i32
      %mul3A_98 = arith.muli %add3A, %mul3A_97 : i32
      %add3A_99 = arith.addi %mul3A_98, %add3A_96 : i32
      %dma_wait3A_100 = arith.constant 1 : i32
      %dma_wait3A_101 = arith.constant 1 : i32
      %dma_wait3A_102 = arith.constant 1 : i32
      %dma_wait3A_103 = arith.constant 0 : i32
      %dma_wait3A_104 = arith.constant 0 : i32
      %dma_wait3A_105 = tpu.memref_slice %arg6[%dma_wait3A_101, %dma_wait3A_103, %dma_wait3A_104] : memref<2x1x125xi32, #tpu.memory_space<vmem>> -> memref<1x1x125xi32, #tpu.memory_space<vmem>>
      %dma_wait3A_106 = tpu.memref_squeeze %dma_wait3A_105 : memref<1x1x125xi32, #tpu.memory_space<vmem>> -> memref<1x125xi32, #tpu.memory_space<vmem>>
      %dma_wait3A_107 = arith.constant 0 : i32
      %dma_wait3A_108 = arith.constant 0 : i32
      %dma_wait3A_109 = tpu.memref_slice %arg4[%dma_wait3A_100, %add3A_99, %dma_wait3A_107, %dma_wait3A_108] : memref<2x2560x1x125xi32, #tpu.memory_space<hbm>> -> memref<1x1x1x125xi32, #tpu.memory_space<hbm>>
      %dma_wait3A_110 = tpu.memref_squeeze %dma_wait3A_109 : memref<1x1x1x125xi32, #tpu.memory_space<hbm>> -> memref<1x125xi32, #tpu.memory_space<hbm>>
      %dma_wait3A_111 = tpu.memref_slice %arg8[%dma_wait3A_102] : memref<2x!tpu.dma_semaphore, #tpu.memory_space<semaphore_mem>> -> memref<1x!tpu.dma_semaphore, #tpu.memory_space<semaphore_mem>>
      %dma_wait3A_112 = tpu.memref_squeeze %dma_wait3A_111 : memref<1x!tpu.dma_semaphore, #tpu.memory_space<semaphore_mem>> -> memref<!tpu.dma_semaphore, #tpu.memory_space<semaphore_mem>>
      %dma_wait3A_113 = arith.constant 0 : i32
      %dma_wait3A_114 = arith.constant 0 : i32
      %dma_wait3A_115 = tpu.memref_slice %arg6[%dma_wait3A_101, %dma_wait3A_113, %dma_wait3A_114] : memref<2x1x125xi32, #tpu.memory_space<vmem>> -> memref<1x1x125xi32, #tpu.memory_space<vmem>>
      %dma_wait3A_116 = tpu.memref_squeeze %dma_wait3A_115 : memref<1x1x125xi32, #tpu.memory_space<vmem>> -> memref<1x125xi32, #tpu.memory_space<vmem>>
      %dma_wait3A_117 = arith.constant 0 : i32
      %dma_wait3A_118 = arith.constant 0 : i32
      %dma_wait3A_119 = tpu.memref_slice %arg4[%dma_wait3A_100, %add3A_99, %dma_wait3A_117, %dma_wait3A_118] : memref<2x2560x1x125xi32, #tpu.memory_space<hbm>> -> memref<1x1x1x125xi32, #tpu.memory_space<hbm>>
      %dma_wait3A_120 = tpu.memref_squeeze %dma_wait3A_119 : memref<1x1x1x125xi32, #tpu.memory_space<hbm>> -> memref<1x125xi32, #tpu.memory_space<hbm>>
      tpu.wait_dma2 semaphore(%dma_wait3A_112 : memref<!tpu.dma_semaphore, #tpu.memory_space<semaphore_mem>>) src(%dma_wait3A_120 : memref<1x125xi32, #tpu.memory_space<hbm>>) dst(%dma_wait3A_116 : memref<1x125xi32, #tpu.memory_space<vmem>>)
      %run_scoped3A_121 = arith.constant 1 : i32
      %run_scoped3A_122 = arith.constant 0 : i32
      "tpu.region"() ({
        %run_scoped3A_128 = tpu.sem_alloc : memref<!tpu.dma_semaphore, #tpu.memory_space<semaphore_mem>>
        %dma_start3A_129 = arith.constant 0 : i32
        %dma_start3A_130 = tpu.memref_slice %arg6[%run_scoped3A_121, %run_scoped3A_122, %dma_start3A_129] : memref<2x1x125xi32, #tpu.memory_space<vmem>> -> memref<1x1x125xi32, #tpu.memory_space<vmem>>
        %dma_start3A_131 = tpu.memref_squeeze %dma_start3A_130 : memref<1x1x125xi32, #tpu.memory_space<vmem>> -> memref<125xi32, #tpu.memory_space<vmem>>
        %dma_start3A_132 = arith.constant 0 : i32
        %dma_start3A_133 = arith.constant 0 : i32
        %dma_start3A_134 = tpu.memref_slice %arg9[%dma_start3A_132, %dma_start3A_133] : memref<10240x128xf32, #tpu.memory_space<vmem_shared>> -> memref<10240x128xf32, #tpu.memory_space<vmem_shared>>
        tpu.enqueue_indirect_dma source(%arg7 : memref<125x128xf32, #tpu.memory_space<vmem>>) target(%dma_start3A_134 : memref<10240x128xf32, #tpu.memory_space<vmem_shared>>) offsets(%dma_start3A_131 : memref<125xi32, #tpu.memory_space<vmem>>) semaphore(%run_scoped3A_128 : memref<!tpu.dma_semaphore, #tpu.memory_space<semaphore_mem>>) {add = true}
        %dma_wait3A_135 = arith.constant 0 : i32
        %dma_wait3A_136 = tpu.memref_slice %arg6[%run_scoped3A_121, %run_scoped3A_122, %dma_wait3A_135] : memref<2x1x125xi32, #tpu.memory_space<vmem>> -> memref<1x1x125xi32, #tpu.memory_space<vmem>>
        %dma_wait3A_137 = tpu.memref_squeeze %dma_wait3A_136 : memref<1x1x125xi32, #tpu.memory_space<vmem>> -> memref<125xi32, #tpu.memory_space<vmem>>
        %dma_wait3A_138 = arith.constant 0 : i32
        %dma_wait3A_139 = arith.constant 0 : i32
        %dma_wait3A_140 = tpu.memref_slice %arg9[%dma_wait3A_138, %dma_wait3A_139] : memref<10240x128xf32, #tpu.memory_space<vmem_shared>> -> memref<10240x128xf32, #tpu.memory_space<vmem_shared>>
        tpu.wait_indirect_dma semaphore(%run_scoped3A_128 : memref<!tpu.dma_semaphore, #tpu.memory_space<semaphore_mem>>) src(%arg7 : memref<125x128xf32, #tpu.memory_space<vmem>>) dst(%dma_wait3A_140 : memref<10240x128xf32, #tpu.memory_space<vmem_shared>>)
        tpu.yield
      }) : () -> ()
      %lt3A_123 = arith.constant 39 : i32
      %lt3A_124 = arith.cmpi slt, %scan3A_64, %lt3A_123 : i32
      %convert_element_type3A_125 = arith.extui %lt3A_124 : i1 to i32
      %cond3A_126 = arith.constant 0 : i32
      %cond3A_127 = arith.cmpi ne, %convert_element_type3A_125, %cond3A_126 : i32
      scf.if %cond3A_127 {
        %mul3A_128 = arith.constant 80 : i32
        %mul3A_129 = arith.muli %add3A, %mul3A_128 : i32
        %add3A_130 = arith.addi %mul3A_129, %add3A_96 : i32
        %add3A_131 = arith.constant 2 : i32
        %add3A_132 = arith.addi %add3A_130, %add3A_131 : i32
        %dma_start3A_133 = arith.constant 1 : i32
        %dma_start3A_134 = arith.constant 1 : i32
        %dma_start3A_135 = arith.constant 1 : i32
        %dma_start3A_136 = arith.constant 0 : i32
        %dma_start3A_137 = arith.constant 0 : i32
        %dma_start3A_138 = tpu.memref_slice %arg6[%dma_start3A_134, %dma_start3A_136, %dma_start3A_137] : memref<2x1x125xi32, #tpu.memory_space<vmem>> -> memref<1x1x125xi32, #tpu.memory_space<vmem>>
        %dma_start3A_139 = tpu.memref_squeeze %dma_start3A_138 : memref<1x1x125xi32, #tpu.memory_space<vmem>> -> memref<1x125xi32, #tpu.memory_space<vmem>>
        %dma_start3A_140 = arith.constant 0 : i32
        %dma_start3A_141 = arith.constant 0 : i32
        %dma_start3A_142 = tpu.memref_slice %arg4[%dma_start3A_133, %add3A_132, %dma_start3A_140, %dma_start3A_141] : memref<2x2560x1x125xi32, #tpu.memory_space<hbm>> -> memref<1x1x1x125xi32, #tpu.memory_space<hbm>>
        %dma_start3A_143 = tpu.memref_squeeze %dma_start3A_142 : memref<1x1x1x125xi32, #tpu.memory_space<hbm>> -> memref<1x125xi32, #tpu.memory_space<hbm>>
        %dma_start3A_144 = tpu.memref_slice %arg8[%dma_start3A_135] : memref<2x!tpu.dma_semaphore, #tpu.memory_space<semaphore_mem>> -> memref<1x!tpu.dma_semaphore, #tpu.memory_space<semaphore_mem>>
        %dma_start3A_145 = tpu.memref_squeeze %dma_start3A_144 : memref<1x!tpu.dma_semaphore, #tpu.memory_space<semaphore_mem>> -> memref<!tpu.dma_semaphore, #tpu.memory_space<semaphore_mem>>
        %dma_start3A_146 = arith.constant 0 : i32
        %dma_start3A_147 = arith.constant 0 : i32
        %dma_start3A_148 = tpu.memref_slice %arg6[%dma_start3A_134, %dma_start3A_146, %dma_start3A_147] : memref<2x1x125xi32, #tpu.memory_space<vmem>> -> memref<1x1x125xi32, #tpu.memory_space<vmem>>
        %dma_start3A_149 = tpu.memref_squeeze %dma_start3A_148 : memref<1x1x125xi32, #tpu.memory_space<vmem>> -> memref<1x125xi32, #tpu.memory_space<vmem>>
        %dma_start3A_150 = arith.constant 0 : i32
        %dma_start3A_151 = arith.constant 0 : i32
        %dma_start3A_152 = tpu.memref_slice %arg4[%dma_start3A_133, %add3A_132, %dma_start3A_150, %dma_start3A_151] : memref<2x2560x1x125xi32, #tpu.memory_space<hbm>> -> memref<1x1x1x125xi32, #tpu.memory_space<hbm>>
        %dma_start3A_153 = tpu.memref_squeeze %dma_start3A_152 : memref<1x1x1x125xi32, #tpu.memory_space<hbm>> -> memref<1x125xi32, #tpu.memory_space<hbm>>
        tpu.enqueue_dma source(%dma_start3A_153 : memref<1x125xi32, #tpu.memory_space<hbm>>) target(%dma_start3A_149 : memref<1x125xi32, #tpu.memory_space<vmem>>) target_semaphore(%dma_start3A_145 : memref<!tpu.dma_semaphore, #tpu.memory_space<semaphore_mem>>)
      } else {
      }
    }
    %scan3A_58 = arith.constant 40 : i32
    %barrier3A_59 = arith.constant 0 : index
    tpu.barrier barrier_id(%barrier3A_59)
    %mul3A_60 = arith.constant 640 : i32
    %mul3A_61 = arith.muli %arg1, %mul3A_60 : i32
    %mul3A_62 = arith.constant 640 : i32
    %mul3A_63 = arith.muli %arg1, %mul3A_62 : i32
    "tpu.region"() ({
      %run_scoped3A = tpu.sem_alloc : memref<!tpu.dma_semaphore, #tpu.memory_space<semaphore_mem>>
      %dma_start3A_64 = arith.constant 0 : i32
      %dma_start3A_65 = tpu.memref_slice %arg5[%arg0, %mul3A_63, %dma_start3A_64] : memref<2x10240x128xf32, #tpu.memory_space<hbm>> -> memref<1x640x128xf32, #tpu.memory_space<hbm>>
      %dma_start3A_66 = tpu.memref_squeeze %dma_start3A_65 : memref<1x640x128xf32, #tpu.memory_space<hbm>> -> memref<640x128xf32, #tpu.memory_space<hbm>>
      %dma_start3A_67 = arith.constant 0 : i32
      %dma_start3A_68 = tpu.memref_slice %arg9[%mul3A_61, %dma_start3A_67] : memref<10240x128xf32, #tpu.memory_space<vmem_shared>> -> memref<640x128xf32, #tpu.memory_space<vmem_shared>>
      tpu.enqueue_dma source(%dma_start3A_68 : memref<640x128xf32, #tpu.memory_space<vmem_shared>>) target(%dma_start3A_66 : memref<640x128xf32, #tpu.memory_space<hbm>>) target_semaphore(%run_scoped3A : memref<!tpu.dma_semaphore, #tpu.memory_space<semaphore_mem>>)
      %dma_wait3A = arith.constant 0 : i32
      %dma_wait3A_69 = tpu.memref_slice %arg5[%arg0, %mul3A_63, %dma_wait3A] : memref<2x10240x128xf32, #tpu.memory_space<hbm>> -> memref<1x640x128xf32, #tpu.memory_space<hbm>>
      %dma_wait3A_70 = tpu.memref_squeeze %dma_wait3A_69 : memref<1x640x128xf32, #tpu.memory_space<hbm>> -> memref<640x128xf32, #tpu.memory_space<hbm>>
      %dma_wait3A_71 = arith.constant 0 : i32
      %dma_wait3A_72 = tpu.memref_slice %arg9[%mul3A_61, %dma_wait3A_71] : memref<10240x128xf32, #tpu.memory_space<vmem_shared>> -> memref<640x128xf32, #tpu.memory_space<vmem_shared>>
      tpu.wait_dma2 semaphore(%run_scoped3A : memref<!tpu.dma_semaphore, #tpu.memory_space<semaphore_mem>>) src(%dma_wait3A_72 : memref<640x128xf32, #tpu.memory_space<vmem_shared>>) dst(%dma_wait3A_70 : memref<640x128xf32, #tpu.memory_space<hbm>>)
      tpu.yield
    }) : () -> ()
    return
  }
}

#map = affine_map<(d0, d1) -> (0, 0)>
#map1 = affine_map<(d0, d1) -> (0, 0, 0, 0)>
#map2 = affine_map<(d0, d1) -> (0, 0, 0)>
module attributes {stable_mosaic.version = 14 : i64} {
  func.func @_agg_body(%arg0: i32, %arg1: i32, %arg2: memref<10240x128xf32, #tpu.memory_space<hbm>>, %arg3: memref<10000x128xf32, #tpu.memory_space<hbm>>, %arg4: memref<2x2560x1x125xi32, #tpu.memory_space<hbm>>, %arg5: memref<2x10240x128xf32, #tpu.memory_space<hbm>>, %arg6: memref<80x1x125xi32, #tpu.memory_space<vmem>>, %arg7: memref<2x1x125xi32, #tpu.memory_space<vmem>>, %arg8: memref<2x125x128xf32, #tpu.memory_space<vmem>>, %arg9: memref<2x!tpu.dma_semaphore, #tpu.memory_space<semaphore_mem>>, %arg10: memref<2x!tpu.dma_semaphore, #tpu.memory_space<semaphore_mem>>, %arg11: memref<10240x128xf32, #tpu.memory_space<vmem_shared>>) attributes {dimension_semantics = [#tpu.dimension_semantics<core_parallel>, #tpu.dimension_semantics<subcore_parallel>], iteration_bounds = array<i64: 2, 16>, scalar_prefetch = 0 : i64, scratch_operands = 6 : i64, tpu.core_type = #tpu.core_type<sc_vector_subcore>, window_params = [{transform_indices = #map}, {transform_indices = #map}, {transform_indices = #map1}, {transform_indices = #map2}]} {
    %mul3A = arith.constant 16 : i32
    %mul3A_0 = arith.muli %arg0, %mul3A : i32
    %add3A = arith.addi %mul3A_0, %arg1 : i32
    %mul3A_1 = arith.constant 80 : i32
    %mul3A_2 = arith.muli %add3A, %mul3A_1 : i32
    %run_scoped3A = arith.constant 0 : i32
    "tpu.region"() ({
      %run_scoped3A_98 = tpu.sem_alloc : memref<!tpu.dma_semaphore, #tpu.memory_space<semaphore_mem>>
      %dma_start3A_99 = arith.constant 0 : i32
      %dma_start3A_100 = arith.constant 0 : i32
      %dma_start3A_101 = tpu.memref_slice %arg4[%run_scoped3A, %mul3A_2, %dma_start3A_99, %dma_start3A_100] : memref<2x2560x1x125xi32, #tpu.memory_space<hbm>> -> memref<1x80x1x125xi32, #tpu.memory_space<hbm>>
      %dma_start3A_102 = tpu.memref_squeeze %dma_start3A_101 : memref<1x80x1x125xi32, #tpu.memory_space<hbm>> -> memref<80x1x125xi32, #tpu.memory_space<hbm>>
      %dma_start3A_103 = arith.constant 0 : i32
      %dma_start3A_104 = arith.constant 0 : i32
      %dma_start3A_105 = tpu.memref_slice %arg4[%run_scoped3A, %mul3A_2, %dma_start3A_103, %dma_start3A_104] : memref<2x2560x1x125xi32, #tpu.memory_space<hbm>> -> memref<1x80x1x125xi32, #tpu.memory_space<hbm>>
      %dma_start3A_106 = tpu.memref_squeeze %dma_start3A_105 : memref<1x80x1x125xi32, #tpu.memory_space<hbm>> -> memref<80x1x125xi32, #tpu.memory_space<hbm>>
      tpu.enqueue_dma source(%dma_start3A_106 : memref<80x1x125xi32, #tpu.memory_space<hbm>>) target(%arg6 : memref<80x1x125xi32, #tpu.memory_space<vmem>>) target_semaphore(%run_scoped3A_98 : memref<!tpu.dma_semaphore, #tpu.memory_space<semaphore_mem>>)
      %dma_wait3A = arith.constant 0 : i32
      %dma_wait3A_107 = arith.constant 0 : i32
      %dma_wait3A_108 = tpu.memref_slice %arg4[%run_scoped3A, %mul3A_2, %dma_wait3A, %dma_wait3A_107] : memref<2x2560x1x125xi32, #tpu.memory_space<hbm>> -> memref<1x80x1x125xi32, #tpu.memory_space<hbm>>
      %dma_wait3A_109 = tpu.memref_squeeze %dma_wait3A_108 : memref<1x80x1x125xi32, #tpu.memory_space<hbm>> -> memref<80x1x125xi32, #tpu.memory_space<hbm>>
      %dma_wait3A_110 = arith.constant 0 : i32
      %dma_wait3A_111 = arith.constant 0 : i32
      %dma_wait3A_112 = tpu.memref_slice %arg4[%run_scoped3A, %mul3A_2, %dma_wait3A_110, %dma_wait3A_111] : memref<2x2560x1x125xi32, #tpu.memory_space<hbm>> -> memref<1x80x1x125xi32, #tpu.memory_space<hbm>>
      %dma_wait3A_113 = tpu.memref_squeeze %dma_wait3A_112 : memref<1x80x1x125xi32, #tpu.memory_space<hbm>> -> memref<80x1x125xi32, #tpu.memory_space<hbm>>
      tpu.wait_dma2 semaphore(%run_scoped3A_98 : memref<!tpu.dma_semaphore, #tpu.memory_space<semaphore_mem>>) src(%dma_wait3A_113 : memref<80x1x125xi32, #tpu.memory_space<hbm>>) dst(%arg6 : memref<80x1x125xi32, #tpu.memory_space<vmem>>)
      tpu.yield
    }) : () -> ()
    %dma_start3A = arith.constant 0 : i32
    %dma_start3A_3 = arith.constant 0 : i32
    %dma_start3A_4 = arith.constant 0 : i32
    %dma_start3A_5 = arith.constant 0 : i32
    %dma_start3A_6 = arith.constant 0 : i32
    %dma_start3A_7 = arith.constant 0 : i32
    %dma_start3A_8 = tpu.memref_slice %arg8[%dma_start3A_4, %dma_start3A_6, %dma_start3A_7] : memref<2x125x128xf32, #tpu.memory_space<vmem>> -> memref<1x125x128xf32, #tpu.memory_space<vmem>>
    %dma_start3A_9 = tpu.memref_squeeze %dma_start3A_8 : memref<1x125x128xf32, #tpu.memory_space<vmem>> -> memref<125x128xf32, #tpu.memory_space<vmem>>
    %dma_start3A_10 = arith.constant 0 : i32
    %dma_start3A_11 = tpu.memref_slice %arg6[%dma_start3A, %dma_start3A_3, %dma_start3A_10] : memref<80x1x125xi32, #tpu.memory_space<vmem>> -> memref<1x1x125xi32, #tpu.memory_space<vmem>>
    %dma_start3A_12 = tpu.memref_squeeze %dma_start3A_11 : memref<1x1x125xi32, #tpu.memory_space<vmem>> -> memref<125xi32, #tpu.memory_space<vmem>>
    %dma_start3A_13 = arith.constant 0 : i32
    %dma_start3A_14 = arith.constant 0 : i32
    %dma_start3A_15 = tpu.memref_slice %arg3[%dma_start3A_13, %dma_start3A_14] : memref<10000x128xf32, #tpu.memory_space<hbm>> -> memref<10000x128xf32, #tpu.memory_space<hbm>>
    %dma_start3A_16 = tpu.memref_slice %arg9[%dma_start3A_5] : memref<2x!tpu.dma_semaphore, #tpu.memory_space<semaphore_mem>> -> memref<1x!tpu.dma_semaphore, #tpu.memory_space<semaphore_mem>>
    %dma_start3A_17 = tpu.memref_squeeze %dma_start3A_16 : memref<1x!tpu.dma_semaphore, #tpu.memory_space<semaphore_mem>> -> memref<!tpu.dma_semaphore, #tpu.memory_space<semaphore_mem>>
    tpu.enqueue_indirect_dma source(%dma_start3A_15 : memref<10000x128xf32, #tpu.memory_space<hbm>>) target(%dma_start3A_9 : memref<125x128xf32, #tpu.memory_space<vmem>>) offsets(%dma_start3A_12 : memref<125xi32, #tpu.memory_space<vmem>>) semaphore(%dma_start3A_17 : memref<!tpu.dma_semaphore, #tpu.memory_space<semaphore_mem>>)
    %mul3A_18 = arith.constant 80 : i32
    %mul3A_19 = arith.muli %add3A, %mul3A_18 : i32
    %add3A_20 = arith.constant 0 : i32
    %add3A_21 = arith.addi %mul3A_19, %add3A_20 : i32
    %dma_start3A_22 = arith.constant 1 : i32
    %dma_start3A_23 = arith.constant 0 : i32
    %dma_start3A_24 = arith.constant 0 : i32
    %dma_start3A_25 = arith.constant 0 : i32
    %dma_start3A_26 = arith.constant 0 : i32
    %dma_start3A_27 = tpu.memref_slice %arg7[%dma_start3A_23, %dma_start3A_25, %dma_start3A_26] : memref<2x1x125xi32, #tpu.memory_space<vmem>> -> memref<1x1x125xi32, #tpu.memory_space<vmem>>
    %dma_start3A_28 = tpu.memref_squeeze %dma_start3A_27 : memref<1x1x125xi32, #tpu.memory_space<vmem>> -> memref<1x125xi32, #tpu.memory_space<vmem>>
    %dma_start3A_29 = arith.constant 0 : i32
    %dma_start3A_30 = arith.constant 0 : i32
    %dma_start3A_31 = tpu.memref_slice %arg4[%dma_start3A_22, %add3A_21, %dma_start3A_29, %dma_start3A_30] : memref<2x2560x1x125xi32, #tpu.memory_space<hbm>> -> memref<1x1x1x125xi32, #tpu.memory_space<hbm>>
    %dma_start3A_32 = tpu.memref_squeeze %dma_start3A_31 : memref<1x1x1x125xi32, #tpu.memory_space<hbm>> -> memref<1x125xi32, #tpu.memory_space<hbm>>
    %dma_start3A_33 = tpu.memref_slice %arg10[%dma_start3A_24] : memref<2x!tpu.dma_semaphore, #tpu.memory_space<semaphore_mem>> -> memref<1x!tpu.dma_semaphore, #tpu.memory_space<semaphore_mem>>
    %dma_start3A_34 = tpu.memref_squeeze %dma_start3A_33 : memref<1x!tpu.dma_semaphore, #tpu.memory_space<semaphore_mem>> -> memref<!tpu.dma_semaphore, #tpu.memory_space<semaphore_mem>>
    %dma_start3A_35 = arith.constant 0 : i32
    %dma_start3A_36 = arith.constant 0 : i32
    %dma_start3A_37 = tpu.memref_slice %arg7[%dma_start3A_23, %dma_start3A_35, %dma_start3A_36] : memref<2x1x125xi32, #tpu.memory_space<vmem>> -> memref<1x1x125xi32, #tpu.memory_space<vmem>>
    %dma_start3A_38 = tpu.memref_squeeze %dma_start3A_37 : memref<1x1x125xi32, #tpu.memory_space<vmem>> -> memref<1x125xi32, #tpu.memory_space<vmem>>
    %dma_start3A_39 = arith.constant 0 : i32
    %dma_start3A_40 = arith.constant 0 : i32
    %dma_start3A_41 = tpu.memref_slice %arg4[%dma_start3A_22, %add3A_21, %dma_start3A_39, %dma_start3A_40] : memref<2x2560x1x125xi32, #tpu.memory_space<hbm>> -> memref<1x1x1x125xi32, #tpu.memory_space<hbm>>
    %dma_start3A_42 = tpu.memref_squeeze %dma_start3A_41 : memref<1x1x1x125xi32, #tpu.memory_space<hbm>> -> memref<1x125xi32, #tpu.memory_space<hbm>>
    tpu.enqueue_dma source(%dma_start3A_42 : memref<1x125xi32, #tpu.memory_space<hbm>>) target(%dma_start3A_38 : memref<1x125xi32, #tpu.memory_space<vmem>>) target_semaphore(%dma_start3A_34 : memref<!tpu.dma_semaphore, #tpu.memory_space<semaphore_mem>>)
    %dma_start3A_43 = arith.constant 1 : i32
    %dma_start3A_44 = arith.constant 0 : i32
    %dma_start3A_45 = arith.constant 1 : i32
    %dma_start3A_46 = arith.constant 1 : i32
    %dma_start3A_47 = arith.constant 0 : i32
    %dma_start3A_48 = arith.constant 0 : i32
    %dma_start3A_49 = tpu.memref_slice %arg8[%dma_start3A_45, %dma_start3A_47, %dma_start3A_48] : memref<2x125x128xf32, #tpu.memory_space<vmem>> -> memref<1x125x128xf32, #tpu.memory_space<vmem>>
    %dma_start3A_50 = tpu.memref_squeeze %dma_start3A_49 : memref<1x125x128xf32, #tpu.memory_space<vmem>> -> memref<125x128xf32, #tpu.memory_space<vmem>>
    %dma_start3A_51 = arith.constant 0 : i32
    %dma_start3A_52 = tpu.memref_slice %arg6[%dma_start3A_43, %dma_start3A_44, %dma_start3A_51] : memref<80x1x125xi32, #tpu.memory_space<vmem>> -> memref<1x1x125xi32, #tpu.memory_space<vmem>>
    %dma_start3A_53 = tpu.memref_squeeze %dma_start3A_52 : memref<1x1x125xi32, #tpu.memory_space<vmem>> -> memref<125xi32, #tpu.memory_space<vmem>>
    %dma_start3A_54 = arith.constant 0 : i32
    %dma_start3A_55 = arith.constant 0 : i32
    %dma_start3A_56 = tpu.memref_slice %arg3[%dma_start3A_54, %dma_start3A_55] : memref<10000x128xf32, #tpu.memory_space<hbm>> -> memref<10000x128xf32, #tpu.memory_space<hbm>>
    %dma_start3A_57 = tpu.memref_slice %arg9[%dma_start3A_46] : memref<2x!tpu.dma_semaphore, #tpu.memory_space<semaphore_mem>> -> memref<1x!tpu.dma_semaphore, #tpu.memory_space<semaphore_mem>>
    %dma_start3A_58 = tpu.memref_squeeze %dma_start3A_57 : memref<1x!tpu.dma_semaphore, #tpu.memory_space<semaphore_mem>> -> memref<!tpu.dma_semaphore, #tpu.memory_space<semaphore_mem>>
    tpu.enqueue_indirect_dma source(%dma_start3A_56 : memref<10000x128xf32, #tpu.memory_space<hbm>>) target(%dma_start3A_50 : memref<125x128xf32, #tpu.memory_space<vmem>>) offsets(%dma_start3A_53 : memref<125xi32, #tpu.memory_space<vmem>>) semaphore(%dma_start3A_58 : memref<!tpu.dma_semaphore, #tpu.memory_space<semaphore_mem>>)
    %mul3A_59 = arith.constant 80 : i32
    %mul3A_60 = arith.muli %add3A, %mul3A_59 : i32
    %add3A_61 = arith.constant 1 : i32
    %add3A_62 = arith.addi %mul3A_60, %add3A_61 : i32
    %dma_start3A_63 = arith.constant 1 : i32
    %dma_start3A_64 = arith.constant 1 : i32
    %dma_start3A_65 = arith.constant 1 : i32
    %dma_start3A_66 = arith.constant 0 : i32
    %dma_start3A_67 = arith.constant 0 : i32
    %dma_start3A_68 = tpu.memref_slice %arg7[%dma_start3A_64, %dma_start3A_66, %dma_start3A_67] : memref<2x1x125xi32, #tpu.memory_space<vmem>> -> memref<1x1x125xi32, #tpu.memory_space<vmem>>
    %dma_start3A_69 = tpu.memref_squeeze %dma_start3A_68 : memref<1x1x125xi32, #tpu.memory_space<vmem>> -> memref<1x125xi32, #tpu.memory_space<vmem>>
    %dma_start3A_70 = arith.constant 0 : i32
    %dma_start3A_71 = arith.constant 0 : i32
    %dma_start3A_72 = tpu.memref_slice %arg4[%dma_start3A_63, %add3A_62, %dma_start3A_70, %dma_start3A_71] : memref<2x2560x1x125xi32, #tpu.memory_space<hbm>> -> memref<1x1x1x125xi32, #tpu.memory_space<hbm>>
    %dma_start3A_73 = tpu.memref_squeeze %dma_start3A_72 : memref<1x1x1x125xi32, #tpu.memory_space<hbm>> -> memref<1x125xi32, #tpu.memory_space<hbm>>
    %dma_start3A_74 = tpu.memref_slice %arg10[%dma_start3A_65] : memref<2x!tpu.dma_semaphore, #tpu.memory_space<semaphore_mem>> -> memref<1x!tpu.dma_semaphore, #tpu.memory_space<semaphore_mem>>
    %dma_start3A_75 = tpu.memref_squeeze %dma_start3A_74 : memref<1x!tpu.dma_semaphore, #tpu.memory_space<semaphore_mem>> -> memref<!tpu.dma_semaphore, #tpu.memory_space<semaphore_mem>>
    %dma_start3A_76 = arith.constant 0 : i32
    %dma_start3A_77 = arith.constant 0 : i32
    %dma_start3A_78 = tpu.memref_slice %arg7[%dma_start3A_64, %dma_start3A_76, %dma_start3A_77] : memref<2x1x125xi32, #tpu.memory_space<vmem>> -> memref<1x1x125xi32, #tpu.memory_space<vmem>>
    %dma_start3A_79 = tpu.memref_squeeze %dma_start3A_78 : memref<1x1x125xi32, #tpu.memory_space<vmem>> -> memref<1x125xi32, #tpu.memory_space<vmem>>
    %dma_start3A_80 = arith.constant 0 : i32
    %dma_start3A_81 = arith.constant 0 : i32
    %dma_start3A_82 = tpu.memref_slice %arg4[%dma_start3A_63, %add3A_62, %dma_start3A_80, %dma_start3A_81] : memref<2x2560x1x125xi32, #tpu.memory_space<hbm>> -> memref<1x1x1x125xi32, #tpu.memory_space<hbm>>
    %dma_start3A_83 = tpu.memref_squeeze %dma_start3A_82 : memref<1x1x1x125xi32, #tpu.memory_space<hbm>> -> memref<1x125xi32, #tpu.memory_space<hbm>>
    tpu.enqueue_dma source(%dma_start3A_83 : memref<1x125xi32, #tpu.memory_space<hbm>>) target(%dma_start3A_79 : memref<1x125xi32, #tpu.memory_space<vmem>>) target_semaphore(%dma_start3A_75 : memref<!tpu.dma_semaphore, #tpu.memory_space<semaphore_mem>>)
    %mul3A_84 = arith.constant 640 : i32
    %mul3A_85 = arith.muli %arg1, %mul3A_84 : i32
    %mul3A_86 = arith.constant 640 : i32
    %mul3A_87 = arith.muli %arg1, %mul3A_86 : i32
    "tpu.region"() ({
      %run_scoped3A_98 = tpu.sem_alloc : memref<!tpu.dma_semaphore, #tpu.memory_space<semaphore_mem>>
      %dma_start3A_99 = arith.constant 0 : i32
      %dma_start3A_100 = tpu.memref_slice %arg11[%mul3A_87, %dma_start3A_99] : memref<10240x128xf32, #tpu.memory_space<vmem_shared>> -> memref<640x128xf32, #tpu.memory_space<vmem_shared>>
      %dma_start3A_101 = arith.constant 0 : i32
      %dma_start3A_102 = tpu.memref_slice %arg2[%mul3A_85, %dma_start3A_101] : memref<10240x128xf32, #tpu.memory_space<hbm>> -> memref<640x128xf32, #tpu.memory_space<hbm>>
      tpu.enqueue_dma source(%dma_start3A_102 : memref<640x128xf32, #tpu.memory_space<hbm>>) target(%dma_start3A_100 : memref<640x128xf32, #tpu.memory_space<vmem_shared>>) target_semaphore(%run_scoped3A_98 : memref<!tpu.dma_semaphore, #tpu.memory_space<semaphore_mem>>)
      %dma_wait3A = arith.constant 0 : i32
      %dma_wait3A_103 = tpu.memref_slice %arg11[%mul3A_87, %dma_wait3A] : memref<10240x128xf32, #tpu.memory_space<vmem_shared>> -> memref<640x128xf32, #tpu.memory_space<vmem_shared>>
      %dma_wait3A_104 = arith.constant 0 : i32
      %dma_wait3A_105 = tpu.memref_slice %arg2[%mul3A_85, %dma_wait3A_104] : memref<10240x128xf32, #tpu.memory_space<hbm>> -> memref<640x128xf32, #tpu.memory_space<hbm>>
      tpu.wait_dma2 semaphore(%run_scoped3A_98 : memref<!tpu.dma_semaphore, #tpu.memory_space<semaphore_mem>>) src(%dma_wait3A_105 : memref<640x128xf32, #tpu.memory_space<hbm>>) dst(%dma_wait3A_103 : memref<640x128xf32, #tpu.memory_space<vmem_shared>>)
      tpu.yield
    }) : () -> ()
    %barrier3A = arith.constant 0 : index
    tpu.barrier barrier_id(%barrier3A)
    %scan3A = arith.constant 0 : i32
    %scan3A_88 = arith.constant 0 : i32
    %scan3A_89 = arith.constant 40 : i32
    %scan3A_90 = arith.addi %scan3A_88, %scan3A_89 : i32
    %scan3A_91 = arith.constant 1 : i32
    scf.for %scan3A_98 = %scan3A_88 to %scan3A_90 step %scan3A_91  : i32 {
      %mul3A_99 = arith.constant 2 : i32
      %mul3A_100 = arith.muli %scan3A_98, %mul3A_99 : i32
      %add3A_101 = arith.constant 0 : i32
      %add3A_102 = arith.addi %mul3A_100, %add3A_101 : i32
      %dma_wait3A = arith.constant 0 : i32
      %dma_wait3A_103 = arith.constant 0 : i32
      %dma_wait3A_104 = arith.constant 0 : i32
      %dma_wait3A_105 = arith.constant 0 : i32
      %dma_wait3A_106 = arith.constant 0 : i32
      %dma_wait3A_107 = tpu.memref_slice %arg8[%dma_wait3A_103, %dma_wait3A_105, %dma_wait3A_106] : memref<2x125x128xf32, #tpu.memory_space<vmem>> -> memref<1x125x128xf32, #tpu.memory_space<vmem>>
      %dma_wait3A_108 = tpu.memref_squeeze %dma_wait3A_107 : memref<1x125x128xf32, #tpu.memory_space<vmem>> -> memref<125x128xf32, #tpu.memory_space<vmem>>
      %dma_wait3A_109 = arith.constant 0 : i32
      %dma_wait3A_110 = tpu.memref_slice %arg6[%add3A_102, %dma_wait3A, %dma_wait3A_109] : memref<80x1x125xi32, #tpu.memory_space<vmem>> -> memref<1x1x125xi32, #tpu.memory_space<vmem>>
      %dma_wait3A_111 = tpu.memref_squeeze %dma_wait3A_110 : memref<1x1x125xi32, #tpu.memory_space<vmem>> -> memref<125xi32, #tpu.memory_space<vmem>>
      %dma_wait3A_112 = arith.constant 0 : i32
      %dma_wait3A_113 = arith.constant 0 : i32
      %dma_wait3A_114 = tpu.memref_slice %arg3[%dma_wait3A_112, %dma_wait3A_113] : memref<10000x128xf32, #tpu.memory_space<hbm>> -> memref<10000x128xf32, #tpu.memory_space<hbm>>
      %dma_wait3A_115 = tpu.memref_slice %arg9[%dma_wait3A_104] : memref<2x!tpu.dma_semaphore, #tpu.memory_space<semaphore_mem>> -> memref<1x!tpu.dma_semaphore, #tpu.memory_space<semaphore_mem>>
      %dma_wait3A_116 = tpu.memref_squeeze %dma_wait3A_115 : memref<1x!tpu.dma_semaphore, #tpu.memory_space<semaphore_mem>> -> memref<!tpu.dma_semaphore, #tpu.memory_space<semaphore_mem>>
      tpu.wait_indirect_dma semaphore(%dma_wait3A_116 : memref<!tpu.dma_semaphore, #tpu.memory_space<semaphore_mem>>) src(%dma_wait3A_114 : memref<10000x128xf32, #tpu.memory_space<hbm>>) dst(%dma_wait3A_108 : memref<125x128xf32, #tpu.memory_space<vmem>>)
      %mul3A_117 = arith.constant 80 : i32
      %mul3A_118 = arith.muli %add3A, %mul3A_117 : i32
      %add3A_119 = arith.addi %mul3A_118, %add3A_102 : i32
      %dma_wait3A_120 = arith.constant 1 : i32
      %dma_wait3A_121 = arith.constant 0 : i32
      %dma_wait3A_122 = arith.constant 0 : i32
      %dma_wait3A_123 = arith.constant 0 : i32
      %dma_wait3A_124 = arith.constant 0 : i32
      %dma_wait3A_125 = tpu.memref_slice %arg7[%dma_wait3A_121, %dma_wait3A_123, %dma_wait3A_124] : memref<2x1x125xi32, #tpu.memory_space<vmem>> -> memref<1x1x125xi32, #tpu.memory_space<vmem>>
      %dma_wait3A_126 = tpu.memref_squeeze %dma_wait3A_125 : memref<1x1x125xi32, #tpu.memory_space<vmem>> -> memref<1x125xi32, #tpu.memory_space<vmem>>
      %dma_wait3A_127 = arith.constant 0 : i32
      %dma_wait3A_128 = arith.constant 0 : i32
      %dma_wait3A_129 = tpu.memref_slice %arg4[%dma_wait3A_120, %add3A_119, %dma_wait3A_127, %dma_wait3A_128] : memref<2x2560x1x125xi32, #tpu.memory_space<hbm>> -> memref<1x1x1x125xi32, #tpu.memory_space<hbm>>
      %dma_wait3A_130 = tpu.memref_squeeze %dma_wait3A_129 : memref<1x1x1x125xi32, #tpu.memory_space<hbm>> -> memref<1x125xi32, #tpu.memory_space<hbm>>
      %dma_wait3A_131 = tpu.memref_slice %arg10[%dma_wait3A_122] : memref<2x!tpu.dma_semaphore, #tpu.memory_space<semaphore_mem>> -> memref<1x!tpu.dma_semaphore, #tpu.memory_space<semaphore_mem>>
      %dma_wait3A_132 = tpu.memref_squeeze %dma_wait3A_131 : memref<1x!tpu.dma_semaphore, #tpu.memory_space<semaphore_mem>> -> memref<!tpu.dma_semaphore, #tpu.memory_space<semaphore_mem>>
      %dma_wait3A_133 = arith.constant 0 : i32
      %dma_wait3A_134 = arith.constant 0 : i32
      %dma_wait3A_135 = tpu.memref_slice %arg7[%dma_wait3A_121, %dma_wait3A_133, %dma_wait3A_134] : memref<2x1x125xi32, #tpu.memory_space<vmem>> -> memref<1x1x125xi32, #tpu.memory_space<vmem>>
      %dma_wait3A_136 = tpu.memref_squeeze %dma_wait3A_135 : memref<1x1x125xi32, #tpu.memory_space<vmem>> -> memref<1x125xi32, #tpu.memory_space<vmem>>
      %dma_wait3A_137 = arith.constant 0 : i32
      %dma_wait3A_138 = arith.constant 0 : i32
      %dma_wait3A_139 = tpu.memref_slice %arg4[%dma_wait3A_120, %add3A_119, %dma_wait3A_137, %dma_wait3A_138] : memref<2x2560x1x125xi32, #tpu.memory_space<hbm>> -> memref<1x1x1x125xi32, #tpu.memory_space<hbm>>
      %dma_wait3A_140 = tpu.memref_squeeze %dma_wait3A_139 : memref<1x1x1x125xi32, #tpu.memory_space<hbm>> -> memref<1x125xi32, #tpu.memory_space<hbm>>
      tpu.wait_dma2 semaphore(%dma_wait3A_132 : memref<!tpu.dma_semaphore, #tpu.memory_space<semaphore_mem>>) src(%dma_wait3A_140 : memref<1x125xi32, #tpu.memory_space<hbm>>) dst(%dma_wait3A_136 : memref<1x125xi32, #tpu.memory_space<vmem>>)
      %run_scoped3A_141 = arith.constant 0 : i32
      %run_scoped3A_142 = arith.constant 0 : i32
      %run_scoped3A_143 = arith.constant 0 : i32
      "tpu.region"() ({
        %run_scoped3A_195 = tpu.sem_alloc : memref<!tpu.dma_semaphore, #tpu.memory_space<semaphore_mem>>
        %dma_start3A_196 = arith.constant 0 : i32
        %dma_start3A_197 = arith.constant 0 : i32
        %dma_start3A_198 = tpu.memref_slice %arg8[%run_scoped3A_141, %dma_start3A_196, %dma_start3A_197] : memref<2x125x128xf32, #tpu.memory_space<vmem>> -> memref<1x125x128xf32, #tpu.memory_space<vmem>>
        %dma_start3A_199 = tpu.memref_squeeze %dma_start3A_198 : memref<1x125x128xf32, #tpu.memory_space<vmem>> -> memref<125x128xf32, #tpu.memory_space<vmem>>
        %dma_start3A_200 = arith.constant 0 : i32
        %dma_start3A_201 = tpu.memref_slice %arg7[%run_scoped3A_142, %run_scoped3A_143, %dma_start3A_200] : memref<2x1x125xi32, #tpu.memory_space<vmem>> -> memref<1x1x125xi32, #tpu.memory_space<vmem>>
        %dma_start3A_202 = tpu.memref_squeeze %dma_start3A_201 : memref<1x1x125xi32, #tpu.memory_space<vmem>> -> memref<125xi32, #tpu.memory_space<vmem>>
        %dma_start3A_203 = arith.constant 0 : i32
        %dma_start3A_204 = arith.constant 0 : i32
        %dma_start3A_205 = tpu.memref_slice %arg11[%dma_start3A_203, %dma_start3A_204] : memref<10240x128xf32, #tpu.memory_space<vmem_shared>> -> memref<10240x128xf32, #tpu.memory_space<vmem_shared>>
        tpu.enqueue_indirect_dma source(%dma_start3A_199 : memref<125x128xf32, #tpu.memory_space<vmem>>) target(%dma_start3A_205 : memref<10240x128xf32, #tpu.memory_space<vmem_shared>>) offsets(%dma_start3A_202 : memref<125xi32, #tpu.memory_space<vmem>>) semaphore(%run_scoped3A_195 : memref<!tpu.dma_semaphore, #tpu.memory_space<semaphore_mem>>) {add = true}
        %dma_wait3A_206 = arith.constant 0 : i32
        %dma_wait3A_207 = arith.constant 0 : i32
        %dma_wait3A_208 = tpu.memref_slice %arg8[%run_scoped3A_141, %dma_wait3A_206, %dma_wait3A_207] : memref<2x125x128xf32, #tpu.memory_space<vmem>> -> memref<1x125x128xf32, #tpu.memory_space<vmem>>
        %dma_wait3A_209 = tpu.memref_squeeze %dma_wait3A_208 : memref<1x125x128xf32, #tpu.memory_space<vmem>> -> memref<125x128xf32, #tpu.memory_space<vmem>>
        %dma_wait3A_210 = arith.constant 0 : i32
        %dma_wait3A_211 = tpu.memref_slice %arg7[%run_scoped3A_142, %run_scoped3A_143, %dma_wait3A_210] : memref<2x1x125xi32, #tpu.memory_space<vmem>> -> memref<1x1x125xi32, #tpu.memory_space<vmem>>
        %dma_wait3A_212 = tpu.memref_squeeze %dma_wait3A_211 : memref<1x1x125xi32, #tpu.memory_space<vmem>> -> memref<125xi32, #tpu.memory_space<vmem>>
        %dma_wait3A_213 = arith.constant 0 : i32
        %dma_wait3A_214 = arith.constant 0 : i32
        %dma_wait3A_215 = tpu.memref_slice %arg11[%dma_wait3A_213, %dma_wait3A_214] : memref<10240x128xf32, #tpu.memory_space<vmem_shared>> -> memref<10240x128xf32, #tpu.memory_space<vmem_shared>>
        tpu.wait_indirect_dma semaphore(%run_scoped3A_195 : memref<!tpu.dma_semaphore, #tpu.memory_space<semaphore_mem>>) src(%dma_wait3A_209 : memref<125x128xf32, #tpu.memory_space<vmem>>) dst(%dma_wait3A_215 : memref<10240x128xf32, #tpu.memory_space<vmem_shared>>)
        tpu.yield
      }) : () -> ()
      %lt3A = arith.constant 39 : i32
      %lt3A_144 = arith.cmpi slt, %scan3A_98, %lt3A : i32
      %convert_element_type3A = arith.extui %lt3A_144 : i1 to i32
      %cond3A = arith.constant 0 : i32
      %cond3A_145 = arith.cmpi ne, %convert_element_type3A, %cond3A : i32
      scf.if %cond3A_145 {
        %add3A_195 = arith.constant 2 : i32
        %add3A_196 = arith.addi %add3A_102, %add3A_195 : i32
        %dma_start3A_197 = arith.constant 0 : i32
        %dma_start3A_198 = arith.constant 0 : i32
        %dma_start3A_199 = arith.constant 0 : i32
        %dma_start3A_200 = arith.constant 0 : i32
        %dma_start3A_201 = arith.constant 0 : i32
        %dma_start3A_202 = tpu.memref_slice %arg8[%dma_start3A_198, %dma_start3A_200, %dma_start3A_201] : memref<2x125x128xf32, #tpu.memory_space<vmem>> -> memref<1x125x128xf32, #tpu.memory_space<vmem>>
        %dma_start3A_203 = tpu.memref_squeeze %dma_start3A_202 : memref<1x125x128xf32, #tpu.memory_space<vmem>> -> memref<125x128xf32, #tpu.memory_space<vmem>>
        %dma_start3A_204 = arith.constant 0 : i32
        %dma_start3A_205 = tpu.memref_slice %arg6[%add3A_196, %dma_start3A_197, %dma_start3A_204] : memref<80x1x125xi32, #tpu.memory_space<vmem>> -> memref<1x1x125xi32, #tpu.memory_space<vmem>>
        %dma_start3A_206 = tpu.memref_squeeze %dma_start3A_205 : memref<1x1x125xi32, #tpu.memory_space<vmem>> -> memref<125xi32, #tpu.memory_space<vmem>>
        %dma_start3A_207 = arith.constant 0 : i32
        %dma_start3A_208 = arith.constant 0 : i32
        %dma_start3A_209 = tpu.memref_slice %arg3[%dma_start3A_207, %dma_start3A_208] : memref<10000x128xf32, #tpu.memory_space<hbm>> -> memref<10000x128xf32, #tpu.memory_space<hbm>>
        %dma_start3A_210 = tpu.memref_slice %arg9[%dma_start3A_199] : memref<2x!tpu.dma_semaphore, #tpu.memory_space<semaphore_mem>> -> memref<1x!tpu.dma_semaphore, #tpu.memory_space<semaphore_mem>>
        %dma_start3A_211 = tpu.memref_squeeze %dma_start3A_210 : memref<1x!tpu.dma_semaphore, #tpu.memory_space<semaphore_mem>> -> memref<!tpu.dma_semaphore, #tpu.memory_space<semaphore_mem>>
        tpu.enqueue_indirect_dma source(%dma_start3A_209 : memref<10000x128xf32, #tpu.memory_space<hbm>>) target(%dma_start3A_203 : memref<125x128xf32, #tpu.memory_space<vmem>>) offsets(%dma_start3A_206 : memref<125xi32, #tpu.memory_space<vmem>>) semaphore(%dma_start3A_211 : memref<!tpu.dma_semaphore, #tpu.memory_space<semaphore_mem>>)
        %mul3A_212 = arith.constant 80 : i32
        %mul3A_213 = arith.muli %add3A, %mul3A_212 : i32
        %add3A_214 = arith.addi %mul3A_213, %add3A_196 : i32
        %dma_start3A_215 = arith.constant 1 : i32
        %dma_start3A_216 = arith.constant 0 : i32
        %dma_start3A_217 = arith.constant 0 : i32
        %dma_start3A_218 = arith.constant 0 : i32
        %dma_start3A_219 = arith.constant 0 : i32
        %dma_start3A_220 = tpu.memref_slice %arg7[%dma_start3A_216, %dma_start3A_218, %dma_start3A_219] : memref<2x1x125xi32, #tpu.memory_space<vmem>> -> memref<1x1x125xi32, #tpu.memory_space<vmem>>
        %dma_start3A_221 = tpu.memref_squeeze %dma_start3A_220 : memref<1x1x125xi32, #tpu.memory_space<vmem>> -> memref<1x125xi32, #tpu.memory_space<vmem>>
        %dma_start3A_222 = arith.constant 0 : i32
        %dma_start3A_223 = arith.constant 0 : i32
        %dma_start3A_224 = tpu.memref_slice %arg4[%dma_start3A_215, %add3A_214, %dma_start3A_222, %dma_start3A_223] : memref<2x2560x1x125xi32, #tpu.memory_space<hbm>> -> memref<1x1x1x125xi32, #tpu.memory_space<hbm>>
        %dma_start3A_225 = tpu.memref_squeeze %dma_start3A_224 : memref<1x1x1x125xi32, #tpu.memory_space<hbm>> -> memref<1x125xi32, #tpu.memory_space<hbm>>
        %dma_start3A_226 = tpu.memref_slice %arg10[%dma_start3A_217] : memref<2x!tpu.dma_semaphore, #tpu.memory_space<semaphore_mem>> -> memref<1x!tpu.dma_semaphore, #tpu.memory_space<semaphore_mem>>
        %dma_start3A_227 = tpu.memref_squeeze %dma_start3A_226 : memref<1x!tpu.dma_semaphore, #tpu.memory_space<semaphore_mem>> -> memref<!tpu.dma_semaphore, #tpu.memory_space<semaphore_mem>>
        %dma_start3A_228 = arith.constant 0 : i32
        %dma_start3A_229 = arith.constant 0 : i32
        %dma_start3A_230 = tpu.memref_slice %arg7[%dma_start3A_216, %dma_start3A_228, %dma_start3A_229] : memref<2x1x125xi32, #tpu.memory_space<vmem>> -> memref<1x1x125xi32, #tpu.memory_space<vmem>>
        %dma_start3A_231 = tpu.memref_squeeze %dma_start3A_230 : memref<1x1x125xi32, #tpu.memory_space<vmem>> -> memref<1x125xi32, #tpu.memory_space<vmem>>
        %dma_start3A_232 = arith.constant 0 : i32
        %dma_start3A_233 = arith.constant 0 : i32
        %dma_start3A_234 = tpu.memref_slice %arg4[%dma_start3A_215, %add3A_214, %dma_start3A_232, %dma_start3A_233] : memref<2x2560x1x125xi32, #tpu.memory_space<hbm>> -> memref<1x1x1x125xi32, #tpu.memory_space<hbm>>
        %dma_start3A_235 = tpu.memref_squeeze %dma_start3A_234 : memref<1x1x1x125xi32, #tpu.memory_space<hbm>> -> memref<1x125xi32, #tpu.memory_space<hbm>>
        tpu.enqueue_dma source(%dma_start3A_235 : memref<1x125xi32, #tpu.memory_space<hbm>>) target(%dma_start3A_231 : memref<1x125xi32, #tpu.memory_space<vmem>>) target_semaphore(%dma_start3A_227 : memref<!tpu.dma_semaphore, #tpu.memory_space<semaphore_mem>>)
      } else {
      }
      %add3A_146 = arith.constant 1 : i32
      %add3A_147 = arith.addi %mul3A_100, %add3A_146 : i32
      %dma_wait3A_148 = arith.constant 0 : i32
      %dma_wait3A_149 = arith.constant 1 : i32
      %dma_wait3A_150 = arith.constant 1 : i32
      %dma_wait3A_151 = arith.constant 0 : i32
      %dma_wait3A_152 = arith.constant 0 : i32
      %dma_wait3A_153 = tpu.memref_slice %arg8[%dma_wait3A_149, %dma_wait3A_151, %dma_wait3A_152] : memref<2x125x128xf32, #tpu.memory_space<vmem>> -> memref<1x125x128xf32, #tpu.memory_space<vmem>>
      %dma_wait3A_154 = tpu.memref_squeeze %dma_wait3A_153 : memref<1x125x128xf32, #tpu.memory_space<vmem>> -> memref<125x128xf32, #tpu.memory_space<vmem>>
      %dma_wait3A_155 = arith.constant 0 : i32
      %dma_wait3A_156 = tpu.memref_slice %arg6[%add3A_147, %dma_wait3A_148, %dma_wait3A_155] : memref<80x1x125xi32, #tpu.memory_space<vmem>> -> memref<1x1x125xi32, #tpu.memory_space<vmem>>
      %dma_wait3A_157 = tpu.memref_squeeze %dma_wait3A_156 : memref<1x1x125xi32, #tpu.memory_space<vmem>> -> memref<125xi32, #tpu.memory_space<vmem>>
      %dma_wait3A_158 = arith.constant 0 : i32
      %dma_wait3A_159 = arith.constant 0 : i32
      %dma_wait3A_160 = tpu.memref_slice %arg3[%dma_wait3A_158, %dma_wait3A_159] : memref<10000x128xf32, #tpu.memory_space<hbm>> -> memref<10000x128xf32, #tpu.memory_space<hbm>>
      %dma_wait3A_161 = tpu.memref_slice %arg9[%dma_wait3A_150] : memref<2x!tpu.dma_semaphore, #tpu.memory_space<semaphore_mem>> -> memref<1x!tpu.dma_semaphore, #tpu.memory_space<semaphore_mem>>
      %dma_wait3A_162 = tpu.memref_squeeze %dma_wait3A_161 : memref<1x!tpu.dma_semaphore, #tpu.memory_space<semaphore_mem>> -> memref<!tpu.dma_semaphore, #tpu.memory_space<semaphore_mem>>
      tpu.wait_indirect_dma semaphore(%dma_wait3A_162 : memref<!tpu.dma_semaphore, #tpu.memory_space<semaphore_mem>>) src(%dma_wait3A_160 : memref<10000x128xf32, #tpu.memory_space<hbm>>) dst(%dma_wait3A_154 : memref<125x128xf32, #tpu.memory_space<vmem>>)
      %mul3A_163 = arith.constant 80 : i32
      %mul3A_164 = arith.muli %add3A, %mul3A_163 : i32
      %add3A_165 = arith.addi %mul3A_164, %add3A_147 : i32
      %dma_wait3A_166 = arith.constant 1 : i32
      %dma_wait3A_167 = arith.constant 1 : i32
      %dma_wait3A_168 = arith.constant 1 : i32
      %dma_wait3A_169 = arith.constant 0 : i32
      %dma_wait3A_170 = arith.constant 0 : i32
      %dma_wait3A_171 = tpu.memref_slice %arg7[%dma_wait3A_167, %dma_wait3A_169, %dma_wait3A_170] : memref<2x1x125xi32, #tpu.memory_space<vmem>> -> memref<1x1x125xi32, #tpu.memory_space<vmem>>
      %dma_wait3A_172 = tpu.memref_squeeze %dma_wait3A_171 : memref<1x1x125xi32, #tpu.memory_space<vmem>> -> memref<1x125xi32, #tpu.memory_space<vmem>>
      %dma_wait3A_173 = arith.constant 0 : i32
      %dma_wait3A_174 = arith.constant 0 : i32
      %dma_wait3A_175 = tpu.memref_slice %arg4[%dma_wait3A_166, %add3A_165, %dma_wait3A_173, %dma_wait3A_174] : memref<2x2560x1x125xi32, #tpu.memory_space<hbm>> -> memref<1x1x1x125xi32, #tpu.memory_space<hbm>>
      %dma_wait3A_176 = tpu.memref_squeeze %dma_wait3A_175 : memref<1x1x1x125xi32, #tpu.memory_space<hbm>> -> memref<1x125xi32, #tpu.memory_space<hbm>>
      %dma_wait3A_177 = tpu.memref_slice %arg10[%dma_wait3A_168] : memref<2x!tpu.dma_semaphore, #tpu.memory_space<semaphore_mem>> -> memref<1x!tpu.dma_semaphore, #tpu.memory_space<semaphore_mem>>
      %dma_wait3A_178 = tpu.memref_squeeze %dma_wait3A_177 : memref<1x!tpu.dma_semaphore, #tpu.memory_space<semaphore_mem>> -> memref<!tpu.dma_semaphore, #tpu.memory_space<semaphore_mem>>
      %dma_wait3A_179 = arith.constant 0 : i32
      %dma_wait3A_180 = arith.constant 0 : i32
      %dma_wait3A_181 = tpu.memref_slice %arg7[%dma_wait3A_167, %dma_wait3A_179, %dma_wait3A_180] : memref<2x1x125xi32, #tpu.memory_space<vmem>> -> memref<1x1x125xi32, #tpu.memory_space<vmem>>
      %dma_wait3A_182 = tpu.memref_squeeze %dma_wait3A_181 : memref<1x1x125xi32, #tpu.memory_space<vmem>> -> memref<1x125xi32, #tpu.memory_space<vmem>>
      %dma_wait3A_183 = arith.constant 0 : i32
      %dma_wait3A_184 = arith.constant 0 : i32
      %dma_wait3A_185 = tpu.memref_slice %arg4[%dma_wait3A_166, %add3A_165, %dma_wait3A_183, %dma_wait3A_184] : memref<2x2560x1x125xi32, #tpu.memory_space<hbm>> -> memref<1x1x1x125xi32, #tpu.memory_space<hbm>>
      %dma_wait3A_186 = tpu.memref_squeeze %dma_wait3A_185 : memref<1x1x1x125xi32, #tpu.memory_space<hbm>> -> memref<1x125xi32, #tpu.memory_space<hbm>>
      tpu.wait_dma2 semaphore(%dma_wait3A_178 : memref<!tpu.dma_semaphore, #tpu.memory_space<semaphore_mem>>) src(%dma_wait3A_186 : memref<1x125xi32, #tpu.memory_space<hbm>>) dst(%dma_wait3A_182 : memref<1x125xi32, #tpu.memory_space<vmem>>)
      %run_scoped3A_187 = arith.constant 1 : i32
      %run_scoped3A_188 = arith.constant 1 : i32
      %run_scoped3A_189 = arith.constant 0 : i32
      "tpu.region"() ({
        %run_scoped3A_195 = tpu.sem_alloc : memref<!tpu.dma_semaphore, #tpu.memory_space<semaphore_mem>>
        %dma_start3A_196 = arith.constant 0 : i32
        %dma_start3A_197 = arith.constant 0 : i32
        %dma_start3A_198 = tpu.memref_slice %arg8[%run_scoped3A_187, %dma_start3A_196, %dma_start3A_197] : memref<2x125x128xf32, #tpu.memory_space<vmem>> -> memref<1x125x128xf32, #tpu.memory_space<vmem>>
        %dma_start3A_199 = tpu.memref_squeeze %dma_start3A_198 : memref<1x125x128xf32, #tpu.memory_space<vmem>> -> memref<125x128xf32, #tpu.memory_space<vmem>>
        %dma_start3A_200 = arith.constant 0 : i32
        %dma_start3A_201 = tpu.memref_slice %arg7[%run_scoped3A_188, %run_scoped3A_189, %dma_start3A_200] : memref<2x1x125xi32, #tpu.memory_space<vmem>> -> memref<1x1x125xi32, #tpu.memory_space<vmem>>
        %dma_start3A_202 = tpu.memref_squeeze %dma_start3A_201 : memref<1x1x125xi32, #tpu.memory_space<vmem>> -> memref<125xi32, #tpu.memory_space<vmem>>
        %dma_start3A_203 = arith.constant 0 : i32
        %dma_start3A_204 = arith.constant 0 : i32
        %dma_start3A_205 = tpu.memref_slice %arg11[%dma_start3A_203, %dma_start3A_204] : memref<10240x128xf32, #tpu.memory_space<vmem_shared>> -> memref<10240x128xf32, #tpu.memory_space<vmem_shared>>
        tpu.enqueue_indirect_dma source(%dma_start3A_199 : memref<125x128xf32, #tpu.memory_space<vmem>>) target(%dma_start3A_205 : memref<10240x128xf32, #tpu.memory_space<vmem_shared>>) offsets(%dma_start3A_202 : memref<125xi32, #tpu.memory_space<vmem>>) semaphore(%run_scoped3A_195 : memref<!tpu.dma_semaphore, #tpu.memory_space<semaphore_mem>>) {add = true}
        %dma_wait3A_206 = arith.constant 0 : i32
        %dma_wait3A_207 = arith.constant 0 : i32
        %dma_wait3A_208 = tpu.memref_slice %arg8[%run_scoped3A_187, %dma_wait3A_206, %dma_wait3A_207] : memref<2x125x128xf32, #tpu.memory_space<vmem>> -> memref<1x125x128xf32, #tpu.memory_space<vmem>>
        %dma_wait3A_209 = tpu.memref_squeeze %dma_wait3A_208 : memref<1x125x128xf32, #tpu.memory_space<vmem>> -> memref<125x128xf32, #tpu.memory_space<vmem>>
        %dma_wait3A_210 = arith.constant 0 : i32
        %dma_wait3A_211 = tpu.memref_slice %arg7[%run_scoped3A_188, %run_scoped3A_189, %dma_wait3A_210] : memref<2x1x125xi32, #tpu.memory_space<vmem>> -> memref<1x1x125xi32, #tpu.memory_space<vmem>>
        %dma_wait3A_212 = tpu.memref_squeeze %dma_wait3A_211 : memref<1x1x125xi32, #tpu.memory_space<vmem>> -> memref<125xi32, #tpu.memory_space<vmem>>
        %dma_wait3A_213 = arith.constant 0 : i32
        %dma_wait3A_214 = arith.constant 0 : i32
        %dma_wait3A_215 = tpu.memref_slice %arg11[%dma_wait3A_213, %dma_wait3A_214] : memref<10240x128xf32, #tpu.memory_space<vmem_shared>> -> memref<10240x128xf32, #tpu.memory_space<vmem_shared>>
        tpu.wait_indirect_dma semaphore(%run_scoped3A_195 : memref<!tpu.dma_semaphore, #tpu.memory_space<semaphore_mem>>) src(%dma_wait3A_209 : memref<125x128xf32, #tpu.memory_space<vmem>>) dst(%dma_wait3A_215 : memref<10240x128xf32, #tpu.memory_space<vmem_shared>>)
        tpu.yield
      }) : () -> ()
      %lt3A_190 = arith.constant 39 : i32
      %lt3A_191 = arith.cmpi slt, %scan3A_98, %lt3A_190 : i32
      %convert_element_type3A_192 = arith.extui %lt3A_191 : i1 to i32
      %cond3A_193 = arith.constant 0 : i32
      %cond3A_194 = arith.cmpi ne, %convert_element_type3A_192, %cond3A_193 : i32
      scf.if %cond3A_194 {
        %add3A_195 = arith.constant 2 : i32
        %add3A_196 = arith.addi %add3A_147, %add3A_195 : i32
        %dma_start3A_197 = arith.constant 0 : i32
        %dma_start3A_198 = arith.constant 1 : i32
        %dma_start3A_199 = arith.constant 1 : i32
        %dma_start3A_200 = arith.constant 0 : i32
        %dma_start3A_201 = arith.constant 0 : i32
        %dma_start3A_202 = tpu.memref_slice %arg8[%dma_start3A_198, %dma_start3A_200, %dma_start3A_201] : memref<2x125x128xf32, #tpu.memory_space<vmem>> -> memref<1x125x128xf32, #tpu.memory_space<vmem>>
        %dma_start3A_203 = tpu.memref_squeeze %dma_start3A_202 : memref<1x125x128xf32, #tpu.memory_space<vmem>> -> memref<125x128xf32, #tpu.memory_space<vmem>>
        %dma_start3A_204 = arith.constant 0 : i32
        %dma_start3A_205 = tpu.memref_slice %arg6[%add3A_196, %dma_start3A_197, %dma_start3A_204] : memref<80x1x125xi32, #tpu.memory_space<vmem>> -> memref<1x1x125xi32, #tpu.memory_space<vmem>>
        %dma_start3A_206 = tpu.memref_squeeze %dma_start3A_205 : memref<1x1x125xi32, #tpu.memory_space<vmem>> -> memref<125xi32, #tpu.memory_space<vmem>>
        %dma_start3A_207 = arith.constant 0 : i32
        %dma_start3A_208 = arith.constant 0 : i32
        %dma_start3A_209 = tpu.memref_slice %arg3[%dma_start3A_207, %dma_start3A_208] : memref<10000x128xf32, #tpu.memory_space<hbm>> -> memref<10000x128xf32, #tpu.memory_space<hbm>>
        %dma_start3A_210 = tpu.memref_slice %arg9[%dma_start3A_199] : memref<2x!tpu.dma_semaphore, #tpu.memory_space<semaphore_mem>> -> memref<1x!tpu.dma_semaphore, #tpu.memory_space<semaphore_mem>>
        %dma_start3A_211 = tpu.memref_squeeze %dma_start3A_210 : memref<1x!tpu.dma_semaphore, #tpu.memory_space<semaphore_mem>> -> memref<!tpu.dma_semaphore, #tpu.memory_space<semaphore_mem>>
        tpu.enqueue_indirect_dma source(%dma_start3A_209 : memref<10000x128xf32, #tpu.memory_space<hbm>>) target(%dma_start3A_203 : memref<125x128xf32, #tpu.memory_space<vmem>>) offsets(%dma_start3A_206 : memref<125xi32, #tpu.memory_space<vmem>>) semaphore(%dma_start3A_211 : memref<!tpu.dma_semaphore, #tpu.memory_space<semaphore_mem>>)
        %mul3A_212 = arith.constant 80 : i32
        %mul3A_213 = arith.muli %add3A, %mul3A_212 : i32
        %add3A_214 = arith.addi %mul3A_213, %add3A_196 : i32
        %dma_start3A_215 = arith.constant 1 : i32
        %dma_start3A_216 = arith.constant 1 : i32
        %dma_start3A_217 = arith.constant 1 : i32
        %dma_start3A_218 = arith.constant 0 : i32
        %dma_start3A_219 = arith.constant 0 : i32
        %dma_start3A_220 = tpu.memref_slice %arg7[%dma_start3A_216, %dma_start3A_218, %dma_start3A_219] : memref<2x1x125xi32, #tpu.memory_space<vmem>> -> memref<1x1x125xi32, #tpu.memory_space<vmem>>
        %dma_start3A_221 = tpu.memref_squeeze %dma_start3A_220 : memref<1x1x125xi32, #tpu.memory_space<vmem>> -> memref<1x125xi32, #tpu.memory_space<vmem>>
        %dma_start3A_222 = arith.constant 0 : i32
        %dma_start3A_223 = arith.constant 0 : i32
        %dma_start3A_224 = tpu.memref_slice %arg4[%dma_start3A_215, %add3A_214, %dma_start3A_222, %dma_start3A_223] : memref<2x2560x1x125xi32, #tpu.memory_space<hbm>> -> memref<1x1x1x125xi32, #tpu.memory_space<hbm>>
        %dma_start3A_225 = tpu.memref_squeeze %dma_start3A_224 : memref<1x1x1x125xi32, #tpu.memory_space<hbm>> -> memref<1x125xi32, #tpu.memory_space<hbm>>
        %dma_start3A_226 = tpu.memref_slice %arg10[%dma_start3A_217] : memref<2x!tpu.dma_semaphore, #tpu.memory_space<semaphore_mem>> -> memref<1x!tpu.dma_semaphore, #tpu.memory_space<semaphore_mem>>
        %dma_start3A_227 = tpu.memref_squeeze %dma_start3A_226 : memref<1x!tpu.dma_semaphore, #tpu.memory_space<semaphore_mem>> -> memref<!tpu.dma_semaphore, #tpu.memory_space<semaphore_mem>>
        %dma_start3A_228 = arith.constant 0 : i32
        %dma_start3A_229 = arith.constant 0 : i32
        %dma_start3A_230 = tpu.memref_slice %arg7[%dma_start3A_216, %dma_start3A_228, %dma_start3A_229] : memref<2x1x125xi32, #tpu.memory_space<vmem>> -> memref<1x1x125xi32, #tpu.memory_space<vmem>>
        %dma_start3A_231 = tpu.memref_squeeze %dma_start3A_230 : memref<1x1x125xi32, #tpu.memory_space<vmem>> -> memref<1x125xi32, #tpu.memory_space<vmem>>
        %dma_start3A_232 = arith.constant 0 : i32
        %dma_start3A_233 = arith.constant 0 : i32
        %dma_start3A_234 = tpu.memref_slice %arg4[%dma_start3A_215, %add3A_214, %dma_start3A_232, %dma_start3A_233] : memref<2x2560x1x125xi32, #tpu.memory_space<hbm>> -> memref<1x1x1x125xi32, #tpu.memory_space<hbm>>
        %dma_start3A_235 = tpu.memref_squeeze %dma_start3A_234 : memref<1x1x1x125xi32, #tpu.memory_space<hbm>> -> memref<1x125xi32, #tpu.memory_space<hbm>>
        tpu.enqueue_dma source(%dma_start3A_235 : memref<1x125xi32, #tpu.memory_space<hbm>>) target(%dma_start3A_231 : memref<1x125xi32, #tpu.memory_space<vmem>>) target_semaphore(%dma_start3A_227 : memref<!tpu.dma_semaphore, #tpu.memory_space<semaphore_mem>>)
      } else {
      }
    }
    %scan3A_92 = arith.constant 40 : i32
    %barrier3A_93 = arith.constant 0 : index
    tpu.barrier barrier_id(%barrier3A_93)
    %mul3A_94 = arith.constant 640 : i32
    %mul3A_95 = arith.muli %arg1, %mul3A_94 : i32
    %mul3A_96 = arith.constant 640 : i32
    %mul3A_97 = arith.muli %arg1, %mul3A_96 : i32
    "tpu.region"() ({
      %run_scoped3A_98 = tpu.sem_alloc : memref<!tpu.dma_semaphore, #tpu.memory_space<semaphore_mem>>
      %dma_start3A_99 = arith.constant 0 : i32
      %dma_start3A_100 = tpu.memref_slice %arg5[%arg0, %mul3A_97, %dma_start3A_99] : memref<2x10240x128xf32, #tpu.memory_space<hbm>> -> memref<1x640x128xf32, #tpu.memory_space<hbm>>
      %dma_start3A_101 = tpu.memref_squeeze %dma_start3A_100 : memref<1x640x128xf32, #tpu.memory_space<hbm>> -> memref<640x128xf32, #tpu.memory_space<hbm>>
      %dma_start3A_102 = arith.constant 0 : i32
      %dma_start3A_103 = tpu.memref_slice %arg11[%mul3A_95, %dma_start3A_102] : memref<10240x128xf32, #tpu.memory_space<vmem_shared>> -> memref<640x128xf32, #tpu.memory_space<vmem_shared>>
      tpu.enqueue_dma source(%dma_start3A_103 : memref<640x128xf32, #tpu.memory_space<vmem_shared>>) target(%dma_start3A_101 : memref<640x128xf32, #tpu.memory_space<hbm>>) target_semaphore(%run_scoped3A_98 : memref<!tpu.dma_semaphore, #tpu.memory_space<semaphore_mem>>)
      %dma_wait3A = arith.constant 0 : i32
      %dma_wait3A_104 = tpu.memref_slice %arg5[%arg0, %mul3A_97, %dma_wait3A] : memref<2x10240x128xf32, #tpu.memory_space<hbm>> -> memref<1x640x128xf32, #tpu.memory_space<hbm>>
      %dma_wait3A_105 = tpu.memref_squeeze %dma_wait3A_104 : memref<1x640x128xf32, #tpu.memory_space<hbm>> -> memref<640x128xf32, #tpu.memory_space<hbm>>
      %dma_wait3A_106 = arith.constant 0 : i32
      %dma_wait3A_107 = tpu.memref_slice %arg11[%mul3A_95, %dma_wait3A_106] : memref<10240x128xf32, #tpu.memory_space<vmem_shared>> -> memref<640x128xf32, #tpu.memory_space<vmem_shared>>
      tpu.wait_dma2 semaphore(%run_scoped3A_98 : memref<!tpu.dma_semaphore, #tpu.memory_space<semaphore_mem>>) src(%dma_wait3A_107 : memref<640x128xf32, #tpu.memory_space<vmem_shared>>) dst(%dma_wait3A_105 : memref<640x128xf32, #tpu.memory_space<hbm>>)
      tpu.yield
    }) : () -> ()
    return
  }
}

module attributes {stable_mosaic.version = 14 : i64} {
  func.func @_mm_body(%arg0: i32, %arg1: memref<2000x128xf32, #tpu.memory_space<vmem>>, %arg2: memref<128x128xf32, #tpu.memory_space<vmem>>, %arg3: memref<2000x128xf32, #tpu.memory_space<vmem>>) attributes {dimension_semantics = [#tpu.dimension_semantics<arbitrary>], iteration_bounds = array<i64: 5>, scalar_prefetch = 0 : i64, scratch_operands = 0 : i64, tpu.core_type = #tpu.core_type<tc>, window_params = [{transform_indices = @transform_0, window_bounds = array<i64: 2000, 128>}, {pipeline_mode = #tpu.pipeline_mode<synchronous>, transform_indices = @transform_1, window_bounds = array<i64: 128, 128>}, {transform_indices = @transform_2, window_bounds = array<i64: 2000, 128>}]} {
    %get3A = arith.constant 0 : index
    %get3A_0 = arith.constant 0 : index
    %get3A_1 = vector.load %arg1[%get3A, %get3A_0] : memref<2000x128xf32, #tpu.memory_space<vmem>>, vector<2000x128xf32>
    %get3A_2 = arith.constant 0 : index
    %get3A_3 = arith.constant 0 : index
    %get3A_4 = vector.load %arg2[%get3A_2, %get3A_3] : memref<128x128xf32, #tpu.memory_space<vmem>>, vector<128x128xf32>
    %dot_general3A = arith.constant dense<0.000000e+00> : vector<2000x128xf32>
    %dot_general3A_5 = tpu.matmul %get3A_1, %get3A_4, %dot_general3A {dimension_numbers = #tpu.dot_dimension_numbers<[1], [0], [0], [1], [0, 0, 1, 1], [], []>, transpose_lhs_hint = false} : vector<2000x128xf32>, vector<128x128xf32>, vector<2000x128xf32> -> vector<2000x128xf32>
    %swap3A = arith.constant 0 : index
    %swap3A_6 = arith.constant 0 : index
    %swap3A_7 = vector.load %arg3[%swap3A, %swap3A_6] : memref<2000x128xf32, #tpu.memory_space<vmem>>, vector<2000x128xf32>
    tpu.vector_store %arg3[%swap3A, %swap3A_6], %dot_general3A_5 {strides = array<i32>} : memref<2000x128xf32, #tpu.memory_space<vmem>>, vector<2000x128xf32>,
    return
  }
  func.func @transform_0(%arg0: i32) -> (i32, i32) {
    %c0_i32 = arith.constant 0 : i32
    %c0_i32_0 = arith.constant 0 : i32
    return %arg0, %c0_i32 : i32, i32
  }
  func.func @transform_1(%arg0: i32) -> (i32, i32) {
    %c0_i32 = arith.constant 0 : i32
    %c0_i32_0 = arith.constant 0 : i32
    %c0_i32_1 = arith.constant 0 : i32
    return %c0_i32, %c0_i32_0 : i32, i32
  }
  func.func @transform_2(%arg0: i32) -> (i32, i32) {
    %c0_i32 = arith.constant 0 : i32
    %c0_i32_0 = arith.constant 0 : i32
    return %arg0, %c0_i32 : i32, i32
  }
}

module attributes {stable_mosaic.version = 14 : i64} {
  func.func @_rdeg_body(%arg0: i32, %arg1: memref<2x2000x128xf32, #tpu.memory_space<vmem>>, %arg2: memref<2000x1xf32, #tpu.memory_space<vmem>>) attributes {dimension_semantics = [#tpu.dimension_semantics<arbitrary>], iteration_bounds = array<i64: 5>, scalar_prefetch = 0 : i64, scratch_operands = 0 : i64, tpu.core_type = #tpu.core_type<tc>, window_params = [{transform_indices = @transform_0, window_bounds = array<i64: 2, 2000, 128>}, {transform_indices = @transform_1, window_bounds = array<i64: 2000, 1>}]} {
    %get3A = arith.constant 0 : index
    %get3A_0 = arith.constant 0 : index
    %get3A_1 = arith.constant 0 : index
    %get3A_2 = vector.load %arg1[%get3A, %get3A_0, %get3A_1] : memref<2x2000x128xf32, #tpu.memory_space<vmem>>, vector<1x2000x1xf32>
    %get3A_3 = vector.shape_cast %get3A_2 : vector<1x2000x1xf32> to vector<2000x1xf32>
    %get3A_4 = arith.constant 1 : index
    %get3A_5 = arith.constant 0 : index
    %get3A_6 = arith.constant 0 : index
    %get3A_7 = vector.load %arg1[%get3A_4, %get3A_5, %get3A_6] : memref<2x2000x128xf32, #tpu.memory_space<vmem>>, vector<1x2000x1xf32>
    %get3A_8 = vector.shape_cast %get3A_7 : vector<1x2000x1xf32> to vector<2000x1xf32>
    %add3A = arith.addf %get3A_3, %get3A_8 : vector<2000x1xf32>
    %max3A = arith.constant 1.000000e+00 : f32
    %max3A_9 = vector.broadcast %max3A : f32 to vector<2000x1xf32>
    %max3A_10 = arith.maximumf %add3A, %max3A_9 : vector<2000x1xf32>
    %div3A = arith.constant 1.000000e+00 : f32
    %div3A_11 = vector.broadcast %div3A : f32 to vector<2000x1xf32>
    %div3A_12 = arith.divf %div3A_11, %max3A_10 : vector<2000x1xf32>
    %swap3A = arith.constant 0 : index
    %swap3A_13 = arith.constant 0 : index
    %swap3A_14 = vector.load %arg2[%swap3A, %swap3A_13] : memref<2000x1xf32, #tpu.memory_space<vmem>>, vector<2000x1xf32>
    tpu.vector_store %arg2[%swap3A, %swap3A_13], %div3A_12 {strides = array<i32>} : memref<2000x1xf32, #tpu.memory_space<vmem>>, vector<2000x1xf32>,
    return
  }
  func.func @transform_0(%arg0: i32) -> (i32, i32, i32) {
    %c0_i32 = arith.constant 0 : i32
    %c0_i32_0 = arith.constant 0 : i32
    %c0_i32_1 = arith.constant 0 : i32
    return %c0_i32, %arg0, %c0_i32_0 : i32, i32, i32
  }
  func.func @transform_1(%arg0: i32) -> (i32, i32) {
    %c0_i32 = arith.constant 0 : i32
    %c0_i32_0 = arith.constant 0 : i32
    return %arg0, %c0_i32 : i32, i32
  }
}

module attributes {stable_mosaic.version = 14 : i64} {
  func.func @_combine_body(%arg0: i32, %arg1: memref<2x2000x128xf32, #tpu.memory_space<vmem>>, %arg2: memref<2000x1xf32, #tpu.memory_space<vmem>>, %arg3: memref<2000x128xf32, #tpu.memory_space<vmem>>, %arg4: memref<128x128xf32, #tpu.memory_space<vmem>>, %arg5: memref<2000x128xf32, #tpu.memory_space<vmem>>) attributes {dimension_semantics = [#tpu.dimension_semantics<arbitrary>], iteration_bounds = array<i64: 5>, scalar_prefetch = 0 : i64, scratch_operands = 0 : i64, tpu.core_type = #tpu.core_type<tc>, window_params = [{transform_indices = @transform_0, window_bounds = array<i64: 2, 2000, 128>}, {transform_indices = @transform_1, window_bounds = array<i64: 2000, 1>}, {transform_indices = @transform_2, window_bounds = array<i64: 2000, 128>}, {pipeline_mode = #tpu.pipeline_mode<synchronous>, transform_indices = @transform_3, window_bounds = array<i64: 128, 128>}, {transform_indices = @transform_4, window_bounds = array<i64: 2000, 128>}]} {
    %get3A = arith.constant 0 : index
    %get3A_0 = arith.constant 0 : index
    %get3A_1 = arith.constant 0 : index
    %get3A_2 = vector.load %arg1[%get3A, %get3A_0, %get3A_1] : memref<2x2000x128xf32, #tpu.memory_space<vmem>>, vector<1x2000x128xf32>
    %get3A_3 = vector.shape_cast %get3A_2 : vector<1x2000x128xf32> to vector<2000x128xf32>
    %get3A_4 = arith.constant 1 : index
    %get3A_5 = arith.constant 0 : index
    %get3A_6 = arith.constant 0 : index
    %get3A_7 = vector.load %arg1[%get3A_4, %get3A_5, %get3A_6] : memref<2x2000x128xf32, #tpu.memory_space<vmem>>, vector<1x2000x128xf32>
    %get3A_8 = vector.shape_cast %get3A_7 : vector<1x2000x128xf32> to vector<2000x128xf32>
    %add3A = arith.addf %get3A_3, %get3A_8 : vector<2000x128xf32>
    %get3A_9 = arith.constant 0 : index
    %get3A_10 = arith.constant 0 : index
    %get3A_11 = vector.load %arg2[%get3A_9, %get3A_10] : memref<2000x1xf32, #tpu.memory_space<vmem>>, vector<2000x1xf32>
    %mul3A = vector.broadcast %get3A_11 : vector<2000x1xf32> to vector<2000x128xf32>
    %mul3A_12 = arith.mulf %add3A, %mul3A : vector<2000x128xf32>
    %get3A_13 = arith.constant 0 : index
    %get3A_14 = arith.constant 0 : index
    %get3A_15 = vector.load %arg4[%get3A_13, %get3A_14] : memref<128x128xf32, #tpu.memory_space<vmem>>, vector<128x128xf32>
    %dot_general3A = arith.constant dense<0.000000e+00> : vector<2000x128xf32>
    %dot_general3A_16 = tpu.matmul %mul3A_12, %get3A_15, %dot_general3A {dimension_numbers = #tpu.dot_dimension_numbers<[1], [0], [0], [1], [0, 0, 1, 1], [], []>, transpose_lhs_hint = false} : vector<2000x128xf32>, vector<128x128xf32>, vector<2000x128xf32> -> vector<2000x128xf32>
    %get3A_17 = arith.constant 0 : index
    %get3A_18 = arith.constant 0 : index
    %get3A_19 = vector.load %arg3[%get3A_17, %get3A_18] : memref<2000x128xf32, #tpu.memory_space<vmem>>, vector<2000x128xf32>
    %add3A_20 = arith.addf %dot_general3A_16, %get3A_19 : vector<2000x128xf32>
    %max3A = arith.constant 0.000000e+00 : f32
    %max3A_21 = vector.broadcast %max3A : f32 to vector<2000x128xf32>
    %max3A_22 = arith.maximumf %add3A_20, %max3A_21 : vector<2000x128xf32>
    %swap3A = arith.constant 0 : index
    %swap3A_23 = arith.constant 0 : index
    %swap3A_24 = vector.load %arg5[%swap3A, %swap3A_23] : memref<2000x128xf32, #tpu.memory_space<vmem>>, vector<2000x128xf32>
    tpu.vector_store %arg5[%swap3A, %swap3A_23], %max3A_22 {strides = array<i32>} : memref<2000x128xf32, #tpu.memory_space<vmem>>, vector<2000x128xf32>,
    return
  }
  func.func @transform_0(%arg0: i32) -> (i32, i32, i32) {
    %c0_i32 = arith.constant 0 : i32
    %c0_i32_0 = arith.constant 0 : i32
    %c0_i32_1 = arith.constant 0 : i32
    return %c0_i32, %arg0, %c0_i32_0 : i32, i32, i32
  }
  func.func @transform_1(%arg0: i32) -> (i32, i32) {
    %c0_i32 = arith.constant 0 : i32
    %c0_i32_0 = arith.constant 0 : i32
    return %arg0, %c0_i32 : i32, i32
  }
  func.func @transform_2(%arg0: i32) -> (i32, i32) {
    %c0_i32 = arith.constant 0 : i32
    %c0_i32_0 = arith.constant 0 : i32
    return %arg0, %c0_i32 : i32, i32
  }
  func.func @transform_3(%arg0: i32) -> (i32, i32) {
    %c0_i32 = arith.constant 0 : i32
    %c0_i32_0 = arith.constant 0 : i32
    %c0_i32_1 = arith.constant 0 : i32
    return %c0_i32, %c0_i32_0 : i32, i32
  }
  func.func @transform_4(%arg0: i32) -> (i32, i32) {
    %c0_i32 = arith.constant 0 : i32
    %c0_i32_0 = arith.constant 0 : i32
    return %arg0, %c0_i32 : i32, i32
  }
}

module attributes {stable_mosaic.version = 14 : i64} {
  func.func @_combine_body(%arg0: i32, %arg1: memref<2x2000x128xf32, #tpu.memory_space<vmem>>, %arg2: memref<2000x1xf32, #tpu.memory_space<vmem>>, %arg3: memref<2000x128xf32, #tpu.memory_space<vmem>>, %arg4: memref<128x128xf32, #tpu.memory_space<vmem>>, %arg5: memref<2000x128xf32, #tpu.memory_space<vmem>>) attributes {dimension_semantics = [#tpu.dimension_semantics<arbitrary>], iteration_bounds = array<i64: 5>, scalar_prefetch = 0 : i64, scratch_operands = 0 : i64, tpu.core_type = #tpu.core_type<tc>, window_params = [{transform_indices = @transform_0, window_bounds = array<i64: 2, 2000, 128>}, {transform_indices = @transform_1, window_bounds = array<i64: 2000, 1>}, {transform_indices = @transform_2, window_bounds = array<i64: 2000, 128>}, {pipeline_mode = #tpu.pipeline_mode<synchronous>, transform_indices = @transform_3, window_bounds = array<i64: 128, 128>}, {transform_indices = @transform_4, window_bounds = array<i64: 2000, 128>}]} {
    %get3A = arith.constant 0 : index
    %get3A_0 = arith.constant 0 : index
    %get3A_1 = arith.constant 0 : index
    %get3A_2 = vector.load %arg1[%get3A, %get3A_0, %get3A_1] : memref<2x2000x128xf32, #tpu.memory_space<vmem>>, vector<1x2000x128xf32>
    %get3A_3 = vector.shape_cast %get3A_2 : vector<1x2000x128xf32> to vector<2000x128xf32>
    %get3A_4 = arith.constant 1 : index
    %get3A_5 = arith.constant 0 : index
    %get3A_6 = arith.constant 0 : index
    %get3A_7 = vector.load %arg1[%get3A_4, %get3A_5, %get3A_6] : memref<2x2000x128xf32, #tpu.memory_space<vmem>>, vector<1x2000x128xf32>
    %get3A_8 = vector.shape_cast %get3A_7 : vector<1x2000x128xf32> to vector<2000x128xf32>
    %add3A = arith.addf %get3A_3, %get3A_8 : vector<2000x128xf32>
    %get3A_9 = arith.constant 0 : index
    %get3A_10 = arith.constant 0 : index
    %get3A_11 = vector.load %arg2[%get3A_9, %get3A_10] : memref<2000x1xf32, #tpu.memory_space<vmem>>, vector<2000x1xf32>
    %mul3A = vector.broadcast %get3A_11 : vector<2000x1xf32> to vector<2000x128xf32>
    %mul3A_12 = arith.mulf %add3A, %mul3A : vector<2000x128xf32>
    %get3A_13 = arith.constant 0 : index
    %get3A_14 = arith.constant 0 : index
    %get3A_15 = vector.load %arg4[%get3A_13, %get3A_14] : memref<128x128xf32, #tpu.memory_space<vmem>>, vector<128x128xf32>
    %dot_general3A = arith.constant dense<0.000000e+00> : vector<2000x128xf32>
    %dot_general3A_16 = tpu.matmul %mul3A_12, %get3A_15, %dot_general3A {dimension_numbers = #tpu.dot_dimension_numbers<[1], [0], [0], [1], [0, 0, 1, 1], [], []>, transpose_lhs_hint = false} : vector<2000x128xf32>, vector<128x128xf32>, vector<2000x128xf32> -> vector<2000x128xf32>
    %get3A_17 = arith.constant 0 : index
    %get3A_18 = arith.constant 0 : index
    %get3A_19 = vector.load %arg3[%get3A_17, %get3A_18] : memref<2000x128xf32, #tpu.memory_space<vmem>>, vector<2000x128xf32>
    %add3A_20 = arith.addf %dot_general3A_16, %get3A_19 : vector<2000x128xf32>
    %swap3A = arith.constant 0 : index
    %swap3A_21 = arith.constant 0 : index
    %swap3A_22 = vector.load %arg5[%swap3A, %swap3A_21] : memref<2000x128xf32, #tpu.memory_space<vmem>>, vector<2000x128xf32>
    tpu.vector_store %arg5[%swap3A, %swap3A_21], %add3A_20 {strides = array<i32>} : memref<2000x128xf32, #tpu.memory_space<vmem>>, vector<2000x128xf32>,
    return
  }
  func.func @transform_0(%arg0: i32) -> (i32, i32, i32) {
    %c0_i32 = arith.constant 0 : i32
    %c0_i32_0 = arith.constant 0 : i32
    %c0_i32_1 = arith.constant 0 : i32
    return %c0_i32, %arg0, %c0_i32_0 : i32, i32, i32
  }
  func.func @transform_1(%arg0: i32) -> (i32, i32) {
    %c0_i32 = arith.constant 0 : i32
    %c0_i32_0 = arith.constant 0 : i32
    return %arg0, %c0_i32 : i32, i32
  }
  func.func @transform_2(%arg0: i32) -> (i32, i32) {
    %c0_i32 = arith.constant 0 : i32
    %c0_i32_0 = arith.constant 0 : i32
    return %arg0, %c0_i32 : i32, i32
  }
  func.func @transform_3(%arg0: i32) -> (i32, i32) {
    %c0_i32 = arith.constant 0 : i32
    %c0_i32_0 = arith.constant 0 : i32
    %c0_i32_1 = arith.constant 0 : i32
    return %c0_i32, %c0_i32_0 : i32, i32
  }
  func.func @transform_4(%arg0: i32) -> (i32, i32) {
    %c0_i32 = arith.constant 0 : i32
    %c0_i32_0 = arith.constant 0 : i32
    return %arg0, %c0_i32 : i32, i32
  }
}

</mosaic_0001>

<sc_bundles>
// kernel: kernel.13.cloned.1.call-start
scs
__scs_entry_jumppad:
0x0: {  	(pc) =	sbr.rel $0x88, $3  }
0x1: {  	(tag) =	ssettag $0x0;
	lr =	simm.s32 $0x1  }
0x2: {  	[smem:$0x3F99] =	sst lr;
	_ =	strace $0xD0000000  }
0x3: {  	_ = 	snop  }
0x4: {  	_ = 	snop  }
0x5: {  	_ = 	snop  }
0x6: {  	_ = 	snop  }
0x7: {  	_ = 	snop  }
__scs_overlays_trampoline_lowered:
0x8: {  	[smem:$0x3FA8] =	sst s0  }
0x9: {  	[smem:$0x3FA9] =	sst s1  }
0xa: {  	[smem:$0x3FAA] =	sst s2  }
0xb: {  	[smem:$0x3FAB] =	sst s3  }
0xc: {  	[smem:$0x3FAC] =	sst s4  }
0xd: {  	[smem:$0x3FAD] =	sst s5  }
0xe: {  	[smem:$0x3FAE] =	sst s6  }
0xf: {  	[smem:$0x3FAF] =	sst s7  }
0x10: {  	[smem:$0x3FB0] =	sst s8  }
0x11: {  	[smem:$0x3FB1] =	sst s9;
	s0 =	simm.s32 @!p0 $0x0  }
0x12: {  	s1 =	sld [smem:$0x3F97];
	s0 =	simm.s32 @p0 $0x1  }
0x13: {  	[smem:$0x3FB2] =	sst s0;
	s0 =	simm.s32 @!p1 $0x0  }
0x14: {  	s2 =	sld [smem:$0x3F96];
	s0 =	simm.s32 @p1 $0x1  }
0x15: {  	[smem:$0x3FB3] =	sst s0;
	s0 =	simm.s32 @!p2 $0x0  }
0x16: {  	s3 =	sld [smem:$0x3FDB];
	s0 =	simm.s32 @p2 $0x1  }
0x17: {  	s4 =	simm.s32 $0x1BF5;
	[smem:$0x3FB5] =	sst s0  }
0x18: {  	s0 =	sld [smem:$0x3F98];
	_ =	swait.ge [sflag:s4], $0x0  }
0x19: {  	s7 =	sld [smem:$0x3F99]  }
0x1a: {  	s8 =	sadd.s32 $0xFFFFE003, lr  }
0x1b: {  	s9 =	sadd.s32 $0xFFFFFEF7, lr;
	s5 =	simm.s32 $0xFFFFFFFF;
	p2 =	slt.u32 s8, $0xFFFFF086  }
0x1c: {  	p1 =	slt.u32 s9, $0xF7A;
	s5 =	simm.s32 @!p2 $0x0  }
0x1d: {  	s5 =	simm.s32 @p1 $0x1;
	p0 =	seq.s32 s7, s2  }
0x1e: {  	s7 =	smul.u32 @!p0 $0xF7A, s2;
	p2 =	seq.s32 @!p0 s5, $0x0  }
0x1f: {  	s9 =	smul.u32 $0xF7A, s1;
	s8 =	simm.s32 @!p0 $0x1BF5;
	p2 =	por !p2, p0  }
0x20: {  	[sflag:s8] =	ssyncset.s32 @!p0 $0xFFFFF086;
	s6 =	sadd.s32 @!p0 s3, s7;
	s7 =	simm.s32 @!p0 $0x108  }
0x21: {  	s3 =	sadd.s32 s3, s9;
	s6 =	sadd.s32 @!p0 $0x88, s6;
	s7 =	simm.s32 @p2 $0x1082  }
0x22: {  	[simem:s7], [sflag:s8] =	dma.local @!p0 [hbm:s6], $0xF7A  }
0x23: {  	s9 =	sor.u32 $0xD0000000, s2;
	s6 =	simm.s32 $0x108;
	_ =	swait.ge @!p0 [sflag:s8], $0x0  }
0x24: {  	s3 =	sadd.s32 $0x88, s3;
	s6 =	simm.s32 @!p1 $0x1082;
	[sflag:s4] =	ssyncset.s32 $0xFFFFF086  }
0x25: {  	[simem:s6], [sflag:s4] =	dma.local [hbm:s3], $0xF7A  }
0x26: {  	[smem:$0x3F99] =	sst s1;
	(tag) =	ssettag s2;
	_ =	strace s9  }
0x27: {  	s1 =	sld [smem:$0x3FA9]  }
0x28: {  	s2 =	sld [smem:$0x3FAA]  }
0x29: {  	s4 =	sld [smem:$0x3FAC]  }
0x2a: {  	p0 =	seq.s32 s5, $0x0;
	s5 =	sld [smem:$0x3FAD]  }
0x2b: {  	s6 =	sld [smem:$0x3FAE]  }
0x2c: {  	s7 =	sld [smem:$0x3FAF]  }
0x2d: {  	s3 =	simm.s32 $0x108;
	s8 =	sld [smem:$0x3FB0]  }
0x2e: {  	s3 =	simm.s32 @!p0 $0x1082;
	s9 =	sld [smem:$0x3FB1]  }
0x2f: {  	lr =	sadd.s32 s0, s3;
	s0 =	sld [smem:$0x3FA8]  }
0x30: {  	s3 =	sld [smem:$0x3FAB]  }
0x31: {  	[smem:$0x3FB4] =	sst s10  }
0x32: {  	s10 =	sld [smem:$0x3FB2];
	_ =	sdelay $0x3  }
0x33: {  	p0 =	seq.s32 s10, $0x1;
	s10 =	sld [smem:$0x3FB4];
	_ =	sdelay $0x3  }
0x34: {  	[smem:$0x3FB4] =	sst s10  }
0x35: {  	s10 =	sld [smem:$0x3FB3];
	_ =	sdelay $0x3  }
0x36: {  	p1 =	seq.s32 s10, $0x1;
	s10 =	sld [smem:$0x3FB4];
	_ =	sdelay $0x3  }
0x37: {  	[smem:$0x3FB4] =	sst s10  }
0x38: {  	s10 =	sld [smem:$0x3FB5]  }
0x39: {  	_ = 	snop;
	(pc) =	sbr.ind lr, $3  }
0x3a: {  	_ = 	snop  }
0x3b: {  	_ = 	snop  }
0x3c: {  	p2 =	seq.s32 s10, $0x1;
	s10 =	sld [smem:$0x3FB4]  }
0x3d: {  	_ =	shalt  }
0x3e: {  	_ =	shalt  }
0x3f: {  	_ =	shalt  }
0x40: {  	_ =	shalt  }
0x41: {  	_ =	shalt  }
0x42: {  	_ =	shalt  }
0x43: {  	_ =	shalt  }
0x44: {  	_ =	shalt  }
0x45: {  	_ =	shalt  }
0x46: {  	_ =	shalt  }
0x47: {  	_ =	shalt  }
0x48: {  	_ =	shalt  }
0x49: {  	_ =	shalt  }
0x4a: {  	_ =	shalt  }
0x4b: {  	_ =	shalt  }
0x4c: {  	_ =	shalt  }
0x4d: {  	_ =	shalt  }
0x4e: {  	_ =	shalt  }
0x4f: {  	_ =	shalt  }
0x50: {  	_ =	shalt  }
0x51: {  	_ =	shalt  }
0x52: {  	_ =	shalt  }
0x53: {  	_ =	shalt  }
0x54: {  	_ =	shalt  }
0x55: {  	_ =	shalt  }
0x56: {  	_ =	shalt  }
0x57: {  	_ =	shalt  }
0x58: {  	_ =	shalt  }
0x59: {  	_ =	shalt  }
0x5a: {  	_ =	shalt  }
0x5b: {  	_ =	shalt  }
0x5c: {  	_ =	shalt  }
0x5d: {  	_ =	shalt  }
0x5e: {  	_ =	shalt  }
0x5f: {  	_ =	shalt  }
0x60: {  	_ =	shalt  }
0x61: {  	_ =	shalt  }
0x62: {  	_ =	shalt  }
0x63: {  	_ =	shalt  }
0x64: {  	_ =	shalt  }
0x65: {  	_ =	shalt  }
0x66: {  	_ =	shalt  }
0x67: {  	_ =	shalt  }
0x68: {  	_ =	shalt  }
0x69: {  	_ =	shalt  }
0x6a: {  	_ =	shalt  }
0x6b: {  	_ =	shalt  }
0x6c: {  	_ =	shalt  }
0x6d: {  	_ =	shalt  }
0x6e: {  	_ =	shalt  }
0x6f: {  	_ =	shalt  }
0x70: {  	_ =	shalt  }
0x71: {  	_ =	shalt  }
0x72: {  	_ =	shalt  }
0x73: {  	_ =	shalt  }
0x74: {  	_ =	shalt  }
0x75: {  	_ =	shalt  }
0x76: {  	_ =	shalt  }
0x77: {  	_ =	shalt  }
0x78: {  	_ =	shalt  }
0x79: {  	_ =	shalt  }
0x7a: {  	_ =	shalt  }
0x7b: {  	_ =	shalt  }
0x7c: {  	_ =	shalt  }
0x7d: {  	_ =	shalt  }
0x7e: {  	_ =	shalt  }
0x7f: {  	_ =	shalt  }
0x80: {  	_ =	shalt  }
0x81: {  	_ =	shalt  }
0x82: {  	_ =	shalt  }
0x83: {  	_ =	shalt  }
0x84: {  	_ =	shalt  }
0x85: {  	_ =	shalt  }
0x86: {  	_ =	shalt  }
0x87: {  	_ =	shalt  }
.Lfunc_end0:
.L_simem_size_0:
called_computation_lowered:
.L_overlay_start_0:
0x88: {  	s2 =	sld [smem:$0x3FD9]  }
0x89: {  	s3 =	sld [smem:$0x3FFE];
	_ =	sdelay $0x1  }
0x8a: {  	s1 =	srdreg.scid  }
0x8b: {  	s0 =	sand.u32 $0x1, s1  }
0x8c: {  	s17 =	sshll.u32 s0, $0xA;
	s2 =	sadd.s32 s3, s2  }
0x8d: {  	s2 =	sadd.s32 s2, s17  }
0x8e: {  	[smem:$0x3FC0] =	sst s2  }
0x8f: {  	_ = 	snop  }
0x90: {  	s2 =	sld [smem:$0x3FD0];
	(tm) =	ssettm $0x1  }
0x91: {  	s18 =	sld [smem:$0x3FFB];
	_ =	sdelay $0x3  }
0x92: {  	_ =	strace s18  }
0x93: {  	s3 =	sld [smem:$0x3FFC];
	_ =	sdelay $0x3  }
0x94: {  	_ =	strace s3  }
0x95: {  	s3 =	sld [smem:$0x3FFD];
	_ =	sdelay $0x3  }
0x96: {  	_ =	strace s3  }
0x97: {  	_ =	strace $0x8FFFFFFF  }
0x98: {  	s19 =	sld [smem:$0x3FDB];
	_ =	sdelay $0x1  }
0x99: {  	s4 =	simm.s32 $_scs_section_size  }
0x9a: {  	s5 =	simm.s32 $_size__tile_overlayer_lowered;
	s6 =	simm.s32 $_tile_overlayer_lowered  }
0x9b: {  	s22 =	simm.s32 $0x1BFF;
	s21 =	sshll.u32 s6, $0x1;
	s3 =	sadd.s32 s4, s19  }
0x9c: {  	s7 =	simm.s32 $0x0;
	s20 =	sshll.u32 s5, $0x1;
	s5 =	sadd.s32 s21, s3  }
0x9d: {  	[timem:s7], [sflag:s22] =	dma.local [hbm:s5], s20  }
0x9e: {  	_ =	swait.ge [sflag:s22], s20  }
0x9f: {  	s4 =	ssub.s32 $0x0, s20;
	[sflag:s22] =	ssyncset.done $0x0  }
0xa0: {  	[sflag:s22] =	ssyncadd.s32 s4;
	_ =	sdelay $0x1  }
0xa1: {  	s23 =	simm.s32 $0x1B8B  }
0xa2: {  	_ =	swait.ge [sflag:s23], $0x1  }
0xa3: {  	[sflag:s23] =	ssyncset.done $0x0  }
0xa4: {  	s25 =	simm.s32 $0x1B8E;
	s24 =	sld [smem:$0x3FFE];
	[sflag:s23] =	ssyncadd.s32 $0xFFFFFFFF  }
0xa5: {  	s26 =	simm.s32 $execute0_lowered;
	[smem:$0x3FD2] =	sst s25  }
0xa6: {  	s5 =	sshll.u32 s26, $0x1;
	_ =	strace $0x80000046;
	[dreg:$0x1] =	wrdreg $0xFFFFFFFF  }
0xa7: {  	s28 =	simm.s32 $_size_execute0_lowered;
	s3 =	sadd.s32 s3, s5;
	[dreg:$0x0] =	wrdreg $0x0  }
0xa8: {  	s5 =	sshll.u32 s28, $0x1;
	[dreg:$0x2] =	wrdreg s3  }
0xa9: {  	[dreg:$0x3] =	wrdreg s5  }
0xaa: {  	[dreg:$0x4] =	wrdreg $0xC0  }
0xab: {  	_ =	task [dreg:s7], $0x5FFFF  }
0xac: {  	[dreg:$0x1] =	wrdreg $0xFFFFFFFF  }
0xad: {  	[dreg:$0x0] =	wrdreg $0x60  }
0xae: {  	[dreg:$0x2] =	wrdreg s24  }
0xaf: {  	[dreg:$0x3] =	wrdreg s2  }
0xb0: {  	[dreg:$0x4] =	wrdreg $0x41000  }
0xb1: {  	[dreg:$0x5] =	wrdreg $0x9  }
0xb2: {  	_ =	task.clear_ibuf [dreg:s7], $0x6FFFF;
	_ =	strace $0x90000046  }
0xb3: {  	s29 =	simm.s32 $0x9;
	_ =	strace $0x80000048  }
0xb4: {  	_ =	swait.ge [sflag:s29], $0x1  }
0xb5: {  	[sflag:s29] =	ssyncadd.s32 $0xFFFFFFFF  }
0xb6: {  	_ =	strace $0x90000048  }
0xb7: {  	_ =	sfence  }
0xb8: {  	s30 =	sld [smem:$0x0];
	_ =	sdelay $0x2  }
0xb9: {  	s31 =	sshll.u32 s1, $0xD;
	s1 =	sshrl.u32 s1, $0x2  }
0xba: {  	s3 =	sand.u32 $0x4000, s31;
	s1 =	sadd.s32 s1, s30  }
0xbb: {  	s0 =	sor.u32 s3, s0;
	s1 =	sshll.u32 s1, $0x11  }
0xbc: {  	s0 =	sor.u32 s1, s0  }
0xbd: {  	s0 =	sadd.s32 $0x8F2B, s0  }
0xbe: {  	[sflag:s0] =	ssyncadd.remote.s32 $0x1  }
0xbf: {  	_ =	sfence.sel $0xFFFF  }
0xc0: {  	[dreg:$0x0] =	wrdreg $0xFFFFFFFF;
	(pc) =	sbr.abs _section_cstart, $3  }
0xc1: {  	[dreg:$0x1] =	wrdreg $0xFFFFFFFF  }
0xc2: {  	_ =	task.clear_ibuf [dreg:s7], $0x2FFFF;
	_ =	strace $0x9FFFFFFF  }
0xc3: {  	(tm) =	ssettm $0x7FFFFFFF  }
tec
execute0_lowered:
.L_overlay_start_1:
0x0: {  	(tag) =	ssettag $0x1  }
0x1: {  	s5 =	rddreg [dreg:$0x0]  }
0x2: {  	s2 =	rddreg [dreg:$0x1]  }
0x3: {  	s3 =	rddreg [dreg:$0x2]  }
0x4: {  	s0 =	rddreg [dreg:$0x3]  }
0x5: {  	s1 =	stileid.u32;
	s6 =	srdreg.scid  }
0x6: {  	s4 =	simm.s32 $0x0;
	s16 =	simm.s32 $0x1;
	s17 =	simm.s32 $0x7D  }
0x7: {  	s18 =	simm.s32 $0x2;
	s19 =	simm.s32 $0x0;
	s7 =	smul.u32 $0x14000, s1  }
0x8: {  	s6 =	sand.u32 $0x1, s6;
	[smem:$0x7FF] =	sst s4;
	s13 =	smul.u32 $0x50000, s1  }
0x9: {  	s24 =	sadd.s32 $0x3000, s5;
	s29 =	smul.u32 $0x500, s1;
	s31 =	sshll.u32 s1, $0x6  }
0xa: {  	s8 =	smul.u32 $0x140000, s6;
	s9 =	sshll.u32 s6, $0x4;
	_ =	strace $0x80000047  }
0xb: {  	s11 =	ssub.s32 $0x2, s6;
	s28 =	smul.u32 $0x5000, s6;
	s10 =	sshrl.u32 s7, $0x3  }
0xc: {  	s9 =	sor.u32 s1, s9;
	s12 =	sshrl.u32 s11, $0x1;
	s26 =	sshrl.u32 s13, $0x2  }
0xd: {  	s13 =	simm.s32 $0x80;
	s10 =	sadd.s32 s10, s5;
	s7 =	sadd.s32 s7, s8  }
0xe: {  	s23 =	smul.u32 $0x2800, s9;
	s11 =	ssub.s32 s11, s12;
	s15 =	sadd.s32 s26, s3  }
0xf: {  	s30 =	sadd.s32 s28, s24;
	s12 =	simm.s32 $0x3;
	s7 =	sshrl.u32 s7, $0x3  }
0x10: {  	s9 =	smax.u32 s11, $0x1;
	s11 =	simm.s32 $0x100;
	s15 =	sshrl.u32 s15, $0x3  }
0x11: {  	s8 =	sshrl.u32 s23, $0x3;
	s14 =	sadd.s32 s7, s5;
	s7 =	sadd.s32 $0x17000, s10  }
0x12: {  	s10 =	sadd.s32 s29, s30;
	s25 =	sadd.s32 s24, s8;
	s8 =	sadd.s32 $0x3F000, s14  }
0x13: {  	s14 =	sor.u32 $0x1C03, s31;
	s5 =	sadd.s32 $0xA000, s25;
	s6 =	sadd.s32 $0xA010, s25  }
.LBB2_1:
0x14: {  	[tilespmem:s11], [sflag:$0x3] =	stream.linear.gather [hbm4b:s2+s4], $0x3E80, $0x38;
	[tilespmem:$0x18100] =	vst v63  }
0x15: {  	_ =	swait.ge [sflag:s12], $0x3E80  }
0x16: {  	[sflag:s12] =	ssyncset.done $0x0  }
0x17: {  	[sflag:s12] =	ssyncadd.s32 $0xFFFFC180  }
0x18: {  	[tilespmem:s4], [sflag:$0x1] =	stream.linear.gather [hbm4b:s5+s4], $0x80, $0x38;
	[tilespmem:$0x18100] =	vst v63  }
0x19: {  	_ = 	snop  }
0x1a: {  	[tilespmem:s13], [sflag:$0x2] =	stream.linear.gather [hbm4b:s6+s4], $0x80, $0x38;
	[tilespmem:$0x18100] =	vst v63  }
0x1b: {  	[spmem:s15], [sflag:s14] =	dma.local [hbm:s7], $0x2800  }
0x1c: {  	_ =	swait.ge [sflag:s12], $0x2800  }
0x1d: {  	[sflag:s12] =	ssyncset.done $0x0  }
0x1e: {  	[sflag:s12] =	ssyncadd.s32 $0xFFFFD800  }
0x1f: {  	[bflag:$0x0] =	sbarrier.arrive $0xFFFF  }
0x20: {  	_ =	swait.ge [sflag:s16], $0x80  }
0x21: {  	[sflag:s16] =	ssyncset.done $0x0  }
0x22: {  	[sflag:s16] =	ssyncadd.s32 $0xFFFFFF80  }
0x23: {  	[spmem:s3] =	stream.indirect.scatter.add.f32 [tilespmem:s11], [sflag:$0x3], $0x80, s4, s17, $0xb8;
	[tilespmem:$0x18100] =	vst v63  }
0x24: {  	_ =	swait.ge [sflag:s12], $0x3E80  }
0x25: {  	s21 =	sadd.s32 $0xFFFFFB20, s10;
	[sflag:s12] =	ssyncset.done $0x0  }
0x26: {  	s20 =	sadd.s32 $0xA500, s21;
	[sflag:s12] =	ssyncadd.s32 $0xFFFFC180  }
0x27: {  	[tilespmem:s4], [sflag:$0x1] =	stream.linear.gather [hbm4b:s20+s4], $0x80, $0x38;
	[tilespmem:$0x18100] =	vst v63  }
0x28: {  	_ =	swait.ge [sflag:s18], $0x80  }
0x29: {  	[sflag:s18] =	ssyncset.done $0x0  }
0x2a: {  	[sflag:s18] =	ssyncadd.s32 $0xFFFFFF80  }
0x2b: {  	[spmem:s3] =	stream.indirect.scatter.add.f32 [tilespmem:s11], [sflag:$0x3], $0x80, s13, s17, $0xb8;
	[tilespmem:$0x18100] =	vst v63  }
0x2c: {  	_ =	swait.ge [sflag:s12], $0x3E80  }
0x2d: {  	[sflag:s12] =	ssyncset.done $0x0  }
0x2e: {  	s21 =	sadd.s32 $0xA510, s21;
	s20 =	simm.s32 $0xFFFFFB40;
	[sflag:s12] =	ssyncadd.s32 $0xFFFFC180  }
.LBB2_2:
0x2f: {  	[tilespmem:s13], [sflag:$0x2] =	stream.linear.gather [hbm4b:s21+s4], $0x80, $0x38;
	[tilespmem:$0x18100] =	vst v63  }
0x30: {  	s21 =	smov.u32 s20  }
0x31: {  	p0 =	sne.s32 s20, $0xFFFFFFE0;
	s20 =	sadd.s32 $0x20, s20;
	_ =	swait.ge [sflag:s16], $0x80  }
0x32: {  	[sflag:s16] =	ssyncset.done $0x0  }
0x33: {  	[sflag:s16] =	ssyncadd.s32 $0xFFFFFF80  }
0x34: {  	[spmem:s3] =	stream.indirect.scatter.add.f32 [tilespmem:s11], [sflag:$0x3], $0x80, s4, s17, $0xb8;
	[tilespmem:$0x18100] =	vst v63  }
0x35: {  	_ =	swait.ge [sflag:s12], $0x3E80  }
0x36: {  	s21 =	sadd.s32 s21, s10;
	[sflag:s12] =	ssyncset.done $0x0  }
0x37: {  	s22 =	sadd.s32 $0xA500, s21;
	[sflag:s12] =	ssyncadd.s32 $0xFFFFC180  }
0x38: {  	[tilespmem:s4], [sflag:$0x1] =	stream.linear.gather [hbm4b:s22+s4], $0x80, $0x38;
	[tilespmem:$0x18100] =	vst v63  }
0x39: {  	_ =	swait.ge [sflag:s18], $0x80  }
0x3a: {  	[sflag:s18] =	ssyncset.done $0x0  }
.Ltmp0:
0x3b: {  	[sflag:s18] =	ssyncadd.s32 $0xFFFFFF80;
	(pc) =	sbr.rel @p0 .LBB2_2-.Ltmp0, $4  }
0x3c: {  	[spmem:s3] =	stream.indirect.scatter.add.f32 [tilespmem:s11], [sflag:$0x3], $0x80, s13, s17, $0xb8;
	[tilespmem:$0x18100] =	vst v63  }
0x3d: {  	_ =	swait.ge [sflag:s12], $0x3E80  }
0x3e: {  	[sflag:s12] =	ssyncset.done $0x0  }
0x3f: {  	s21 =	sadd.s32 $0xA510, s21;
	[sflag:s12] =	ssyncadd.s32 $0xFFFFC180  }
0x40: {  	[tilespmem:s13], [sflag:$0x2] =	stream.linear.gather [hbm4b:s21+s4], $0x80, $0x38;
	[tilespmem:$0x18100] =	vst v63  }
0x41: {  	_ =	swait.ge [sflag:s16], $0x80  }
0x42: {  	[sflag:s16] =	ssyncset.done $0x0  }
0x43: {  	[sflag:s16] =	ssyncadd.s32 $0xFFFFFF80  }
0x44: {  	[spmem:s3] =	stream.indirect.scatter.add.f32 [tilespmem:s11], [sflag:$0x3], $0x80, s4, s17, $0xb8;
	[tilespmem:$0x18100] =	vst v63  }
0x45: {  	_ =	swait.ge [sflag:s12], $0x3E80  }
0x46: {  	[sflag:s12] =	ssyncset.done $0x0  }
0x47: {  	[sflag:s12] =	ssyncadd.s32 $0xFFFFC180  }
0x48: {  	_ =	swait.ge [sflag:s18], $0x80  }
0x49: {  	[sflag:s18] =	ssyncset.done $0x0  }
0x4a: {  	[sflag:s18] =	ssyncadd.s32 $0xFFFFFF80  }
0x4b: {  	[spmem:s3] =	stream.indirect.scatter.add.f32 [tilespmem:s11], [sflag:$0x3], $0x80, s13, s17, $0xb8;
	[tilespmem:$0x18100] =	vst v63  }
0x4c: {  	_ =	swait.ge [sflag:s12], $0x3E80  }
0x4d: {  	s19 =	sadd.s32 $0x1, s19;
	[sflag:s12] =	ssyncset.done $0x0  }
0x4e: {  	p0 =	sne.s32 s19, s9;
	[sflag:s12] =	ssyncadd.s32 $0xFFFFC180  }
.Ltmp1:
0x4f: {  	[bflag:$0x0] =	sbarrier.arrive $0xFFFF;
	(pc) =	sbr.rel @p0 .LBB2_1-.Ltmp1, $4  }
0x50: {  	[hbm:s8], [sflag:s14] =	dma.local [spmem:s15], $0x2800  }
0x51: {  	_ =	swait.ge [sflag:s12], $0x2800  }
0x52: {  	[sflag:s12] =	ssyncset.done $0x0  }
0x53: {  	[sflag:s12] =	ssyncadd.s32 $0xFFFFD800  }
0x54: {  	_ =	sfence.sel $0x180000  }
0x55: {  	[bflag:$0x0] =	sbarrier.arrive $0xFFFF  }
0x56: {  	p0 =	sne.s32 s1, $0x0;
	_ =	strace $0x90000047  }
0x57: {  	s0 =	sadd.s32 @!p0 $0x100000, s0;
	[bflag:$0x2] =	sbarrier.arrive $0xFFFF  }
0x58: {  	[sflag:s0] =	ssyncadd.tile.s32 @!p0 $0x1;
	_ =	shalt  }
.Lfunc_end2:
_tile_overlayer_lowered:
.L_overlay_start_2:
0x59: {  	(tag) =	ssettag $0x2  }
0x5a: {  	s0 =	rddreg [dreg:$0x0];
	s2 =	stileid.u32  }
0x5b: {  	s1 =	rddreg [dreg:$0x1];
	p0 =	sne.s32 s2, $0x0  }
0x5c: {  	s3 =	rddreg [dreg:$0x2];
	[bflag:$0x3] =	sbarrier.arrive $0xFFFF;
	s2 =	simm.s32 @!p0 $0x1C03  }
0x5d: {  	[timem:s3], [sflag:s2] =	dma.local @!p0 [hbm:s0], s1  }
0x5e: {  	s0 =	simm.s32 @!p0 $0x3  }
0x5f: {  	_ =	swait.ge @!p0 [sflag:s0], s1  }
0x60: {  	s1 =	ssub.s32 @!p0 $0x0, s1;
	[sflag:s0] =	ssyncset.done @!p0 $0x0  }
0x61: {  	[sflag:s0] =	ssyncadd.s32 @!p0 s1  }
0x62: {  	[bflag:$0x3] =	sbarrier.arrive $0xFFFF  }
0x63: {  	_ =	shalt  }

// kernel: kernel.16.cloned.1.call-start
scs
__scs_entry_jumppad:
0x0: {  	(pc) =	sbr.rel $0x88, $3  }
0x1: {  	(tag) =	ssettag $0x0;
	lr =	simm.s32 $0x1  }
0x2: {  	[smem:$0x3F99] =	sst lr;
	_ =	strace $0xD0000000  }
0x3: {  	_ = 	snop  }
0x4: {  	_ = 	snop  }
0x5: {  	_ = 	snop  }
0x6: {  	_ = 	snop  }
0x7: {  	_ = 	snop  }
__scs_overlays_trampoline_lowered:
0x8: {  	[smem:$0x3FA8] =	sst s0  }
0x9: {  	[smem:$0x3FA9] =	sst s1  }
0xa: {  	[smem:$0x3FAA] =	sst s2  }
0xb: {  	[smem:$0x3FAB] =	sst s3  }
0xc: {  	[smem:$0x3FAC] =	sst s4  }
0xd: {  	[smem:$0x3FAD] =	sst s5  }
0xe: {  	[smem:$0x3FAE] =	sst s6  }
0xf: {  	[smem:$0x3FAF] =	sst s7  }
0x10: {  	[smem:$0x3FB0] =	sst s8  }
0x11: {  	[smem:$0x3FB1] =	sst s9;
	s0 =	simm.s32 @!p0 $0x0  }
0x12: {  	s1 =	sld [smem:$0x3F97];
	s0 =	simm.s32 @p0 $0x1  }
0x13: {  	[smem:$0x3FB2] =	sst s0;
	s0 =	simm.s32 @!p1 $0x0  }
0x14: {  	s2 =	sld [smem:$0x3F96];
	s0 =	simm.s32 @p1 $0x1  }
0x15: {  	[smem:$0x3FB3] =	sst s0;
	s0 =	simm.s32 @!p2 $0x0  }
0x16: {  	s3 =	sld [smem:$0x3FDB];
	s0 =	simm.s32 @p2 $0x1  }
0x17: {  	s4 =	simm.s32 $0x1BF5;
	[smem:$0x3FB5] =	sst s0  }
0x18: {  	s0 =	sld [smem:$0x3F98];
	_ =	swait.ge [sflag:s4], $0x0  }
0x19: {  	s7 =	sld [smem:$0x3F99]  }
0x1a: {  	s8 =	sadd.s32 $0xFFFFE003, lr  }
0x1b: {  	s9 =	sadd.s32 $0xFFFFFEF7, lr;
	s5 =	simm.s32 $0xFFFFFFFF;
	p2 =	slt.u32 s8, $0xFFFFF086  }
0x1c: {  	p1 =	slt.u32 s9, $0xF7A;
	s5 =	simm.s32 @!p2 $0x0  }
0x1d: {  	s5 =	simm.s32 @p1 $0x1;
	p0 =	seq.s32 s7, s2  }
0x1e: {  	s7 =	smul.u32 @!p0 $0xF7A, s2;
	p2 =	seq.s32 @!p0 s5, $0x0  }
0x1f: {  	s9 =	smul.u32 $0xF7A, s1;
	s8 =	simm.s32 @!p0 $0x1BF5;
	p2 =	por !p2, p0  }
0x20: {  	[sflag:s8] =	ssyncset.s32 @!p0 $0xFFFFF086;
	s6 =	sadd.s32 @!p0 s3, s7;
	s7 =	simm.s32 @!p0 $0x108  }
0x21: {  	s3 =	sadd.s32 s3, s9;
	s6 =	sadd.s32 @!p0 $0x88, s6;
	s7 =	simm.s32 @p2 $0x1082  }
0x22: {  	[simem:s7], [sflag:s8] =	dma.local @!p0 [hbm:s6], $0xF7A  }
0x23: {  	s9 =	sor.u32 $0xD0000000, s2;
	s6 =	simm.s32 $0x108;
	_ =	swait.ge @!p0 [sflag:s8], $0x0  }
0x24: {  	s3 =	sadd.s32 $0x88, s3;
	s6 =	simm.s32 @!p1 $0x1082;
	[sflag:s4] =	ssyncset.s32 $0xFFFFF086  }
0x25: {  	[simem:s6], [sflag:s4] =	dma.local [hbm:s3], $0xF7A  }
0x26: {  	[smem:$0x3F99] =	sst s1;
	(tag) =	ssettag s2;
	_ =	strace s9  }
0x27: {  	s1 =	sld [smem:$0x3FA9]  }
0x28: {  	s2 =	sld [smem:$0x3FAA]  }
0x29: {  	s4 =	sld [smem:$0x3FAC]  }
0x2a: {  	p0 =	seq.s32 s5, $0x0;
	s5 =	sld [smem:$0x3FAD]  }
0x2b: {  	s6 =	sld [smem:$0x3FAE]  }
0x2c: {  	s7 =	sld [smem:$0x3FAF]  }
0x2d: {  	s3 =	simm.s32 $0x108;
	s8 =	sld [smem:$0x3FB0]  }
0x2e: {  	s3 =	simm.s32 @!p0 $0x1082;
	s9 =	sld [smem:$0x3FB1]  }
0x2f: {  	lr =	sadd.s32 s0, s3;
	s0 =	sld [smem:$0x3FA8]  }
0x30: {  	s3 =	sld [smem:$0x3FAB]  }
0x31: {  	[smem:$0x3FB4] =	sst s10  }
0x32: {  	s10 =	sld [smem:$0x3FB2];
	_ =	sdelay $0x3  }
0x33: {  	p0 =	seq.s32 s10, $0x1;
	s10 =	sld [smem:$0x3FB4];
	_ =	sdelay $0x3  }
0x34: {  	[smem:$0x3FB4] =	sst s10  }
0x35: {  	s10 =	sld [smem:$0x3FB3];
	_ =	sdelay $0x3  }
0x36: {  	p1 =	seq.s32 s10, $0x1;
	s10 =	sld [smem:$0x3FB4];
	_ =	sdelay $0x3  }
0x37: {  	[smem:$0x3FB4] =	sst s10  }
0x38: {  	s10 =	sld [smem:$0x3FB5]  }
0x39: {  	_ = 	snop;
	(pc) =	sbr.ind lr, $3  }
0x3a: {  	_ = 	snop  }
0x3b: {  	_ = 	snop  }
0x3c: {  	p2 =	seq.s32 s10, $0x1;
	s10 =	sld [smem:$0x3FB4]  }
0x3d: {  	_ =	shalt  }
0x3e: {  	_ =	shalt  }
0x3f: {  	_ =	shalt  }
0x40: {  	_ =	shalt  }
0x41: {  	_ =	shalt  }
0x42: {  	_ =	shalt  }
0x43: {  	_ =	shalt  }
0x44: {  	_ =	shalt  }
0x45: {  	_ =	shalt  }
0x46: {  	_ =	shalt  }
0x47: {  	_ =	shalt  }
0x48: {  	_ =	shalt  }
0x49: {  	_ =	shalt  }
0x4a: {  	_ =	shalt  }
0x4b: {  	_ =	shalt  }
0x4c: {  	_ =	shalt  }
0x4d: {  	_ =	shalt  }
0x4e: {  	_ =	shalt  }
0x4f: {  	_ =	shalt  }
0x50: {  	_ =	shalt  }
0x51: {  	_ =	shalt  }
0x52: {  	_ =	shalt  }
0x53: {  	_ =	shalt  }
0x54: {  	_ =	shalt  }
0x55: {  	_ =	shalt  }
0x56: {  	_ =	shalt  }
0x57: {  	_ =	shalt  }
0x58: {  	_ =	shalt  }
0x59: {  	_ =	shalt  }
0x5a: {  	_ =	shalt  }
0x5b: {  	_ =	shalt  }
0x5c: {  	_ =	shalt  }
0x5d: {  	_ =	shalt  }
0x5e: {  	_ =	shalt  }
0x5f: {  	_ =	shalt  }
0x60: {  	_ =	shalt  }
0x61: {  	_ =	shalt  }
0x62: {  	_ =	shalt  }
0x63: {  	_ =	shalt  }
0x64: {  	_ =	shalt  }
0x65: {  	_ =	shalt  }
0x66: {  	_ =	shalt  }
0x67: {  	_ =	shalt  }
0x68: {  	_ =	shalt  }
0x69: {  	_ =	shalt  }
0x6a: {  	_ =	shalt  }
0x6b: {  	_ =	shalt  }
0x6c: {  	_ =	shalt  }
0x6d: {  	_ =	shalt  }
0x6e: {  	_ =	shalt  }
0x6f: {  	_ =	shalt  }
0x70: {  	_ =	shalt  }
0x71: {  	_ =	shalt  }
0x72: {  	_ =	shalt  }
0x73: {  	_ =	shalt  }
0x74: {  	_ =	shalt  }
0x75: {  	_ =	shalt  }
0x76: {  	_ =	shalt  }
0x77: {  	_ =	shalt  }
0x78: {  	_ =	shalt  }
0x79: {  	_ =	shalt  }
0x7a: {  	_ =	shalt  }
0x7b: {  	_ =	shalt  }
0x7c: {  	_ =	shalt  }
0x7d: {  	_ =	shalt  }
0x7e: {  	_ =	shalt  }
0x7f: {  	_ =	shalt  }
0x80: {  	_ =	shalt  }
0x81: {  	_ =	shalt  }
0x82: {  	_ =	shalt  }
0x83: {  	_ =	shalt  }
0x84: {  	_ =	shalt  }
0x85: {  	_ =	shalt  }
0x86: {  	_ =	shalt  }
0x87: {  	_ =	shalt  }
.Lfunc_end0:
.L_simem_size_0:
called_computation.1_lowered:
.L_overlay_start_0:
0x88: {  	s2 =	sld [smem:$0x3FD9]  }
0x89: {  	s3 =	sld [smem:$0x3FFE];
	_ =	sdelay $0x1  }
0x8a: {  	s1 =	srdreg.scid  }
0x8b: {  	s0 =	sand.u32 $0x1, s1  }
0x8c: {  	s17 =	sshll.u32 s0, $0xA;
	s2 =	sadd.s32 s3, s2  }
0x8d: {  	s2 =	sadd.s32 s2, s17  }
0x8e: {  	[smem:$0x3FC0] =	sst s2  }
0x8f: {  	_ = 	snop  }
0x90: {  	s18 =	sld [smem:$0x3FC9];
	(tm) =	ssettm $0x1  }
0x91: {  	s19 =	sld [smem:$0x3FFB];
	_ =	sdelay $0x3  }
0x92: {  	_ =	strace s19  }
0x93: {  	s2 =	sld [smem:$0x3FFC];
	_ =	sdelay $0x3  }
0x94: {  	_ =	strace s2  }
0x95: {  	s2 =	sld [smem:$0x3FFD];
	_ =	sdelay $0x3  }
0x96: {  	_ =	strace s2  }
0x97: {  	_ =	strace $0x8FFFFFFF  }
0x98: {  	s20 =	sld [smem:$0x3FDB];
	_ =	sdelay $0x1  }
0x99: {  	s4 =	simm.s32 $_scs_section_size  }
0x9a: {  	s5 =	simm.s32 $_size__tile_overlayer_lowered;
	s6 =	simm.s32 $_tile_overlayer_lowered  }
0x9b: {  	s7 =	simm.s32 $0x1BFF;
	s21 =	sshll.u32 s6, $0x1;
	s4 =	sadd.s32 s4, s20  }
0x9c: {  	s22 =	simm.s32 $0x0;
	s5 =	sshll.u32 s5, $0x1;
	s6 =	sadd.s32 s21, s4  }
0x9d: {  	[timem:s22], [sflag:s7] =	dma.local [hbm:s6], s5  }
0x9e: {  	_ =	swait.ge [sflag:s7], s5  }
0x9f: {  	s5 =	ssub.s32 $0x0, s5;
	[sflag:s7] =	ssyncset.done $0x0  }
0xa0: {  	[sflag:s7] =	ssyncadd.s32 s5;
	_ =	sdelay $0x1  }
0xa1: {  	s23 =	simm.s32 $0x1B8B  }
0xa2: {  	_ =	swait.ge [sflag:s23], $0x1  }
0xa3: {  	[sflag:s23] =	ssyncset.done $0x0  }
0xa4: {  	[sflag:s23] =	ssyncadd.s32 $0xFFFFFFFF  }
0xa5: {  	s5 =	sld [smem:$0x0]  }
0xa6: {  	s6 =	sand.u32 $0xFFFFFFFE, s1  }
0xa7: {  	p0 =	sne.s32 s1, s6  }
0xa8: {  	s6 =	sshll.u32 @p0 s6, $0xE  }
0xa9: {  	s6 =	sadd.s32 @p0 $0x11B8D, s6;
	s7 =	sshll.u32 @p0 s5, $0x11  }
0xaa: {  	s6 =	sor.u32 @p0 s7, s6  }
0xab: {  	[sflag:s6] =	ssyncadd.remote.s32 @p0 $0x1;
	_ =	sdelay $0x1  }
0xac: {  	s6 =	simm.s32 @p0 $0x1B8D  }
0xad: {  	_ =	swait.eq @p0 [sflag:s6], $0x1  }
0xae: {  	[sflag:s6] =	ssyncadd.s32 @p0 $0xFFFFFFFF  }
0xaf: {  	s7 =	sshll.u32 @!p0 s1, $0xE  }
0xb0: {  	s7 =	sor.u32 @!p0 $0x4000, s7;
	s6 =	simm.s32 @!p0 $0x1B8D  }
0xb1: {  	s5 =	sshll.u32 @!p0 s5, $0x11;
	s7 =	sadd.s32 @!p0 $0x11B8D, s7;
	_ =	swait.eq @!p0 [sflag:s6], $0x1  }
0xb2: {  	s5 =	sor.u32 @!p0 s5, s7;
	[sflag:s6] =	ssyncadd.s32 @!p0 $0xFFFFFFFF  }
0xb3: {  	s25 =	simm.s32 $0x1B8E;
	s24 =	sld [smem:$0x3FFE];
	[sflag:s5] =	ssyncadd.remote.s32 @!p0 $0x1  }
0xb4: {  	s26 =	simm.s32 $execute0_lowered;
	[smem:$0x3FD2] =	sst s25  }
0xb5: {  	s6 =	sshll.u32 s26, $0x1;
	_ =	strace $0x80000049;
	[dreg:$0x1] =	wrdreg $0xFFFFFFFF  }
0xb6: {  	s28 =	simm.s32 $_size_execute0_lowered;
	s4 =	sadd.s32 s4, s6;
	[dreg:$0x0] =	wrdreg $0x0  }
0xb7: {  	s6 =	sshll.u32 s28, $0x1;
	[dreg:$0x2] =	wrdreg s4  }
0xb8: {  	[dreg:$0x3] =	wrdreg s6  }
0xb9: {  	[dreg:$0x4] =	wrdreg $0xC0  }
0xba: {  	_ =	task [dreg:s22], $0x5FFFF  }
0xbb: {  	[dreg:$0x1] =	wrdreg $0xFFFFFFFF  }
0xbc: {  	[dreg:$0x0] =	wrdreg $0x60  }
0xbd: {  	[dreg:$0x2] =	wrdreg s24  }
0xbe: {  	[dreg:$0x3] =	wrdreg s18  }
0xbf: {  	[dreg:$0x4] =	wrdreg $0xA9000  }
0xc0: {  	[dreg:$0x5] =	wrdreg $0xA  }
0xc1: {  	_ =	task.clear_ibuf [dreg:s22], $0x6FFFF;
	_ =	strace $0x90000049  }
0xc2: {  	s29 =	simm.s32 $0xA;
	_ =	strace $0x8000004B  }
0xc3: {  	_ =	swait.ge [sflag:s29], $0x1  }
0xc4: {  	[sflag:s29] =	ssyncadd.s32 $0xFFFFFFFF  }
0xc5: {  	_ =	strace $0x9000004B  }
0xc6: {  	_ =	sfence  }
0xc7: {  	s30 =	sld [smem:$0x0];
	_ =	sdelay $0x2  }
0xc8: {  	s31 =	sshll.u32 s1, $0xD;
	s1 =	sshrl.u32 s1, $0x2  }
0xc9: {  	s4 =	sand.u32 $0x4000, s31;
	s1 =	sadd.s32 s1, s30  }
0xca: {  	s0 =	sor.u32 s4, s0;
	s1 =	sshll.u32 s1, $0x11  }
0xcb: {  	s0 =	sor.u32 s1, s0  }
0xcc: {  	s0 =	sadd.s32 $0x8F2B, s0  }
0xcd: {  	[sflag:s0] =	ssyncadd.remote.s32 $0x1  }
0xce: {  	_ =	sfence.sel $0xFFFF  }
0xcf: {  	[dreg:$0x0] =	wrdreg $0xFFFFFFFF;
	(pc) =	sbr.abs _section_cstart, $3  }
0xd0: {  	[dreg:$0x1] =	wrdreg $0xFFFFFFFF  }
0xd1: {  	_ =	task.clear_ibuf [dreg:s22], $0x2FFFF;
	_ =	strace $0x9FFFFFFF  }
0xd2: {  	(tm) =	ssettm $0x7FFFFFFF  }
0xd3: {  	_ =	shalt  }
tec
execute0_lowered:
.L_overlay_start_1:
0x0: {  	(tag) =	ssettag $0x1  }
0x1: {  	s5 =	rddreg [dreg:$0x0]  }
0x2: {  	s2 =	rddreg [dreg:$0x1];
	s0 =	stileid.u32  }
0x3: {  	s1 =	srdreg.scid;
	s3 =	rddreg [dreg:$0x2];
	s4 =	simm.s32 $0x0  }
0x4: {  	s15 =	simm.s32 $0x2800;
	s16 =	simm.s32 $0x80;
	s17 =	simm.s32 $0x6900  }
0x5: {  	s18 =	simm.s32 $0x2880;
	s21 =	simm.s32 $0x1;
	s22 =	simm.s32 $0x3  }
0x6: {  	s23 =	simm.s32 $0x2;
	s24 =	simm.s32 $0x4;
	s6 =	smul.u32 $0x14000, s0  }
0x7: {  	s7 =	sand.u32 $0x1, s1;
	s1 =	rddreg [dreg:$0x3];
	s29 =	smul.u32 $0x50000, s0  }
0x8: {  	s25 =	simm.s32 $0x0;
	[smem:$0x7FF] =	sst s4;
	s31 =	smul.u32 $0x500, s0  }
0x9: {  	s11 =	sadd.s32 $0x3000, s5;
	s19 =	sshll.u32 s0, $0x6;
	s8 =	smul.u32 $0x140000, s7  }
0xa: {  	s9 =	sshll.u32 s7, $0x4;
	_ =	strace $0x8000004A;
	s26 =	ssub.s32 $0x2, s7  }
0xb: {  	s13 =	smul.u32 $0x5000, s7;
	s19 =	sor.u32 $0x1C05, s19;
	s9 =	sor.u32 s0, s9  }
0xc: {  	s30 =	sshrl.u32 s26, $0x1;
	s8 =	sadd.s32 s6, s8;
	s9 =	smul.u32 $0x2800, s9  }
0xd: {  	s6 =	sshrl.u32 s6, $0x3;
	s14 =	ssub.s32 s26, s30;
	s8 =	sshrl.u32 s8, $0x3  }
0xe: {  	s10 =	sadd.s32 s6, s5;
	s12 =	sadd.s32 s8, s5;
	s28 =	sshrl.u32 s9, $0x3  }
0xf: {  	s8 =	sshrl.u32 s29, $0x2;
	s5 =	sadd.s32 s11, s28;
	s11 =	sadd.s32 s13, s11  }
0x10: {  	s20 =	sadd.s32 s8, s3;
	s8 =	sadd.s32 $0x17000, s10;
	s9 =	sadd.s32 $0x8F000, s12  }
0x11: {  	s10 =	smax.u32 s14, $0x1;
	s12 =	simm.s32 $0x5;
	s13 =	simm.s32 $0x7D  }
0x12: {  	s14 =	simm.s32 $0x2900;
	s6 =	sadd.s32 $0xA000, s5;
	s11 =	sadd.s32 s31, s11  }
0x13: {  	s7 =	sadd.s32 $0xA010, s5;
	s20 =	sshrl.u32 s20, $0x3;
	s11 =	sadd.s32 $0xA020, s11  }
.LBB2_1:
0x14: {  	[tilespmem:s4], [sflag:$0x5] =	stream.linear.gather [hbm4b:s5+s4], $0x2800, $0x38;
	[tilespmem:$0x1E900] =	vst v63  }
0x15: {  	_ =	swait.ge [sflag:s12], $0x2800  }
0x16: {  	[sflag:s12] =	ssyncset.done $0x0  }
0x17: {  	[sflag:s12] =	ssyncadd.s32 $0xFFFFD800  }
0x18: {  	[tilespmem:s14], [sflag:$0x1] =	stream.indirect.gather [hbm4b:s2+s13], $0x80, s4, s13, $0xb8;
	[tilespmem:$0x1E900] =	vst v63  }
0x19: {  	_ = 	snop  }
0x1a: {  	[tilespmem:s15], [sflag:$0x3] =	stream.linear.gather [hbm4b:s6+s4], $0x80, $0x38;
	[tilespmem:$0x1E900] =	vst v63  }
0x1b: {  	_ = 	snop  }
0x1c: {  	[tilespmem:s17], [sflag:$0x2] =	stream.indirect.gather [hbm4b:s2+s13], $0x80, s16, s13, $0xb8;
	[tilespmem:$0x1E900] =	vst v63  }
0x1d: {  	_ = 	snop  }
0x1e: {  	[tilespmem:s18], [sflag:$0x4] =	stream.linear.gather [hbm4b:s7+s4], $0x80, $0x38;
	[tilespmem:$0x1E900] =	vst v63  }
0x1f: {  	[spmem:s20], [sflag:s19] =	dma.local [hbm:s8], $0x2800  }
0x20: {  	_ =	swait.ge [sflag:s12], $0x2800  }
0x21: {  	[sflag:s12] =	ssyncset.done $0x0  }
0x22: {  	[sflag:s12] =	ssyncadd.s32 $0xFFFFD800  }
0x23: {  	[bflag:$0x0] =	sbarrier.arrive $0xFFFF  }
0x24: {  	_ =	swait.ge [sflag:s21], $0x3E80  }
0x25: {  	[sflag:s21] =	ssyncset.done $0x0  }
0x26: {  	[sflag:s21] =	ssyncadd.s32 $0xFFFFC180  }
0x27: {  	_ =	swait.ge [sflag:s22], $0x80  }
0x28: {  	[sflag:s22] =	ssyncset.done $0x0  }
0x29: {  	[sflag:s22] =	ssyncadd.s32 $0xFFFFFF80  }
0x2a: {  	[spmem:s3] =	stream.indirect.scatter.add.f32 [tilespmem:s14], [sflag:$0x5], $0x80, s15, s13, $0xb8;
	[tilespmem:$0x1E900] =	vst v63  }
0x2b: {  	_ =	swait.ge [sflag:s12], $0x3E80  }
0x2c: {  	[sflag:s12] =	ssyncset.done $0x0  }
0x2d: {  	s26 =	simm.s32 $0x100;
	[sflag:s12] =	ssyncadd.s32 $0xFFFFC180  }
0x2e: {  	[tilespmem:s14], [sflag:$0x1] =	stream.indirect.gather [hbm4b:s2+s13], $0x80, s26, s13, $0xb8;
	[tilespmem:$0x1E900] =	vst v63  }
0x2f: {  	_ = 	snop  }
0x30: {  	[tilespmem:s15], [sflag:$0x3] =	stream.linear.gather [hbm4b:s11+s4], $0x80, $0x38;
	[tilespmem:$0x1E900] =	vst v63  }
0x31: {  	_ =	swait.ge [sflag:s23], $0x3E80  }
0x32: {  	[sflag:s23] =	ssyncset.done $0x0  }
0x33: {  	[sflag:s23] =	ssyncadd.s32 $0xFFFFC180  }
0x34: {  	_ =	swait.ge [sflag:s24], $0x80  }
0x35: {  	[sflag:s24] =	ssyncset.done $0x0  }
0x36: {  	[sflag:s24] =	ssyncadd.s32 $0xFFFFFF80  }
0x37: {  	[spmem:s3] =	stream.indirect.scatter.add.f32 [tilespmem:s17], [sflag:$0x5], $0x80, s18, s13, $0xb8;
	[tilespmem:$0x1E900] =	vst v63  }
0x38: {  	_ =	swait.ge [sflag:s12], $0x3E80  }
0x39: {  	s31 =	simm.s32 $0x180;
	s29 =	sadd.s32 $0x10, s11;
	[sflag:s12] =	ssyncset.done $0x0  }
0x3a: {  	s28 =	sadd.s32 $0x20, s11;
	s26 =	simm.s32 $0x400;
	[sflag:s12] =	ssyncadd.s32 $0xFFFFC180  }
0x3b: {  	[tilespmem:s17], [sflag:$0x2] =	stream.indirect.gather [hbm4b:s2+s13], $0x80, s31, s13, $0xb8;
	[tilespmem:$0x1E900] =	vst v63  }
.LBB2_2:
0x3c: {  	[tilespmem:s18], [sflag:$0x4] =	stream.linear.gather [hbm4b:s29+s4], $0x80, $0x38;
	[tilespmem:$0x1E900] =	vst v63  }
0x3d: {  	s29 =	smov.u32 s26  }
0x3e: {  	p0 =	sne.s32 s26, $0x9800;
	s26 =	sadd.s32 $0x400, s26;
	_ =	swait.ge [sflag:s21], $0x3E80  }
0x3f: {  	[sflag:s21] =	ssyncset.done $0x0  }
0x40: {  	[sflag:s21] =	ssyncadd.s32 $0xFFFFC180  }
0x41: {  	_ =	swait.ge [sflag:s22], $0x80  }
0x42: {  	[sflag:s22] =	ssyncset.done $0x0  }
0x43: {  	[sflag:s22] =	ssyncadd.s32 $0xFFFFFF80  }
0x44: {  	[spmem:s3] =	stream.indirect.scatter.add.f32 [tilespmem:s14], [sflag:$0x5], $0x80, s15, s13, $0xb8;
	[tilespmem:$0x1E900] =	vst v63  }
0x45: {  	_ =	swait.ge [sflag:s12], $0x3E80  }
0x46: {  	s29 =	sshra.s32 s29, $0x2;
	[sflag:s12] =	ssyncset.done $0x0  }
0x47: {  	s30 =	sadd.s32 $0x100, s29;
	[sflag:s12] =	ssyncadd.s32 $0xFFFFC180  }
0x48: {  	[tilespmem:s14], [sflag:$0x1] =	stream.indirect.gather [hbm4b:s2+s13], $0x80, s30, s13, $0xb8;
	[tilespmem:$0x1E900] =	vst v63  }
0x49: {  	_ = 	snop  }
0x4a: {  	[tilespmem:s15], [sflag:$0x3] =	stream.linear.gather [hbm4b:s28+s4], $0x80, $0x38;
	[tilespmem:$0x1E900] =	vst v63  }
0x4b: {  	_ =	swait.ge [sflag:s23], $0x3E80  }
0x4c: {  	[sflag:s23] =	ssyncset.done $0x0  }
0x4d: {  	[sflag:s23] =	ssyncadd.s32 $0xFFFFC180  }
0x4e: {  	_ =	swait.ge [sflag:s24], $0x80  }
0x4f: {  	[sflag:s24] =	ssyncset.done $0x0  }
0x50: {  	[sflag:s24] =	ssyncadd.s32 $0xFFFFFF80  }
0x51: {  	[spmem:s3] =	stream.indirect.scatter.add.f32 [tilespmem:s17], [sflag:$0x5], $0x80, s18, s13, $0xb8;
	[tilespmem:$0x1E900] =	vst v63  }
.Ltmp0:
0x52: {  	_ =	swait.ge [sflag:s12], $0x3E80;
	(pc) =	sbr.rel @p0 .LBB2_2-.Ltmp0, $4  }
0x53: {  	[sflag:s12] =	ssyncset.done $0x0  }
0x54: {  	s29 =	sadd.s32 $0x180, s29;
	[sflag:s12] =	ssyncadd.s32 $0xFFFFC180  }
0x55: {  	[tilespmem:s17], [sflag:$0x2] =	stream.indirect.gather [hbm4b:s2+s13], $0x80, s29, s13, $0xb8;
	[tilespmem:$0x1E900] =	vst v63  }
0x56: {  	s29 =	sadd.s32 $0x10, s28;
	s28 =	sadd.s32 $0x20, s28  }
0x57: {  	[tilespmem:s18], [sflag:$0x4] =	stream.linear.gather [hbm4b:s29+s4], $0x80, $0x38;
	[tilespmem:$0x1E900] =	vst v63  }
0x58: {  	_ =	swait.ge [sflag:s21], $0x3E80  }
0x59: {  	[sflag:s21] =	ssyncset.done $0x0  }
0x5a: {  	[sflag:s21] =	ssyncadd.s32 $0xFFFFC180  }
0x5b: {  	_ =	swait.ge [sflag:s22], $0x80  }
0x5c: {  	[sflag:s22] =	ssyncset.done $0x0  }
0x5d: {  	[sflag:s22] =	ssyncadd.s32 $0xFFFFFF80  }
0x5e: {  	[spmem:s3] =	stream.indirect.scatter.add.f32 [tilespmem:s14], [sflag:$0x5], $0x80, s15, s13, $0xb8;
	[tilespmem:$0x1E900] =	vst v63  }
0x5f: {  	_ =	swait.ge [sflag:s12], $0x3E80  }
0x60: {  	[sflag:s12] =	ssyncset.done $0x0  }
0x61: {  	[sflag:s12] =	ssyncadd.s32 $0xFFFFC180  }
0x62: {  	_ =	swait.ge [sflag:s23], $0x3E80  }
0x63: {  	[sflag:s23] =	ssyncset.done $0x0  }
0x64: {  	[sflag:s23] =	ssyncadd.s32 $0xFFFFC180  }
0x65: {  	_ =	swait.ge [sflag:s24], $0x80  }
0x66: {  	[sflag:s24] =	ssyncset.done $0x0  }
0x67: {  	[sflag:s24] =	ssyncadd.s32 $0xFFFFFF80  }
0x68: {  	[spmem:s3] =	stream.indirect.scatter.add.f32 [tilespmem:s17], [sflag:$0x5], $0x80, s18, s13, $0xb8;
	[tilespmem:$0x1E900] =	vst v63  }
0x69: {  	_ =	swait.ge [sflag:s12], $0x3E80  }
0x6a: {  	s25 =	sadd.s32 $0x1, s25;
	[sflag:s12] =	ssyncset.done $0x0  }
0x6b: {  	p0 =	sne.s32 s25, s10;
	[sflag:s12] =	ssyncadd.s32 $0xFFFFC180  }
.Ltmp1:
0x6c: {  	[bflag:$0x0] =	sbarrier.arrive $0xFFFF;
	(pc) =	sbr.rel @p0 .LBB2_1-.Ltmp1, $4  }
0x6d: {  	[hbm:s9], [sflag:s19] =	dma.local [spmem:s20], $0x2800  }
0x6e: {  	_ =	swait.ge [sflag:s12], $0x2800  }
0x6f: {  	[sflag:s12] =	ssyncset.done $0x0  }
0x70: {  	[sflag:s12] =	ssyncadd.s32 $0xFFFFD800  }
0x71: {  	_ =	sfence.sel $0x180000  }
0x72: {  	[bflag:$0x0] =	sbarrier.arrive $0xFFFF  }
0x73: {  	p0 =	sne.s32 s0, $0x0;
	_ =	strace $0x9000004A  }
0x74: {  	s0 =	sadd.s32 @!p0 $0x100000, s1;
	[bflag:$0x2] =	sbarrier.arrive $0xFFFF  }
0x75: {  	[sflag:s0] =	ssyncadd.tile.s32 @!p0 $0x1;
	_ =	shalt  }
.Lfunc_end2:
_tile_overlayer_lowered:
.L_overlay_start_2:
0x76: {  	(tag) =	ssettag $0x2  }
0x77: {  	s0 =	rddreg [dreg:$0x0];
	s2 =	stileid.u32  }
0x78: {  	s1 =	rddreg [dreg:$0x1];
	p0 =	sne.s32 s2, $0x0  }
0x79: {  	s3 =	rddreg [dreg:$0x2];
	[bflag:$0x3] =	sbarrier.arrive $0xFFFF;
	s2 =	simm.s32 @!p0 $0x1C05  }
0x7a: {  	[timem:s3], [sflag:s2] =	dma.local @!p0 [hbm:s0], s1  }
0x7b: {  	s0 =	simm.s32 @!p0 $0x5  }
0x7c: {  	_ =	swait.ge @!p0 [sflag:s0], s1  }
0x7d: {  	s1 =	ssub.s32 @!p0 $0x0, s1;
	[sflag:s0] =	ssyncset.done @!p0 $0x0  }
0x7e: {  	[sflag:s0] =	ssyncadd.s32 @!p0 s1  }
0x7f: {  	[bflag:$0x3] =	sbarrier.arrive $0xFFFF  }
0x80: {  	_ =	shalt  }

// kernel: kernel.19.cloned.1.call-start
scs
__scs_entry_jumppad:
0x0: {  	(pc) =	sbr.rel $0x88, $3  }
0x1: {  	(tag) =	ssettag $0x0;
	lr =	simm.s32 $0x1  }
0x2: {  	[smem:$0x3F99] =	sst lr;
	_ =	strace $0xD0000000  }
0x3: {  	_ = 	snop  }
0x4: {  	_ = 	snop  }
0x5: {  	_ = 	snop  }
0x6: {  	_ = 	snop  }
0x7: {  	_ = 	snop  }
__scs_overlays_trampoline_lowered:
0x8: {  	[smem:$0x3FA8] =	sst s0  }
0x9: {  	[smem:$0x3FA9] =	sst s1  }
0xa: {  	[smem:$0x3FAA] =	sst s2  }
0xb: {  	[smem:$0x3FAB] =	sst s3  }
0xc: {  	[smem:$0x3FAC] =	sst s4  }
0xd: {  	[smem:$0x3FAD] =	sst s5  }
0xe: {  	[smem:$0x3FAE] =	sst s6  }
0xf: {  	[smem:$0x3FAF] =	sst s7  }
0x10: {  	[smem:$0x3FB0] =	sst s8  }
0x11: {  	[smem:$0x3FB1] =	sst s9;
	s0 =	simm.s32 @!p0 $0x0  }
0x12: {  	s1 =	sld [smem:$0x3F97];
	s0 =	simm.s32 @p0 $0x1  }
0x13: {  	[smem:$0x3FB2] =	sst s0;
	s0 =	simm.s32 @!p1 $0x0  }
0x14: {  	s2 =	sld [smem:$0x3F96];
	s0 =	simm.s32 @p1 $0x1  }
0x15: {  	[smem:$0x3FB3] =	sst s0;
	s0 =	simm.s32 @!p2 $0x0  }
0x16: {  	s3 =	sld [smem:$0x3FDB];
	s0 =	simm.s32 @p2 $0x1  }
0x17: {  	s4 =	simm.s32 $0x1BF5;
	[smem:$0x3FB5] =	sst s0  }
0x18: {  	s0 =	sld [smem:$0x3F98];
	_ =	swait.ge [sflag:s4], $0x0  }
0x19: {  	s7 =	sld [smem:$0x3F99]  }
0x1a: {  	s8 =	sadd.s32 $0xFFFFE003, lr  }
0x1b: {  	s9 =	sadd.s32 $0xFFFFFEF7, lr;
	s5 =	simm.s32 $0xFFFFFFFF;
	p2 =	slt.u32 s8, $0xFFFFF086  }
0x1c: {  	p1 =	slt.u32 s9, $0xF7A;
	s5 =	simm.s32 @!p2 $0x0  }
0x1d: {  	s5 =	simm.s32 @p1 $0x1;
	p0 =	seq.s32 s7, s2  }
0x1e: {  	s7 =	smul.u32 @!p0 $0xF7A, s2;
	p2 =	seq.s32 @!p0 s5, $0x0  }
0x1f: {  	s9 =	smul.u32 $0xF7A, s1;
	s8 =	simm.s32 @!p0 $0x1BF5;
	p2 =	por !p2, p0  }
0x20: {  	[sflag:s8] =	ssyncset.s32 @!p0 $0xFFFFF086;
	s6 =	sadd.s32 @!p0 s3, s7;
	s7 =	simm.s32 @!p0 $0x108  }
0x21: {  	s3 =	sadd.s32 s3, s9;
	s6 =	sadd.s32 @!p0 $0x88, s6;
	s7 =	simm.s32 @p2 $0x1082  }
0x22: {  	[simem:s7], [sflag:s8] =	dma.local @!p0 [hbm:s6], $0xF7A  }
0x23: {  	s9 =	sor.u32 $0xD0000000, s2;
	s6 =	simm.s32 $0x108;
	_ =	swait.ge @!p0 [sflag:s8], $0x0  }
0x24: {  	s3 =	sadd.s32 $0x88, s3;
	s6 =	simm.s32 @!p1 $0x1082;
	[sflag:s4] =	ssyncset.s32 $0xFFFFF086  }
0x25: {  	[simem:s6], [sflag:s4] =	dma.local [hbm:s3], $0xF7A  }
0x26: {  	[smem:$0x3F99] =	sst s1;
	(tag) =	ssettag s2;
	_ =	strace s9  }
0x27: {  	s1 =	sld [smem:$0x3FA9]  }
0x28: {  	s2 =	sld [smem:$0x3FAA]  }
0x29: {  	s4 =	sld [smem:$0x3FAC]  }
0x2a: {  	p0 =	seq.s32 s5, $0x0;
	s5 =	sld [smem:$0x3FAD]  }
0x2b: {  	s6 =	sld [smem:$0x3FAE]  }
0x2c: {  	s7 =	sld [smem:$0x3FAF]  }
0x2d: {  	s3 =	simm.s32 $0x108;
	s8 =	sld [smem:$0x3FB0]  }
0x2e: {  	s3 =	simm.s32 @!p0 $0x1082;
	s9 =	sld [smem:$0x3FB1]  }
0x2f: {  	lr =	sadd.s32 s0, s3;
	s0 =	sld [smem:$0x3FA8]  }
0x30: {  	s3 =	sld [smem:$0x3FAB]  }
0x31: {  	[smem:$0x3FB4] =	sst s10  }
0x32: {  	s10 =	sld [smem:$0x3FB2];
	_ =	sdelay $0x3  }
0x33: {  	p0 =	seq.s32 s10, $0x1;
	s10 =	sld [smem:$0x3FB4];
	_ =	sdelay $0x3  }
0x34: {  	[smem:$0x3FB4] =	sst s10  }
0x35: {  	s10 =	sld [smem:$0x3FB3];
	_ =	sdelay $0x3  }
0x36: {  	p1 =	seq.s32 s10, $0x1;
	s10 =	sld [smem:$0x3FB4];
	_ =	sdelay $0x3  }
0x37: {  	[smem:$0x3FB4] =	sst s10  }
0x38: {  	s10 =	sld [smem:$0x3FB5]  }
0x39: {  	_ = 	snop;
	(pc) =	sbr.ind lr, $3  }
0x3a: {  	_ = 	snop  }
0x3b: {  	_ = 	snop  }
0x3c: {  	p2 =	seq.s32 s10, $0x1;
	s10 =	sld [smem:$0x3FB4]  }
0x3d: {  	_ =	shalt  }
0x3e: {  	_ =	shalt  }
0x3f: {  	_ =	shalt  }
0x40: {  	_ =	shalt  }
0x41: {  	_ =	shalt  }
0x42: {  	_ =	shalt  }
0x43: {  	_ =	shalt  }
0x44: {  	_ =	shalt  }
0x45: {  	_ =	shalt  }
0x46: {  	_ =	shalt  }
0x47: {  	_ =	shalt  }
0x48: {  	_ =	shalt  }
0x49: {  	_ =	shalt  }
0x4a: {  	_ =	shalt  }
0x4b: {  	_ =	shalt  }
0x4c: {  	_ =	shalt  }
0x4d: {  	_ =	shalt  }
0x4e: {  	_ =	shalt  }
0x4f: {  	_ =	shalt  }
0x50: {  	_ =	shalt  }
0x51: {  	_ =	shalt  }
0x52: {  	_ =	shalt  }
0x53: {  	_ =	shalt  }
0x54: {  	_ =	shalt  }
0x55: {  	_ =	shalt  }
0x56: {  	_ =	shalt  }
0x57: {  	_ =	shalt  }
0x58: {  	_ =	shalt  }
0x59: {  	_ =	shalt  }
0x5a: {  	_ =	shalt  }
0x5b: {  	_ =	shalt  }
0x5c: {  	_ =	shalt  }
0x5d: {  	_ =	shalt  }
0x5e: {  	_ =	shalt  }
0x5f: {  	_ =	shalt  }
0x60: {  	_ =	shalt  }
0x61: {  	_ =	shalt  }
0x62: {  	_ =	shalt  }
0x63: {  	_ =	shalt  }
0x64: {  	_ =	shalt  }
0x65: {  	_ =	shalt  }
0x66: {  	_ =	shalt  }
0x67: {  	_ =	shalt  }
0x68: {  	_ =	shalt  }
0x69: {  	_ =	shalt  }
0x6a: {  	_ =	shalt  }
0x6b: {  	_ =	shalt  }
0x6c: {  	_ =	shalt  }
0x6d: {  	_ =	shalt  }
0x6e: {  	_ =	shalt  }
0x6f: {  	_ =	shalt  }
0x70: {  	_ =	shalt  }
0x71: {  	_ =	shalt  }
0x72: {  	_ =	shalt  }
0x73: {  	_ =	shalt  }
0x74: {  	_ =	shalt  }
0x75: {  	_ =	shalt  }
0x76: {  	_ =	shalt  }
0x77: {  	_ =	shalt  }
0x78: {  	_ =	shalt  }
0x79: {  	_ =	shalt  }
0x7a: {  	_ =	shalt  }
0x7b: {  	_ =	shalt  }
0x7c: {  	_ =	shalt  }
0x7d: {  	_ =	shalt  }
0x7e: {  	_ =	shalt  }
0x7f: {  	_ =	shalt  }
0x80: {  	_ =	shalt  }
0x81: {  	_ =	shalt  }
0x82: {  	_ =	shalt  }
0x83: {  	_ =	shalt  }
0x84: {  	_ =	shalt  }
0x85: {  	_ =	shalt  }
0x86: {  	_ =	shalt  }
0x87: {  	_ =	shalt  }
.Lfunc_end0:
.L_simem_size_0:
called_computation.2_lowered:
.L_overlay_start_0:
0x88: {  	s2 =	sld [smem:$0x3FD9]  }
0x89: {  	s3 =	sld [smem:$0x3FFE];
	_ =	sdelay $0x1  }
0x8a: {  	s1 =	srdreg.scid  }
0x8b: {  	s0 =	sand.u32 $0x1, s1  }
0x8c: {  	s17 =	sshll.u32 s0, $0xA;
	s2 =	sadd.s32 s3, s2  }
0x8d: {  	s2 =	sadd.s32 s2, s17  }
0x8e: {  	[smem:$0x3FC0] =	sst s2  }
0x8f: {  	_ = 	snop  }
0x90: {  	s2 =	sld [smem:$0x3FD0];
	(tm) =	ssettm $0x1  }
0x91: {  	s18 =	sld [smem:$0x3FFB];
	_ =	sdelay $0x3  }
0x92: {  	_ =	strace s18  }
0x93: {  	s3 =	sld [smem:$0x3FFC];
	_ =	sdelay $0x3  }
0x94: {  	_ =	strace s3  }
0x95: {  	s3 =	sld [smem:$0x3FFD];
	_ =	sdelay $0x3  }
0x96: {  	_ =	strace s3  }
0x97: {  	_ =	strace $0x8FFFFFFF  }
0x98: {  	s19 =	sld [smem:$0x3FDB];
	_ =	sdelay $0x1  }
0x99: {  	s4 =	simm.s32 $_scs_section_size  }
0x9a: {  	s5 =	simm.s32 $_size__tile_overlayer_lowered;
	s6 =	simm.s32 $_tile_overlayer_lowered  }
0x9b: {  	s22 =	simm.s32 $0x1BFF;
	s21 =	sshll.u32 s6, $0x1;
	s3 =	sadd.s32 s4, s19  }
0x9c: {  	s7 =	simm.s32 $0x0;
	s20 =	sshll.u32 s5, $0x1;
	s5 =	sadd.s32 s21, s3  }
0x9d: {  	[timem:s7], [sflag:s22] =	dma.local [hbm:s5], s20  }
0x9e: {  	_ =	swait.ge [sflag:s22], s20  }
0x9f: {  	s4 =	ssub.s32 $0x0, s20;
	[sflag:s22] =	ssyncset.done $0x0  }
0xa0: {  	[sflag:s22] =	ssyncadd.s32 s4;
	_ =	sdelay $0x1  }
0xa1: {  	s23 =	simm.s32 $0x1B8B  }
0xa2: {  	_ =	swait.ge [sflag:s23], $0x1  }
0xa3: {  	[sflag:s23] =	ssyncset.done $0x0  }
0xa4: {  	s25 =	simm.s32 $0x1B8E;
	s24 =	sld [smem:$0x3FFE];
	[sflag:s23] =	ssyncadd.s32 $0xFFFFFFFF  }
0xa5: {  	s26 =	simm.s32 $execute0_lowered;
	[smem:$0x3FD2] =	sst s25  }
0xa6: {  	s5 =	sshll.u32 s26, $0x1;
	_ =	strace $0x8000004C;
	[dreg:$0x1] =	wrdreg $0xFFFFFFFF  }
0xa7: {  	s28 =	simm.s32 $_size_execute0_lowered;
	s3 =	sadd.s32 s3, s5;
	[dreg:$0x0] =	wrdreg $0x0  }
0xa8: {  	s5 =	sshll.u32 s28, $0x1;
	[dreg:$0x2] =	wrdreg s3  }
0xa9: {  	[dreg:$0x3] =	wrdreg s5  }
0xaa: {  	[dreg:$0x4] =	wrdreg $0xC0  }
0xab: {  	_ =	task [dreg:s7], $0x5FFFF  }
0xac: {  	[dreg:$0x1] =	wrdreg $0xFFFFFFFF  }
0xad: {  	[dreg:$0x0] =	wrdreg $0x60  }
0xae: {  	[dreg:$0x2] =	wrdreg s24  }
0xaf: {  	[dreg:$0x3] =	wrdreg s2  }
0xb0: {  	[dreg:$0x4] =	wrdreg $0xA9000  }
0xb1: {  	[dreg:$0x5] =	wrdreg $0x9  }
0xb2: {  	_ =	task.clear_ibuf [dreg:s7], $0x6FFFF;
	_ =	strace $0x9000004C  }
0xb3: {  	s29 =	simm.s32 $0x9;
	_ =	strace $0x8000004E  }
0xb4: {  	_ =	swait.ge [sflag:s29], $0x1  }
0xb5: {  	[sflag:s29] =	ssyncadd.s32 $0xFFFFFFFF  }
0xb6: {  	_ =	strace $0x9000004E  }
0xb7: {  	_ =	sfence  }
0xb8: {  	s30 =	sld [smem:$0x0];
	_ =	sdelay $0x2  }
0xb9: {  	s31 =	sshll.u32 s1, $0xD;
	s1 =	sshrl.u32 s1, $0x2  }
0xba: {  	s3 =	sand.u32 $0x4000, s31;
	s1 =	sadd.s32 s1, s30  }
0xbb: {  	s0 =	sor.u32 s3, s0;
	s1 =	sshll.u32 s1, $0x11  }
0xbc: {  	s0 =	sor.u32 s1, s0  }
0xbd: {  	s0 =	sadd.s32 $0x8F2B, s0  }
0xbe: {  	[sflag:s0] =	ssyncadd.remote.s32 $0x1  }
0xbf: {  	_ =	sfence.sel $0xFFFF  }
0xc0: {  	[dreg:$0x0] =	wrdreg $0xFFFFFFFF;
	(pc) =	sbr.abs _section_cstart, $3  }
0xc1: {  	[dreg:$0x1] =	wrdreg $0xFFFFFFFF  }
0xc2: {  	_ =	task.clear_ibuf [dreg:s7], $0x2FFFF;
	_ =	strace $0x9FFFFFFF  }
0xc3: {  	(tm) =	ssettm $0x7FFFFFFF  }
tec
execute0_lowered:
.L_overlay_start_1:
0x0: {  	(tag) =	ssettag $0x1  }
0x1: {  	s5 =	rddreg [dreg:$0x0]  }
0x2: {  	s2 =	rddreg [dreg:$0x1];
	s0 =	stileid.u32  }
0x3: {  	s1 =	srdreg.scid;
	s3 =	rddreg [dreg:$0x2];
	s4 =	simm.s32 $0x0  }
0x4: {  	s15 =	simm.s32 $0x2800;
	s16 =	simm.s32 $0x80;
	s17 =	simm.s32 $0x6900  }
0x5: {  	s18 =	simm.s32 $0x2880;
	s21 =	simm.s32 $0x1;
	s22 =	simm.s32 $0x3  }
0x6: {  	s23 =	simm.s32 $0x2;
	s24 =	simm.s32 $0x4;
	s6 =	smul.u32 $0x14000, s0  }
0x7: {  	s7 =	sand.u32 $0x1, s1;
	s1 =	rddreg [dreg:$0x3];
	s29 =	smul.u32 $0x50000, s0  }
0x8: {  	s25 =	simm.s32 $0x0;
	[smem:$0x7FF] =	sst s4;
	s31 =	smul.u32 $0x500, s0  }
0x9: {  	s11 =	sadd.s32 $0x3000, s5;
	s19 =	sshll.u32 s0, $0x6;
	s8 =	smul.u32 $0x140000, s7  }
0xa: {  	s9 =	sshll.u32 s7, $0x4;
	_ =	strace $0x8000004D;
	s26 =	ssub.s32 $0x2, s7  }
0xb: {  	s13 =	smul.u32 $0x5000, s7;
	s19 =	sor.u32 $0x1C05, s19;
	s9 =	sor.u32 s0, s9  }
0xc: {  	s30 =	sshrl.u32 s26, $0x1;
	s8 =	sadd.s32 s6, s8;
	s9 =	smul.u32 $0x2800, s9  }
0xd: {  	s6 =	sshrl.u32 s6, $0x3;
	s14 =	ssub.s32 s26, s30;
	s8 =	sshrl.u32 s8, $0x3  }
0xe: {  	s10 =	sadd.s32 s6, s5;
	s12 =	sadd.s32 s8, s5;
	s28 =	sshrl.u32 s9, $0x3  }
0xf: {  	s8 =	sshrl.u32 s29, $0x2;
	s5 =	sadd.s32 s11, s28;
	s11 =	sadd.s32 s13, s11  }
0x10: {  	s20 =	sadd.s32 s8, s3;
	s8 =	sadd.s32 $0x17000, s10;
	s9 =	sadd.s32 $0x3F000, s12  }
0x11: {  	s10 =	smax.u32 s14, $0x1;
	s12 =	simm.s32 $0x5;
	s13 =	simm.s32 $0x7D  }
0x12: {  	s14 =	simm.s32 $0x2900;
	s6 =	sadd.s32 $0xA000, s5;
	s11 =	sadd.s32 s31, s11  }
0x13: {  	s7 =	sadd.s32 $0xA010, s5;
	s20 =	sshrl.u32 s20, $0x3;
	s11 =	sadd.s32 $0xA020, s11  }
.LBB2_1:
0x14: {  	[tilespmem:s4], [sflag:$0x5] =	stream.linear.gather [hbm4b:s5+s4], $0x2800, $0x38;
	[tilespmem:$0x1E900] =	vst v63  }
0x15: {  	_ =	swait.ge [sflag:s12], $0x2800  }
0x16: {  	[sflag:s12] =	ssyncset.done $0x0  }
0x17: {  	[sflag:s12] =	ssyncadd.s32 $0xFFFFD800  }
0x18: {  	[tilespmem:s14], [sflag:$0x1] =	stream.indirect.gather [hbm4b:s2+s13], $0x80, s4, s13, $0xb8;
	[tilespmem:$0x1E900] =	vst v63  }
0x19: {  	_ = 	snop  }
0x1a: {  	[tilespmem:s15], [sflag:$0x3] =	stream.linear.gather [hbm4b:s6+s4], $0x80, $0x38;
	[tilespmem:$0x1E900] =	vst v63  }
0x1b: {  	_ = 	snop  }
0x1c: {  	[tilespmem:s17], [sflag:$0x2] =	stream.indirect.gather [hbm4b:s2+s13], $0x80, s16, s13, $0xb8;
	[tilespmem:$0x1E900] =	vst v63  }
0x1d: {  	_ = 	snop  }
0x1e: {  	[tilespmem:s18], [sflag:$0x4] =	stream.linear.gather [hbm4b:s7+s4], $0x80, $0x38;
	[tilespmem:$0x1E900] =	vst v63  }
0x1f: {  	[spmem:s20], [sflag:s19] =	dma.local [hbm:s8], $0x2800  }
0x20: {  	_ =	swait.ge [sflag:s12], $0x2800  }
0x21: {  	[sflag:s12] =	ssyncset.done $0x0  }
0x22: {  	[sflag:s12] =	ssyncadd.s32 $0xFFFFD800  }
0x23: {  	[bflag:$0x0] =	sbarrier.arrive $0xFFFF  }
0x24: {  	_ =	swait.ge [sflag:s21], $0x3E80  }
0x25: {  	[sflag:s21] =	ssyncset.done $0x0  }
0x26: {  	[sflag:s21] =	ssyncadd.s32 $0xFFFFC180  }
0x27: {  	_ =	swait.ge [sflag:s22], $0x80  }
0x28: {  	[sflag:s22] =	ssyncset.done $0x0  }
0x29: {  	[sflag:s22] =	ssyncadd.s32 $0xFFFFFF80  }
0x2a: {  	[spmem:s3] =	stream.indirect.scatter.add.f32 [tilespmem:s14], [sflag:$0x5], $0x80, s15, s13, $0xb8;
	[tilespmem:$0x1E900] =	vst v63  }
0x2b: {  	_ =	swait.ge [sflag:s12], $0x3E80  }
0x2c: {  	[sflag:s12] =	ssyncset.done $0x0  }
0x2d: {  	s26 =	simm.s32 $0x100;
	[sflag:s12] =	ssyncadd.s32 $0xFFFFC180  }
0x2e: {  	[tilespmem:s14], [sflag:$0x1] =	stream.indirect.gather [hbm4b:s2+s13], $0x80, s26, s13, $0xb8;
	[tilespmem:$0x1E900] =	vst v63  }
0x2f: {  	_ = 	snop  }
0x30: {  	[tilespmem:s15], [sflag:$0x3] =	stream.linear.gather [hbm4b:s11+s4], $0x80, $0x38;
	[tilespmem:$0x1E900] =	vst v63  }
0x31: {  	_ =	swait.ge [sflag:s23], $0x3E80  }
0x32: {  	[sflag:s23] =	ssyncset.done $0x0  }
0x33: {  	[sflag:s23] =	ssyncadd.s32 $0xFFFFC180  }
0x34: {  	_ =	swait.ge [sflag:s24], $0x80  }
0x35: {  	[sflag:s24] =	ssyncset.done $0x0  }
0x36: {  	[sflag:s24] =	ssyncadd.s32 $0xFFFFFF80  }
0x37: {  	[spmem:s3] =	stream.indirect.scatter.add.f32 [tilespmem:s17], [sflag:$0x5], $0x80, s18, s13, $0xb8;
	[tilespmem:$0x1E900] =	vst v63  }
0x38: {  	_ =	swait.ge [sflag:s12], $0x3E80  }
0x39: {  	s31 =	simm.s32 $0x180;
	s29 =	sadd.s32 $0x10, s11;
	[sflag:s12] =	ssyncset.done $0x0  }
0x3a: {  	s28 =	sadd.s32 $0x20, s11;
	s26 =	simm.s32 $0x400;
	[sflag:s12] =	ssyncadd.s32 $0xFFFFC180  }
0x3b: {  	[tilespmem:s17], [sflag:$0x2] =	stream.indirect.gather [hbm4b:s2+s13], $0x80, s31, s13, $0xb8;
	[tilespmem:$0x1E900] =	vst v63  }
.LBB2_2:
0x3c: {  	[tilespmem:s18], [sflag:$0x4] =	stream.linear.gather [hbm4b:s29+s4], $0x80, $0x38;
	[tilespmem:$0x1E900] =	vst v63  }
0x3d: {  	s29 =	smov.u32 s26  }
0x3e: {  	p0 =	sne.s32 s26, $0x9800;
	s26 =	sadd.s32 $0x400, s26;
	_ =	swait.ge [sflag:s21], $0x3E80  }
0x3f: {  	[sflag:s21] =	ssyncset.done $0x0  }
0x40: {  	[sflag:s21] =	ssyncadd.s32 $0xFFFFC180  }
0x41: {  	_ =	swait.ge [sflag:s22], $0x80  }
0x42: {  	[sflag:s22] =	ssyncset.done $0x0  }
0x43: {  	[sflag:s22] =	ssyncadd.s32 $0xFFFFFF80  }
0x44: {  	[spmem:s3] =	stream.indirect.scatter.add.f32 [tilespmem:s14], [sflag:$0x5], $0x80, s15, s13, $0xb8;
	[tilespmem:$0x1E900] =	vst v63  }
0x45: {  	_ =	swait.ge [sflag:s12], $0x3E80  }
0x46: {  	s29 =	sshra.s32 s29, $0x2;
	[sflag:s12] =	ssyncset.done $0x0  }
0x47: {  	s30 =	sadd.s32 $0x100, s29;
	[sflag:s12] =	ssyncadd.s32 $0xFFFFC180  }
0x48: {  	[tilespmem:s14], [sflag:$0x1] =	stream.indirect.gather [hbm4b:s2+s13], $0x80, s30, s13, $0xb8;
	[tilespmem:$0x1E900] =	vst v63  }
0x49: {  	_ = 	snop  }
0x4a: {  	[tilespmem:s15], [sflag:$0x3] =	stream.linear.gather [hbm4b:s28+s4], $0x80, $0x38;
	[tilespmem:$0x1E900] =	vst v63  }
0x4b: {  	_ =	swait.ge [sflag:s23], $0x3E80  }
0x4c: {  	[sflag:s23] =	ssyncset.done $0x0  }
0x4d: {  	[sflag:s23] =	ssyncadd.s32 $0xFFFFC180  }
0x4e: {  	_ =	swait.ge [sflag:s24], $0x80  }
0x4f: {  	[sflag:s24] =	ssyncset.done $0x0  }
0x50: {  	[sflag:s24] =	ssyncadd.s32 $0xFFFFFF80  }
0x51: {  	[spmem:s3] =	stream.indirect.scatter.add.f32 [tilespmem:s17], [sflag:$0x5], $0x80, s18, s13, $0xb8;
	[tilespmem:$0x1E900] =	vst v63  }
.Ltmp0:
0x52: {  	_ =	swait.ge [sflag:s12], $0x3E80;
	(pc) =	sbr.rel @p0 .LBB2_2-.Ltmp0, $4  }
0x53: {  	[sflag:s12] =	ssyncset.done $0x0  }
0x54: {  	s29 =	sadd.s32 $0x180, s29;
	[sflag:s12] =	ssyncadd.s32 $0xFFFFC180  }
0x55: {  	[tilespmem:s17], [sflag:$0x2] =	stream.indirect.gather [hbm4b:s2+s13], $0x80, s29, s13, $0xb8;
	[tilespmem:$0x1E900] =	vst v63  }
0x56: {  	s29 =	sadd.s32 $0x10, s28;
	s28 =	sadd.s32 $0x20, s28  }
0x57: {  	[tilespmem:s18], [sflag:$0x4] =	stream.linear.gather [hbm4b:s29+s4], $0x80, $0x38;
	[tilespmem:$0x1E900] =	vst v63  }
0x58: {  	_ =	swait.ge [sflag:s21], $0x3E80  }
0x59: {  	[sflag:s21] =	ssyncset.done $0x0  }
0x5a: {  	[sflag:s21] =	ssyncadd.s32 $0xFFFFC180  }
0x5b: {  	_ =	swait.ge [sflag:s22], $0x80  }
0x5c: {  	[sflag:s22] =	ssyncset.done $0x0  }
0x5d: {  	[sflag:s22] =	ssyncadd.s32 $0xFFFFFF80  }
0x5e: {  	[spmem:s3] =	stream.indirect.scatter.add.f32 [tilespmem:s14], [sflag:$0x5], $0x80, s15, s13, $0xb8;
	[tilespmem:$0x1E900] =	vst v63  }
0x5f: {  	_ =	swait.ge [sflag:s12], $0x3E80  }
0x60: {  	[sflag:s12] =	ssyncset.done $0x0  }
0x61: {  	[sflag:s12] =	ssyncadd.s32 $0xFFFFC180  }
0x62: {  	_ =	swait.ge [sflag:s23], $0x3E80  }
0x63: {  	[sflag:s23] =	ssyncset.done $0x0  }
0x64: {  	[sflag:s23] =	ssyncadd.s32 $0xFFFFC180  }
0x65: {  	_ =	swait.ge [sflag:s24], $0x80  }
0x66: {  	[sflag:s24] =	ssyncset.done $0x0  }
0x67: {  	[sflag:s24] =	ssyncadd.s32 $0xFFFFFF80  }
0x68: {  	[spmem:s3] =	stream.indirect.scatter.add.f32 [tilespmem:s17], [sflag:$0x5], $0x80, s18, s13, $0xb8;
	[tilespmem:$0x1E900] =	vst v63  }
0x69: {  	_ =	swait.ge [sflag:s12], $0x3E80  }
0x6a: {  	s25 =	sadd.s32 $0x1, s25;
	[sflag:s12] =	ssyncset.done $0x0  }
0x6b: {  	p0 =	sne.s32 s25, s10;
	[sflag:s12] =	ssyncadd.s32 $0xFFFFC180  }
.Ltmp1:
0x6c: {  	[bflag:$0x0] =	sbarrier.arrive $0xFFFF;
	(pc) =	sbr.rel @p0 .LBB2_1-.Ltmp1, $4  }
0x6d: {  	[hbm:s9], [sflag:s19] =	dma.local [spmem:s20], $0x2800  }
0x6e: {  	_ =	swait.ge [sflag:s12], $0x2800  }
0x6f: {  	[sflag:s12] =	ssyncset.done $0x0  }
0x70: {  	[sflag:s12] =	ssyncadd.s32 $0xFFFFD800  }
0x71: {  	_ =	sfence.sel $0x180000  }
0x72: {  	[bflag:$0x0] =	sbarrier.arrive $0xFFFF  }
0x73: {  	p0 =	sne.s32 s0, $0x0;
	_ =	strace $0x9000004D  }
0x74: {  	s0 =	sadd.s32 @!p0 $0x100000, s1;
	[bflag:$0x2] =	sbarrier.arrive $0xFFFF  }
0x75: {  	[sflag:s0] =	ssyncadd.tile.s32 @!p0 $0x1;
	_ =	shalt  }
.Lfunc_end2:
_tile_overlayer_lowered:
.L_overlay_start_2:
0x76: {  	(tag) =	ssettag $0x2  }
0x77: {  	s0 =	rddreg [dreg:$0x0];
	s2 =	stileid.u32  }
0x78: {  	s1 =	rddreg [dreg:$0x1];
	p0 =	sne.s32 s2, $0x0  }
0x79: {  	s3 =	rddreg [dreg:$0x2];
	[bflag:$0x3] =	sbarrier.arrive $0xFFFF;
	s2 =	simm.s32 @!p0 $0x1C05  }
0x7a: {  	[timem:s3], [sflag:s2] =	dma.local @!p0 [hbm:s0], s1  }
0x7b: {  	s0 =	simm.s32 @!p0 $0x5  }
0x7c: {  	_ =	swait.ge @!p0 [sflag:s0], s1  }
0x7d: {  	s1 =	ssub.s32 @!p0 $0x0, s1;
	[sflag:s0] =	ssyncset.done @!p0 $0x0  }
0x7e: {  	[sflag:s0] =	ssyncadd.s32 @!p0 s1  }
0x7f: {  	[bflag:$0x3] =	sbarrier.arrive $0xFFFF  }
0x80: {  	_ =	shalt  }

// kernel: kernel.22.cloned.1.call-start
scs
__scs_entry_jumppad:
0x0: {  	(pc) =	sbr.rel $0x88, $3  }
0x1: {  	(tag) =	ssettag $0x0;
	lr =	simm.s32 $0x1  }
0x2: {  	[smem:$0x3F99] =	sst lr;
	_ =	strace $0xD0000000  }
0x3: {  	_ = 	snop  }
0x4: {  	_ = 	snop  }
0x5: {  	_ = 	snop  }
0x6: {  	_ = 	snop  }
0x7: {  	_ = 	snop  }
__scs_overlays_trampoline_lowered:
0x8: {  	[smem:$0x3FA8] =	sst s0  }
0x9: {  	[smem:$0x3FA9] =	sst s1  }
0xa: {  	[smem:$0x3FAA] =	sst s2  }
0xb: {  	[smem:$0x3FAB] =	sst s3  }
0xc: {  	[smem:$0x3FAC] =	sst s4  }
0xd: {  	[smem:$0x3FAD] =	sst s5  }
0xe: {  	[smem:$0x3FAE] =	sst s6  }
0xf: {  	[smem:$0x3FAF] =	sst s7  }
0x10: {  	[smem:$0x3FB0] =	sst s8  }
0x11: {  	[smem:$0x3FB1] =	sst s9;
	s0 =	simm.s32 @!p0 $0x0  }
0x12: {  	s1 =	sld [smem:$0x3F97];
	s0 =	simm.s32 @p0 $0x1  }
0x13: {  	[smem:$0x3FB2] =	sst s0;
	s0 =	simm.s32 @!p1 $0x0  }
0x14: {  	s2 =	sld [smem:$0x3F96];
	s0 =	simm.s32 @p1 $0x1  }
0x15: {  	[smem:$0x3FB3] =	sst s0;
	s0 =	simm.s32 @!p2 $0x0  }
0x16: {  	s3 =	sld [smem:$0x3FDB];
	s0 =	simm.s32 @p2 $0x1  }
0x17: {  	s4 =	simm.s32 $0x1BF5;
	[smem:$0x3FB5] =	sst s0  }
0x18: {  	s0 =	sld [smem:$0x3F98];
	_ =	swait.ge [sflag:s4], $0x0  }
0x19: {  	s7 =	sld [smem:$0x3F99]  }
0x1a: {  	s8 =	sadd.s32 $0xFFFFE003, lr  }
0x1b: {  	s9 =	sadd.s32 $0xFFFFFEF7, lr;
	s5 =	simm.s32 $0xFFFFFFFF;
	p2 =	slt.u32 s8, $0xFFFFF086  }
0x1c: {  	p1 =	slt.u32 s9, $0xF7A;
	s5 =	simm.s32 @!p2 $0x0  }
0x1d: {  	s5 =	simm.s32 @p1 $0x1;
	p0 =	seq.s32 s7, s2  }
0x1e: {  	s7 =	smul.u32 @!p0 $0xF7A, s2;
	p2 =	seq.s32 @!p0 s5, $0x0  }
0x1f: {  	s9 =	smul.u32 $0xF7A, s1;
	s8 =	simm.s32 @!p0 $0x1BF5;
	p2 =	por !p2, p0  }
0x20: {  	[sflag:s8] =	ssyncset.s32 @!p0 $0xFFFFF086;
	s6 =	sadd.s32 @!p0 s3, s7;
	s7 =	simm.s32 @!p0 $0x108  }
0x21: {  	s3 =	sadd.s32 s3, s9;
	s6 =	sadd.s32 @!p0 $0x88, s6;
	s7 =	simm.s32 @p2 $0x1082  }
0x22: {  	[simem:s7], [sflag:s8] =	dma.local @!p0 [hbm:s6], $0xF7A  }
0x23: {  	s9 =	sor.u32 $0xD0000000, s2;
	s6 =	simm.s32 $0x108;
	_ =	swait.ge @!p0 [sflag:s8], $0x0  }
0x24: {  	s3 =	sadd.s32 $0x88, s3;
	s6 =	simm.s32 @!p1 $0x1082;
	[sflag:s4] =	ssyncset.s32 $0xFFFFF086  }
0x25: {  	[simem:s6], [sflag:s4] =	dma.local [hbm:s3], $0xF7A  }
0x26: {  	[smem:$0x3F99] =	sst s1;
	(tag) =	ssettag s2;
	_ =	strace s9  }
0x27: {  	s1 =	sld [smem:$0x3FA9]  }
0x28: {  	s2 =	sld [smem:$0x3FAA]  }
0x29: {  	s4 =	sld [smem:$0x3FAC]  }
0x2a: {  	p0 =	seq.s32 s5, $0x0;
	s5 =	sld [smem:$0x3FAD]  }
0x2b: {  	s6 =	sld [smem:$0x3FAE]  }
0x2c: {  	s7 =	sld [smem:$0x3FAF]  }
0x2d: {  	s3 =	simm.s32 $0x108;
	s8 =	sld [smem:$0x3FB0]  }
0x2e: {  	s3 =	simm.s32 @!p0 $0x1082;
	s9 =	sld [smem:$0x3FB1]  }
0x2f: {  	lr =	sadd.s32 s0, s3;
	s0 =	sld [smem:$0x3FA8]  }
0x30: {  	s3 =	sld [smem:$0x3FAB]  }
0x31: {  	[smem:$0x3FB4] =	sst s10  }
0x32: {  	s10 =	sld [smem:$0x3FB2];
	_ =	sdelay $0x3  }
0x33: {  	p0 =	seq.s32 s10, $0x1;
	s10 =	sld [smem:$0x3FB4];
	_ =	sdelay $0x3  }
0x34: {  	[smem:$0x3FB4] =	sst s10  }
0x35: {  	s10 =	sld [smem:$0x3FB3];
	_ =	sdelay $0x3  }
0x36: {  	p1 =	seq.s32 s10, $0x1;
	s10 =	sld [smem:$0x3FB4];
	_ =	sdelay $0x3  }
0x37: {  	[smem:$0x3FB4] =	sst s10  }
0x38: {  	s10 =	sld [smem:$0x3FB5]  }
0x39: {  	_ = 	snop;
	(pc) =	sbr.ind lr, $3  }
0x3a: {  	_ = 	snop  }
0x3b: {  	_ = 	snop  }
0x3c: {  	p2 =	seq.s32 s10, $0x1;
	s10 =	sld [smem:$0x3FB4]  }
0x3d: {  	_ =	shalt  }
0x3e: {  	_ =	shalt  }
0x3f: {  	_ =	shalt  }
0x40: {  	_ =	shalt  }
0x41: {  	_ =	shalt  }
0x42: {  	_ =	shalt  }
0x43: {  	_ =	shalt  }
0x44: {  	_ =	shalt  }
0x45: {  	_ =	shalt  }
0x46: {  	_ =	shalt  }
0x47: {  	_ =	shalt  }
0x48: {  	_ =	shalt  }
0x49: {  	_ =	shalt  }
0x4a: {  	_ =	shalt  }
0x4b: {  	_ =	shalt  }
0x4c: {  	_ =	shalt  }
0x4d: {  	_ =	shalt  }
0x4e: {  	_ =	shalt  }
0x4f: {  	_ =	shalt  }
0x50: {  	_ =	shalt  }
0x51: {  	_ =	shalt  }
0x52: {  	_ =	shalt  }
0x53: {  	_ =	shalt  }
0x54: {  	_ =	shalt  }
0x55: {  	_ =	shalt  }
0x56: {  	_ =	shalt  }
0x57: {  	_ =	shalt  }
0x58: {  	_ =	shalt  }
0x59: {  	_ =	shalt  }
0x5a: {  	_ =	shalt  }
0x5b: {  	_ =	shalt  }
0x5c: {  	_ =	shalt  }
0x5d: {  	_ =	shalt  }
0x5e: {  	_ =	shalt  }
0x5f: {  	_ =	shalt  }
0x60: {  	_ =	shalt  }
0x61: {  	_ =	shalt  }
0x62: {  	_ =	shalt  }
0x63: {  	_ =	shalt  }
0x64: {  	_ =	shalt  }
0x65: {  	_ =	shalt  }
0x66: {  	_ =	shalt  }
0x67: {  	_ =	shalt  }
0x68: {  	_ =	shalt  }
0x69: {  	_ =	shalt  }
0x6a: {  	_ =	shalt  }
0x6b: {  	_ =	shalt  }
0x6c: {  	_ =	shalt  }
0x6d: {  	_ =	shalt  }
0x6e: {  	_ =	shalt  }
0x6f: {  	_ =	shalt  }
0x70: {  	_ =	shalt  }
0x71: {  	_ =	shalt  }
0x72: {  	_ =	shalt  }
0x73: {  	_ =	shalt  }
0x74: {  	_ =	shalt  }
0x75: {  	_ =	shalt  }
0x76: {  	_ =	shalt  }
0x77: {  	_ =	shalt  }
0x78: {  	_ =	shalt  }
0x79: {  	_ =	shalt  }
0x7a: {  	_ =	shalt  }
0x7b: {  	_ =	shalt  }
0x7c: {  	_ =	shalt  }
0x7d: {  	_ =	shalt  }
0x7e: {  	_ =	shalt  }
0x7f: {  	_ =	shalt  }
0x80: {  	_ =	shalt  }
0x81: {  	_ =	shalt  }
0x82: {  	_ =	shalt  }
0x83: {  	_ =	shalt  }
0x84: {  	_ =	shalt  }
0x85: {  	_ =	shalt  }
0x86: {  	_ =	shalt  }
0x87: {  	_ =	shalt  }
.Lfunc_end0:
.L_simem_size_0:
called_computation.3_lowered:
.L_overlay_start_0:
0x88: {  	s2 =	sld [smem:$0x3FD9]  }
0x89: {  	s3 =	sld [smem:$0x3FFE];
	_ =	sdelay $0x1  }
0x8a: {  	s1 =	srdreg.scid  }
0x8b: {  	s0 =	sand.u32 $0x1, s1  }
0x8c: {  	s17 =	sshll.u32 s0, $0xA;
	s2 =	sadd.s32 s3, s2  }
0x8d: {  	s2 =	sadd.s32 s2, s17  }
0x8e: {  	[smem:$0x3FC0] =	sst s2  }
0x8f: {  	_ = 	snop  }
0x90: {  	s2 =	sld [smem:$0x3FD0];
	(tm) =	ssettm $0x1  }
0x91: {  	s18 =	sld [smem:$0x3FFB];
	_ =	sdelay $0x3  }
0x92: {  	_ =	strace s18  }
0x93: {  	s3 =	sld [smem:$0x3FFC];
	_ =	sdelay $0x3  }
0x94: {  	_ =	strace s3  }
0x95: {  	s3 =	sld [smem:$0x3FFD];
	_ =	sdelay $0x3  }
0x96: {  	_ =	strace s3  }
0x97: {  	_ =	strace $0x8FFFFFFF  }
0x98: {  	s19 =	sld [smem:$0x3FDB];
	_ =	sdelay $0x1  }
0x99: {  	s4 =	simm.s32 $_scs_section_size  }
0x9a: {  	s5 =	simm.s32 $_size__tile_overlayer_lowered;
	s6 =	simm.s32 $_tile_overlayer_lowered  }
0x9b: {  	s22 =	simm.s32 $0x1BFF;
	s21 =	sshll.u32 s6, $0x1;
	s3 =	sadd.s32 s4, s19  }
0x9c: {  	s7 =	simm.s32 $0x0;
	s20 =	sshll.u32 s5, $0x1;
	s5 =	sadd.s32 s21, s3  }
0x9d: {  	[timem:s7], [sflag:s22] =	dma.local [hbm:s5], s20  }
0x9e: {  	_ =	swait.ge [sflag:s22], s20  }
0x9f: {  	s4 =	ssub.s32 $0x0, s20;
	[sflag:s22] =	ssyncset.done $0x0  }
0xa0: {  	[sflag:s22] =	ssyncadd.s32 s4;
	_ =	sdelay $0x1  }
0xa1: {  	s23 =	simm.s32 $0x1B8B  }
0xa2: {  	_ =	swait.ge [sflag:s23], $0x1  }
0xa3: {  	[sflag:s23] =	ssyncset.done $0x0  }
0xa4: {  	s25 =	simm.s32 $0x1B8E;
	s24 =	sld [smem:$0x3FFE];
	[sflag:s23] =	ssyncadd.s32 $0xFFFFFFFF  }
0xa5: {  	s26 =	simm.s32 $execute0_lowered;
	[smem:$0x3FD2] =	sst s25  }
0xa6: {  	s5 =	sshll.u32 s26, $0x1;
	_ =	strace $0x8000004F;
	[dreg:$0x1] =	wrdreg $0xFFFFFFFF  }
0xa7: {  	s28 =	simm.s32 $_size_execute0_lowered;
	s3 =	sadd.s32 s3, s5;
	[dreg:$0x0] =	wrdreg $0x0  }
0xa8: {  	s5 =	sshll.u32 s28, $0x1;
	[dreg:$0x2] =	wrdreg s3  }
0xa9: {  	[dreg:$0x3] =	wrdreg s5  }
0xaa: {  	[dreg:$0x4] =	wrdreg $0xC0  }
0xab: {  	_ =	task [dreg:s7], $0x5FFFF  }
0xac: {  	[dreg:$0x1] =	wrdreg $0xFFFFFFFF  }
0xad: {  	[dreg:$0x0] =	wrdreg $0x60  }
0xae: {  	[dreg:$0x2] =	wrdreg s24  }
0xaf: {  	[dreg:$0x3] =	wrdreg s2  }
0xb0: {  	[dreg:$0x4] =	wrdreg $0xA9000  }
0xb1: {  	[dreg:$0x5] =	wrdreg $0x9  }
0xb2: {  	_ =	task.clear_ibuf [dreg:s7], $0x6FFFF;
	_ =	strace $0x9000004F  }
0xb3: {  	s29 =	simm.s32 $0x9;
	_ =	strace $0x80000051  }
0xb4: {  	_ =	swait.ge [sflag:s29], $0x1  }
0xb5: {  	[sflag:s29] =	ssyncadd.s32 $0xFFFFFFFF  }
0xb6: {  	_ =	strace $0x90000051  }
0xb7: {  	_ =	sfence  }
0xb8: {  	s30 =	sld [smem:$0x0];
	_ =	sdelay $0x2  }
0xb9: {  	s31 =	sshll.u32 s1, $0xD;
	s1 =	sshrl.u32 s1, $0x2  }
0xba: {  	s3 =	sand.u32 $0x4000, s31;
	s1 =	sadd.s32 s1, s30  }
0xbb: {  	s0 =	sor.u32 s3, s0;
	s1 =	sshll.u32 s1, $0x11  }
0xbc: {  	s0 =	sor.u32 s1, s0  }
0xbd: {  	s0 =	sadd.s32 $0x8F2B, s0  }
0xbe: {  	[sflag:s0] =	ssyncadd.remote.s32 $0x1  }
0xbf: {  	_ =	sfence.sel $0xFFFF  }
0xc0: {  	[dreg:$0x0] =	wrdreg $0xFFFFFFFF;
	(pc) =	sbr.abs _section_cstart, $3  }
0xc1: {  	[dreg:$0x1] =	wrdreg $0xFFFFFFFF  }
0xc2: {  	_ =	task.clear_ibuf [dreg:s7], $0x2FFFF;
	_ =	strace $0x9FFFFFFF  }
0xc3: {  	(tm) =	ssettm $0x7FFFFFFF  }
tec
execute0_lowered:
.L_overlay_start_1:
0x0: {  	(tag) =	ssettag $0x1  }
0x1: {  	s5 =	rddreg [dreg:$0x0]  }
0x2: {  	s2 =	rddreg [dreg:$0x1];
	s0 =	stileid.u32  }
0x3: {  	s1 =	srdreg.scid;
	s3 =	rddreg [dreg:$0x2];
	s4 =	simm.s32 $0x0  }
0x4: {  	s15 =	simm.s32 $0x2800;
	s16 =	simm.s32 $0x80;
	s17 =	simm.s32 $0x6900  }
0x5: {  	s18 =	simm.s32 $0x2880;
	s21 =	simm.s32 $0x1;
	s22 =	simm.s32 $0x3  }
0x6: {  	s23 =	simm.s32 $0x2;
	s24 =	simm.s32 $0x4;
	s6 =	smul.u32 $0x14000, s0  }
0x7: {  	s7 =	sand.u32 $0x1, s1;
	s1 =	rddreg [dreg:$0x3];
	s29 =	smul.u32 $0x50000, s0  }
0x8: {  	s25 =	simm.s32 $0x0;
	[smem:$0x7FF] =	sst s4;
	s31 =	smul.u32 $0x500, s0  }
0x9: {  	s11 =	sadd.s32 $0x3000, s5;
	s19 =	sshll.u32 s0, $0x6;
	s8 =	smul.u32 $0x140000, s7  }
0xa: {  	s9 =	sshll.u32 s7, $0x4;
	_ =	strace $0x80000050;
	s26 =	ssub.s32 $0x2, s7  }
0xb: {  	s13 =	smul.u32 $0x5000, s7;
	s19 =	sor.u32 $0x1C05, s19;
	s9 =	sor.u32 s0, s9  }
0xc: {  	s30 =	sshrl.u32 s26, $0x1;
	s8 =	sadd.s32 s6, s8;
	s9 =	smul.u32 $0x2800, s9  }
0xd: {  	s6 =	sshrl.u32 s6, $0x3;
	s14 =	ssub.s32 s26, s30;
	s8 =	sshrl.u32 s8, $0x3  }
0xe: {  	s10 =	sadd.s32 s6, s5;
	s12 =	sadd.s32 s8, s5;
	s28 =	sshrl.u32 s9, $0x3  }
0xf: {  	s8 =	sshrl.u32 s29, $0x2;
	s5 =	sadd.s32 s11, s28;
	s11 =	sadd.s32 s13, s11  }
0x10: {  	s20 =	sadd.s32 s8, s3;
	s8 =	sadd.s32 $0x17000, s10;
	s9 =	sadd.s32 $0x3F000, s12  }
0x11: {  	s10 =	smax.u32 s14, $0x1;
	s12 =	simm.s32 $0x5;
	s13 =	simm.s32 $0x7D  }
0x12: {  	s14 =	simm.s32 $0x2900;
	s6 =	sadd.s32 $0xA000, s5;
	s11 =	sadd.s32 s31, s11  }
0x13: {  	s7 =	sadd.s32 $0xA010, s5;
	s20 =	sshrl.u32 s20, $0x3;
	s11 =	sadd.s32 $0xA020, s11  }
.LBB2_1:
0x14: {  	[tilespmem:s4], [sflag:$0x5] =	stream.linear.gather [hbm4b:s5+s4], $0x2800, $0x38;
	[tilespmem:$0x1E900] =	vst v63  }
0x15: {  	_ =	swait.ge [sflag:s12], $0x2800  }
0x16: {  	[sflag:s12] =	ssyncset.done $0x0  }
0x17: {  	[sflag:s12] =	ssyncadd.s32 $0xFFFFD800  }
0x18: {  	[tilespmem:s14], [sflag:$0x1] =	stream.indirect.gather [hbm4b:s2+s13], $0x80, s4, s13, $0xb8;
	[tilespmem:$0x1E900] =	vst v63  }
0x19: {  	_ = 	snop  }
0x1a: {  	[tilespmem:s15], [sflag:$0x3] =	stream.linear.gather [hbm4b:s6+s4], $0x80, $0x38;
	[tilespmem:$0x1E900] =	vst v63  }
0x1b: {  	_ = 	snop  }
0x1c: {  	[tilespmem:s17], [sflag:$0x2] =	stream.indirect.gather [hbm4b:s2+s13], $0x80, s16, s13, $0xb8;
	[tilespmem:$0x1E900] =	vst v63  }
0x1d: {  	_ = 	snop  }
0x1e: {  	[tilespmem:s18], [sflag:$0x4] =	stream.linear.gather [hbm4b:s7+s4], $0x80, $0x38;
	[tilespmem:$0x1E900] =	vst v63  }
0x1f: {  	[spmem:s20], [sflag:s19] =	dma.local [hbm:s8], $0x2800  }
0x20: {  	_ =	swait.ge [sflag:s12], $0x2800  }
0x21: {  	[sflag:s12] =	ssyncset.done $0x0  }
0x22: {  	[sflag:s12] =	ssyncadd.s32 $0xFFFFD800  }
0x23: {  	[bflag:$0x0] =	sbarrier.arrive $0xFFFF  }
0x24: {  	_ =	swait.ge [sflag:s21], $0x3E80  }
0x25: {  	[sflag:s21] =	ssyncset.done $0x0  }
0x26: {  	[sflag:s21] =	ssyncadd.s32 $0xFFFFC180  }
0x27: {  	_ =	swait.ge [sflag:s22], $0x80  }
0x28: {  	[sflag:s22] =	ssyncset.done $0x0  }
0x29: {  	[sflag:s22] =	ssyncadd.s32 $0xFFFFFF80  }
0x2a: {  	[spmem:s3] =	stream.indirect.scatter.add.f32 [tilespmem:s14], [sflag:$0x5], $0x80, s15, s13, $0xb8;
	[tilespmem:$0x1E900] =	vst v63  }
0x2b: {  	_ =	swait.ge [sflag:s12], $0x3E80  }
0x2c: {  	[sflag:s12] =	ssyncset.done $0x0  }
0x2d: {  	s26 =	simm.s32 $0x100;
	[sflag:s12] =	ssyncadd.s32 $0xFFFFC180  }
0x2e: {  	[tilespmem:s14], [sflag:$0x1] =	stream.indirect.gather [hbm4b:s2+s13], $0x80, s26, s13, $0xb8;
	[tilespmem:$0x1E900] =	vst v63  }
0x2f: {  	_ = 	snop  }
0x30: {  	[tilespmem:s15], [sflag:$0x3] =	stream.linear.gather [hbm4b:s11+s4], $0x80, $0x38;
	[tilespmem:$0x1E900] =	vst v63  }
0x31: {  	_ =	swait.ge [sflag:s23], $0x3E80  }
0x32: {  	[sflag:s23] =	ssyncset.done $0x0  }
0x33: {  	[sflag:s23] =	ssyncadd.s32 $0xFFFFC180  }
0x34: {  	_ =	swait.ge [sflag:s24], $0x80  }
0x35: {  	[sflag:s24] =	ssyncset.done $0x0  }
0x36: {  	[sflag:s24] =	ssyncadd.s32 $0xFFFFFF80  }
0x37: {  	[spmem:s3] =	stream.indirect.scatter.add.f32 [tilespmem:s17], [sflag:$0x5], $0x80, s18, s13, $0xb8;
	[tilespmem:$0x1E900] =	vst v63  }
0x38: {  	_ =	swait.ge [sflag:s12], $0x3E80  }
0x39: {  	s31 =	simm.s32 $0x180;
	s29 =	sadd.s32 $0x10, s11;
	[sflag:s12] =	ssyncset.done $0x0  }
0x3a: {  	s28 =	sadd.s32 $0x20, s11;
	s26 =	simm.s32 $0x400;
	[sflag:s12] =	ssyncadd.s32 $0xFFFFC180  }
0x3b: {  	[tilespmem:s17], [sflag:$0x2] =	stream.indirect.gather [hbm4b:s2+s13], $0x80, s31, s13, $0xb8;
	[tilespmem:$0x1E900] =	vst v63  }
.LBB2_2:
0x3c: {  	[tilespmem:s18], [sflag:$0x4] =	stream.linear.gather [hbm4b:s29+s4], $0x80, $0x38;
	[tilespmem:$0x1E900] =	vst v63  }
0x3d: {  	s29 =	smov.u32 s26  }
0x3e: {  	p0 =	sne.s32 s26, $0x9800;
	s26 =	sadd.s32 $0x400, s26;
	_ =	swait.ge [sflag:s21], $0x3E80  }
0x3f: {  	[sflag:s21] =	ssyncset.done $0x0  }
0x40: {  	[sflag:s21] =	ssyncadd.s32 $0xFFFFC180  }
0x41: {  	_ =	swait.ge [sflag:s22], $0x80  }
0x42: {  	[sflag:s22] =	ssyncset.done $0x0  }
0x43: {  	[sflag:s22] =	ssyncadd.s32 $0xFFFFFF80  }
0x44: {  	[spmem:s3] =	stream.indirect.scatter.add.f32 [tilespmem:s14], [sflag:$0x5], $0x80, s15, s13, $0xb8;
	[tilespmem:$0x1E900] =	vst v63  }
0x45: {  	_ =	swait.ge [sflag:s12], $0x3E80  }
0x46: {  	s29 =	sshra.s32 s29, $0x2;
	[sflag:s12] =	ssyncset.done $0x0  }
0x47: {  	s30 =	sadd.s32 $0x100, s29;
	[sflag:s12] =	ssyncadd.s32 $0xFFFFC180  }
0x48: {  	[tilespmem:s14], [sflag:$0x1] =	stream.indirect.gather [hbm4b:s2+s13], $0x80, s30, s13, $0xb8;
	[tilespmem:$0x1E900] =	vst v63  }
0x49: {  	_ = 	snop  }
0x4a: {  	[tilespmem:s15], [sflag:$0x3] =	stream.linear.gather [hbm4b:s28+s4], $0x80, $0x38;
	[tilespmem:$0x1E900] =	vst v63  }
0x4b: {  	_ =	swait.ge [sflag:s23], $0x3E80  }
0x4c: {  	[sflag:s23] =	ssyncset.done $0x0  }
0x4d: {  	[sflag:s23] =	ssyncadd.s32 $0xFFFFC180  }
0x4e: {  	_ =	swait.ge [sflag:s24], $0x80  }
0x4f: {  	[sflag:s24] =	ssyncset.done $0x0  }
0x50: {  	[sflag:s24] =	ssyncadd.s32 $0xFFFFFF80  }
0x51: {  	[spmem:s3] =	stream.indirect.scatter.add.f32 [tilespmem:s17], [sflag:$0x5], $0x80, s18, s13, $0xb8;
	[tilespmem:$0x1E900] =	vst v63  }
.Ltmp0:
0x52: {  	_ =	swait.ge [sflag:s12], $0x3E80;
	(pc) =	sbr.rel @p0 .LBB2_2-.Ltmp0, $4  }
0x53: {  	[sflag:s12] =	ssyncset.done $0x0  }
0x54: {  	s29 =	sadd.s32 $0x180, s29;
	[sflag:s12] =	ssyncadd.s32 $0xFFFFC180  }
0x55: {  	[tilespmem:s17], [sflag:$0x2] =	stream.indirect.gather [hbm4b:s2+s13], $0x80, s29, s13, $0xb8;
	[tilespmem:$0x1E900] =	vst v63  }
0x56: {  	s29 =	sadd.s32 $0x10, s28;
	s28 =	sadd.s32 $0x20, s28  }
0x57: {  	[tilespmem:s18], [sflag:$0x4] =	stream.linear.gather [hbm4b:s29+s4], $0x80, $0x38;
	[tilespmem:$0x1E900] =	vst v63  }
0x58: {  	_ =	swait.ge [sflag:s21], $0x3E80  }
0x59: {  	[sflag:s21] =	ssyncset.done $0x0  }
0x5a: {  	[sflag:s21] =	ssyncadd.s32 $0xFFFFC180  }
0x5b: {  	_ =	swait.ge [sflag:s22], $0x80  }
0x5c: {  	[sflag:s22] =	ssyncset.done $0x0  }
0x5d: {  	[sflag:s22] =	ssyncadd.s32 $0xFFFFFF80  }
0x5e: {  	[spmem:s3] =	stream.indirect.scatter.add.f32 [tilespmem:s14], [sflag:$0x5], $0x80, s15, s13, $0xb8;
	[tilespmem:$0x1E900] =	vst v63  }
0x5f: {  	_ =	swait.ge [sflag:s12], $0x3E80  }
0x60: {  	[sflag:s12] =	ssyncset.done $0x0  }
0x61: {  	[sflag:s12] =	ssyncadd.s32 $0xFFFFC180  }
0x62: {  	_ =	swait.ge [sflag:s23], $0x3E80  }
0x63: {  	[sflag:s23] =	ssyncset.done $0x0  }
0x64: {  	[sflag:s23] =	ssyncadd.s32 $0xFFFFC180  }
0x65: {  	_ =	swait.ge [sflag:s24], $0x80  }
0x66: {  	[sflag:s24] =	ssyncset.done $0x0  }
0x67: {  	[sflag:s24] =	ssyncadd.s32 $0xFFFFFF80  }
0x68: {  	[spmem:s3] =	stream.indirect.scatter.add.f32 [tilespmem:s17], [sflag:$0x5], $0x80, s18, s13, $0xb8;
	[tilespmem:$0x1E900] =	vst v63  }
0x69: {  	_ =	swait.ge [sflag:s12], $0x3E80  }
0x6a: {  	s25 =	sadd.s32 $0x1, s25;
	[sflag:s12] =	ssyncset.done $0x0  }
0x6b: {  	p0 =	sne.s32 s25, s10;
	[sflag:s12] =	ssyncadd.s32 $0xFFFFC180  }
.Ltmp1:
0x6c: {  	[bflag:$0x0] =	sbarrier.arrive $0xFFFF;
	(pc) =	sbr.rel @p0 .LBB2_1-.Ltmp1, $4  }
0x6d: {  	[hbm:s9], [sflag:s19] =	dma.local [spmem:s20], $0x2800  }
0x6e: {  	_ =	swait.ge [sflag:s12], $0x2800  }
0x6f: {  	[sflag:s12] =	ssyncset.done $0x0  }
0x70: {  	[sflag:s12] =	ssyncadd.s32 $0xFFFFD800  }
0x71: {  	_ =	sfence.sel $0x180000  }
0x72: {  	[bflag:$0x0] =	sbarrier.arrive $0xFFFF  }
0x73: {  	p0 =	sne.s32 s0, $0x0;
	_ =	strace $0x90000050  }
0x74: {  	s0 =	sadd.s32 @!p0 $0x100000, s1;
	[bflag:$0x2] =	sbarrier.arrive $0xFFFF  }
0x75: {  	[sflag:s0] =	ssyncadd.tile.s32 @!p0 $0x1;
	_ =	shalt  }
.Lfunc_end2:
_tile_overlayer_lowered:
.L_overlay_start_2:
0x76: {  	(tag) =	ssettag $0x2  }
0x77: {  	s0 =	rddreg [dreg:$0x0];
	s2 =	stileid.u32  }
0x78: {  	s1 =	rddreg [dreg:$0x1];
	p0 =	sne.s32 s2, $0x0  }
0x79: {  	s3 =	rddreg [dreg:$0x2];
	[bflag:$0x3] =	sbarrier.arrive $0xFFFF;
	s2 =	simm.s32 @!p0 $0x1C05  }
0x7a: {  	[timem:s3], [sflag:s2] =	dma.local @!p0 [hbm:s0], s1  }
0x7b: {  	s0 =	simm.s32 @!p0 $0x5  }
0x7c: {  	_ =	swait.ge @!p0 [sflag:s0], s1  }
0x7d: {  	s1 =	ssub.s32 @!p0 $0x0, s1;
	[sflag:s0] =	ssyncset.done @!p0 $0x0  }
0x7e: {  	[sflag:s0] =	ssyncadd.s32 @!p0 s1  }
0x7f: {  	[bflag:$0x3] =	sbarrier.arrive $0xFFFF  }
0x80: {  	_ =	shalt  }

</sc_bundles>
